<compile_context>
chip_gen: v7x
topology: tpu7x:2x2x1
jax: 0.10.2.dev20260603
libtpu: 0.0.44.dev20260713+nightly
codegen_flags: <defaults>
</compile_context>

<pallas_src>
import functools

import jax
import jax.numpy as jnp
from jax import lax
from jax.experimental import pallas as pl
from jax.experimental.pallas import tpu as pltpu
from jax.experimental.pallas import tpu_sc as plsc

B = 2048
N = 255
NODES = 256
C = 64
W128 = 128
L = 768
TBL = B * NODES

NC, NS = 2, 16
NW = NC * NS
BPW = B // NW

TOT = NODES * C


_BS1 = 16


def _proj_body(x_ref, w01_ref, w2_ref, o_ref):
    xt = jnp.transpose(x_ref[...], (0, 2, 1)).reshape(_BS1 * NODES, C)
    h01 = jnp.dot(xt, w01_ref[...], preferred_element_type=jnp.float32)
    h2 = jnp.dot(xt, w2_ref[...], preferred_element_type=jnp.float32)
    o_ref[0] = h01.reshape(_BS1, NODES, W128)
    o_ref[1] = h2.reshape(_BS1, NODES, W128)


def _proj(x, w01, w2):
    nb = x.shape[0]
    return pl.pallas_call(
        _proj_body,
        grid=(nb // _BS1,),
        in_specs=[
            pl.BlockSpec((_BS1, C, NODES), lambda i: (i, 0, 0)),
            pl.BlockSpec((C, W128), lambda i: (0, 0)),
            pl.BlockSpec((C, W128), lambda i: (0, 0)),
        ],
        out_specs=pl.BlockSpec((2, _BS1, NODES, W128), lambda i: (0, i, 0, 0)),
        out_shape=jax.ShapeDtypeStruct((2, nb, NODES, W128), jnp.float32),
    )(x, w01, w2)



_BS2 = 16


def _ln_stats(g_blk, bias_ref, bs):
    t = g_blk[:, :N, :] + bias_ref[...]
    mu = (jnp.sum(jnp.where(_lane_mask(bs), t, 0.0), axis=(1, 2))
          / TOT)[:, None, None]
    dm = jnp.where(_lane_mask(bs), t - mu, 0.0)
    s2 = jnp.sum(dm * dm, axis=(1, 2))[:, None, None] + C * mu * mu
    inv = 1.0 / (jnp.sqrt(s2 / (TOT - 1)) + 1e-5)
    xn = jnp.maximum(dm * inv, 0.0)
    x0 = jnp.maximum(-mu * inv, 0.0)
    return xn, x0


def _lane_mask(bs):
    return lax.broadcasted_iota(jnp.int32, (bs, N, W128), 2) < C


def _ln_proj_body(g_ref, bias_ref, w01_ref, w2_ref, o_ref):
    xn, x0 = _ln_stats(g_ref[...], bias_ref, _BS2)
    x = jnp.concatenate(
        [jnp.broadcast_to(x0, (_BS2, 1, W128)), xn], axis=1)
    xf = x.reshape(_BS2 * NODES, W128)
    h01 = jnp.dot(xf, w01_ref[...], preferred_element_type=jnp.float32)
    h2 = jnp.dot(xf, w2_ref[...], preferred_element_type=jnp.float32)
    o_ref[0] = h01.reshape(_BS2, NODES, W128)
    o_ref[1] = h2.reshape(_BS2, NODES, W128)


def _ln_proj(g, bias, w01, w2):
    nb = g.shape[0]
    return pl.pallas_call(
        _ln_proj_body,
        grid=(nb // _BS2,),
        in_specs=[
            pl.BlockSpec((_BS2, NODES, W128), lambda i: (i, 0, 0)),
            pl.BlockSpec((1, W128), lambda i: (0, 0)),
            pl.BlockSpec((W128, W128), lambda i: (0, 0)),
            pl.BlockSpec((W128, W128), lambda i: (0, 0)),
        ],
        out_specs=pl.BlockSpec((2, _BS2, NODES, W128), lambda i: (0, i, 0, 0)),
        out_shape=jax.ShapeDtypeStruct((2, nb, NODES, W128), jnp.float32),
    )(g, bias, w01, w2)



_BS3 = 64


def _ln_pool_body(g_ref, bias_ref, o_ref):
    xn, x0 = _ln_stats(g_ref[...], bias_ref, _BS3)
    m = jnp.maximum(jnp.max(xn, axis=1), x0[:, 0, :])
    o_ref[...] = m[:, :C]


def _ln_pool(g, bias):
    nb = g.shape[0]
    return pl.pallas_call(
        _ln_pool_body,
        grid=(nb // _BS3,),
        in_specs=[
            pl.BlockSpec((_BS3, NODES, W128), lambda i: (i, 0, 0)),
            pl.BlockSpec((1, W128), lambda i: (0, 0)),
        ],
        out_specs=pl.BlockSpec((_BS3, C), lambda i: (i, 0)),
        out_shape=jax.ShapeDtypeStruct((nb, C), jnp.float32),
    )(g, bias)



_mesh = plsc.VectorSubcoreMesh(core_axis_name="c", subcore_axis_name="s")


def _make_gather_sum(nb):
  bpw = nb // NW

  @functools.partial(
      pl.kernel,
      out_type=jax.ShapeDtypeStruct((nb, NODES, W128), jnp.float32),
      mesh=_mesh,
      scratch_types=[
          pltpu.VMEM((2, 6, 128), jnp.int32),
          pltpu.VMEM((2, 384, W128), jnp.float32),
          pltpu.VMEM((128, W128), jnp.float32),
          pltpu.SemaphoreType.DMA,
          pltpu.SemaphoreType.DMA,
          pltpu.SemaphoreType.DMA,
          pltpu.SemaphoreType.DMA,
      ],
      compiler_params=pltpu.CompilerParams(use_tc_tiling_on_sc=False),
  )
  def _gather_sum(table_hbm, idx_hbm, out_hbm, idx_v, buf_v, ost_v,
                  g0, g1, isem, osem):
    wid = lax.axis_index("s") * NC + lax.axis_index("c")
    b0 = wid * bpw
    gsem = (g0, g1)

    def fire_idx(i):
        pltpu.async_copy(idx_hbm.at[pl.ds((b0 + i) * 6, 6)],
                         idx_v.at[i % 2], isem)

    def fire_half(i, q):
        for s in range(3):
            pltpu.async_copy(
                table_hbm.at[idx_v.at[i % 2, 2 * s + q]],
                buf_v.at[q, pl.ds(s * 128, 128)], gsem[q])

    def drain_half(q):
        pltpu.make_async_copy(table_hbm.at[pl.ds(0, 384)],
                              buf_v.at[q], gsem[q]).wait()

    def drain_idx(i):
        pltpu.make_async_copy(idx_hbm.at[pl.ds(0, 6)],
                              idx_v.at[i % 2], isem).wait()

    def drain_out():
        pltpu.make_async_copy(out_hbm.at[0, pl.ds(0, 128)],
                              ost_v, osem).wait()

    def add_half(q):
        def ab(m, c2):
            for j in range(C // 16):
                sl = pl.ds(j * 16, 16)
                sl1 = pl.ds(C + j * 16, 16)
                ost_v[m, sl] = (buf_v[q, m, sl]
                                + buf_v[q, 128 + m, sl1]
                                + buf_v[q, 256 + m, sl])
            return c2
        lax.fori_loop(0, 128, ab, 0)

    pltpu.sync_copy(idx_hbm.at[pl.ds(b0 * 6, 6)], idx_v.at[0])
    fire_half(0, 0)
    fire_half(0, 1)

    @pl.when(bpw > 1)
    def _():
        fire_idx(1)

    def body(i, carry):
        b = b0 + i
        drain_half(0)

        @pl.when(i > 0)
        def _():
            drain_out()
        add_half(0)
        pltpu.async_copy(ost_v, out_hbm.at[b, pl.ds(0, 128)], osem)

        @pl.when(i < bpw - 1)
        def _():
            drain_idx(i + 1)
            fire_half(i + 1, 0)

        drain_half(1)

        @pl.when(i < bpw - 2)
        def _():
            fire_idx(i + 2)
        drain_out()
        add_half(1)
        pltpu.async_copy(ost_v, out_hbm.at[b, pl.ds(128, 128)], osem)

        @pl.when(i < bpw - 1)
        def _():
            fire_half(i + 1, 1)
        return carry

    lax.fori_loop(0, bpw, body, 0)
    drain_out()

  return _gather_sum




def _pack_w(Wt):
    w = jnp.transpose(Wt, (2, 1, 0))
    z = jnp.zeros((3, C, C), w.dtype)
    w01 = jnp.concatenate([w[0], w[1]], axis=1)
    w2 = jnp.concatenate([w[2], z[0]], axis=1)
    pad = jnp.zeros((C, W128), w.dtype)
    w01f = jnp.concatenate([w01, pad], axis=0)
    w2f = jnp.concatenate([w2, pad], axis=0)
    return w01, w2, w01f, w2f


_gather_sum_full = _make_gather_sum(B)


def _build_idx(children, nb):
    ch = children[:, :, 0].reshape(nb, N, 3)
    chk = jnp.pad(jnp.transpose(ch, (0, 2, 1)), ((0, 0), (0, 0), (0, 1)))
    kk = jnp.array([0, 0, nb * NODES], jnp.int32).reshape(1, 3, 1)
    boff = (jnp.arange(nb, dtype=jnp.int32) * NODES).reshape(nb, 1, 1)
    return (chk + kk + boff).reshape(nb * 6, 128)


def kernel(node_feats, children, W1, b1, W2, b2):
    w01a, w2a, _, _ = _pack_w(W1)
    _, _, w01b, w2b = _pack_w(W2)
    b1p = jnp.pad(b1.reshape(1, C), ((0, 0), (0, C)))
    b2p = jnp.pad(b2.reshape(1, C), ((0, 0), (0, C)))

    idx = _build_idx(children, B)
    h1 = _proj(node_feats, w01a, w2a)
    g1 = _gather_sum_full(h1.reshape(2 * TBL, W128), idx)
    h2 = _ln_proj(g1, b1p, w01b, w2b)
    g2 = _gather_sum_full(h2.reshape(2 * TBL, W128), idx)
    return _ln_pool(g2, b2p)

# --- scband reference (transcript-rebuilt; emitter-appended) ---
"""Pipeline reference for scband-tree-encoder-11751030522623 (READ-ONLY COPY).

The authoritative reference and input builder live on the scoring server;
editing this copy changes nothing except your own understanding.
"""

import jax, jax.numpy as jnp
import numpy as np

B = 2048
N = 255
IN_DIM = 64
HID = 64


def tree_conv(trees, idxes, W, b):
    # trees: [B, C, N+1], idxes: [B, 3N, 1], W: [O, C, 3], b: [O]
    Bb, C, _ = trees.shape
    L = idxes.shape[1]
    idx = jnp.broadcast_to(idxes, (Bb, L, C)).transpose(0, 2, 1)  # [B, C, 3N]
    expanded = jnp.take_along_axis(trees, idx, axis=2)            # gather: [B, C, 3N]
    n = L // 3
    e = expanded.reshape(Bb, C, n, 3)
    out = jnp.einsum('bcnk,ock->bon', e, W) + b[None, :, None]    # conv1d k=3, s=3
    zero = jnp.zeros((Bb, W.shape[0], 1), dtype=out.dtype)
    return jnp.concatenate([zero, out], axis=2)                   # [B, O, N+1]


def tree_layer_norm(data):
    mean = jnp.mean(data, axis=(1, 2), keepdims=True)
    std = jnp.std(data, axis=(1, 2), ddof=1, keepdims=True)
    return (data - mean) / (std + 0.00001)


def setup_inputs(seed: int = 0):
    key = jax.random.key(seed)
    k1, k2, k3, k4, k5, k6 = jax.random.split(key, 6)
    node_feats = jax.random.normal(k1, (B, IN_DIM, N + 1), dtype=jnp.float32)
    children = jax.random.randint(k2, (B, 3 * N, 1), 0, N + 1, dtype=jnp.int32)
    W1 = jax.random.normal(k3, (HID, IN_DIM, 3), dtype=jnp.float32) * 0.05
    b1 = jax.random.normal(k4, (HID,), dtype=jnp.float32) * 0.05
    W2 = jax.random.normal(k5, (HID, HID, 3), dtype=jnp.float32) * 0.05
    b2 = jax.random.normal(k6, (HID,), dtype=jnp.float32) * 0.05
    return {"node_feats": node_feats, "children": children, "W1": W1, "b1": b1, "W2": W2, "b2": b2}


def reference(node_feats, children, W1, b1, W2, b2):
    x = tree_conv(node_feats, children, W1, b1)
    x = jax.nn.relu(tree_layer_norm(x))
    x = tree_conv(x, children, W2, b2)
    x = jax.nn.relu(tree_layer_norm(x))  # dropout is identity in eval mode
    pooled = jnp.max(x, axis=2)          # DynamicPooling: [B, HID]
    return pooled

if __name__ == "__main__":
    import jax
    _d = setup_inputs()
    print(jax.jit(kernel)(*tuple(_d.values())))

</pallas_src>

<mosaic_0001>
#map = affine_map<(d0, d1) -> (0, 0)>
#map1 = affine_map<(d0, d1) -> (0, 0, 0)>
module attributes {stable_mosaic.version = 14 : i64} {
  func.func @_gather_sum(%arg0: i32, %arg1: i32, %arg2: memref<1048576x128xf32, #tpu.memory_space<hbm>>, %arg3: memref<12288x128xi32, #tpu.memory_space<hbm>>, %arg4: memref<2048x256x128xf32, #tpu.memory_space<hbm>>, %arg5: memref<2x6x128xi32, #tpu.memory_space<vmem>>, %arg6: memref<2x384x128xf32, #tpu.memory_space<vmem>>, %arg7: memref<128x128xf32, #tpu.memory_space<vmem>>, %arg8: memref<!tpu.dma_semaphore, #tpu.memory_space<semaphore_mem>>, %arg9: memref<!tpu.dma_semaphore, #tpu.memory_space<semaphore_mem>>, %arg10: memref<!tpu.dma_semaphore, #tpu.memory_space<semaphore_mem>>, %arg11: memref<!tpu.dma_semaphore, #tpu.memory_space<semaphore_mem>>) attributes {dimension_semantics = [#tpu.dimension_semantics<core_parallel>, #tpu.dimension_semantics<subcore_parallel>], iteration_bounds = array<i64: 2, 16>, scalar_prefetch = 0 : i64, scratch_operands = 7 : i64, tpu.core_type = #tpu.core_type<sc_vector_subcore>, window_params = [{transform_indices = #map}, {transform_indices = #map}, {transform_indices = #map1}]} {
    %mul3A = arith.constant 2 : i32
    %mul3A_0 = arith.muli %arg1, %mul3A : i32
    %add3A = arith.addi %mul3A_0, %arg0 : i32
    %mul3A_1 = arith.constant 64 : i32
    %mul3A_2 = arith.muli %add3A, %mul3A_1 : i32
    %mul3A_3 = arith.constant 6 : i32
    %mul3A_4 = arith.muli %mul3A_2, %mul3A_3 : i32
    %run_scoped3A = arith.constant 0 : i32
    "tpu.region"() ({
      %run_scoped3A_112 = tpu.sem_alloc : memref<!tpu.dma_semaphore, #tpu.memory_space<semaphore_mem>>
      %dma_start3A_113 = arith.constant 0 : i32
      %dma_start3A_114 = arith.constant 0 : i32
      %dma_start3A_115 = tpu.memref_slice %arg5[%run_scoped3A, %dma_start3A_113, %dma_start3A_114] : memref<2x6x128xi32, #tpu.memory_space<vmem>> -> memref<1x6x128xi32, #tpu.memory_space<vmem>>
      %dma_start3A_116 = tpu.memref_squeeze %dma_start3A_115 : memref<1x6x128xi32, #tpu.memory_space<vmem>> -> memref<6x128xi32, #tpu.memory_space<vmem>>
      %dma_start3A_117 = arith.constant 0 : i32
      %dma_start3A_118 = tpu.memref_slice %arg3[%mul3A_4, %dma_start3A_117] : memref<12288x128xi32, #tpu.memory_space<hbm>> -> memref<6x128xi32, #tpu.memory_space<hbm>>
      %dma_start3A_119 = arith.constant 0 : i32
      %dma_start3A_120 = arith.constant 0 : i32
      %dma_start3A_121 = tpu.memref_slice %arg5[%run_scoped3A, %dma_start3A_119, %dma_start3A_120] : memref<2x6x128xi32, #tpu.memory_space<vmem>> -> memref<1x6x128xi32, #tpu.memory_space<vmem>>
      %dma_start3A_122 = tpu.memref_squeeze %dma_start3A_121 : memref<1x6x128xi32, #tpu.memory_space<vmem>> -> memref<6x128xi32, #tpu.memory_space<vmem>>
      %dma_start3A_123 = arith.constant 0 : i32
      %dma_start3A_124 = tpu.memref_slice %arg3[%mul3A_4, %dma_start3A_123] : memref<12288x128xi32, #tpu.memory_space<hbm>> -> memref<6x128xi32, #tpu.memory_space<hbm>>
      tpu.enqueue_dma source(%dma_start3A_124 : memref<6x128xi32, #tpu.memory_space<hbm>>) target(%dma_start3A_122 : memref<6x128xi32, #tpu.memory_space<vmem>>) target_semaphore(%run_scoped3A_112 : memref<!tpu.dma_semaphore, #tpu.memory_space<semaphore_mem>>)
      %dma_wait3A_125 = arith.constant 0 : i32
      %dma_wait3A_126 = arith.constant 0 : i32
      %dma_wait3A_127 = tpu.memref_slice %arg5[%run_scoped3A, %dma_wait3A_125, %dma_wait3A_126] : memref<2x6x128xi32, #tpu.memory_space<vmem>> -> memref<1x6x128xi32, #tpu.memory_space<vmem>>
      %dma_wait3A_128 = tpu.memref_squeeze %dma_wait3A_127 : memref<1x6x128xi32, #tpu.memory_space<vmem>> -> memref<6x128xi32, #tpu.memory_space<vmem>>
      %dma_wait3A_129 = arith.constant 0 : i32
      %dma_wait3A_130 = tpu.memref_slice %arg3[%mul3A_4, %dma_wait3A_129] : memref<12288x128xi32, #tpu.memory_space<hbm>> -> memref<6x128xi32, #tpu.memory_space<hbm>>
      %dma_wait3A_131 = arith.constant 0 : i32
      %dma_wait3A_132 = arith.constant 0 : i32
      %dma_wait3A_133 = tpu.memref_slice %arg5[%run_scoped3A, %dma_wait3A_131, %dma_wait3A_132] : memref<2x6x128xi32, #tpu.memory_space<vmem>> -> memref<1x6x128xi32, #tpu.memory_space<vmem>>
      %dma_wait3A_134 = tpu.memref_squeeze %dma_wait3A_133 : memref<1x6x128xi32, #tpu.memory_space<vmem>> -> memref<6x128xi32, #tpu.memory_space<vmem>>
      %dma_wait3A_135 = arith.constant 0 : i32
      %dma_wait3A_136 = tpu.memref_slice %arg3[%mul3A_4, %dma_wait3A_135] : memref<12288x128xi32, #tpu.memory_space<hbm>> -> memref<6x128xi32, #tpu.memory_space<hbm>>
      tpu.wait_dma2 semaphore(%run_scoped3A_112 : memref<!tpu.dma_semaphore, #tpu.memory_space<semaphore_mem>>) src(%dma_wait3A_136 : memref<6x128xi32, #tpu.memory_space<hbm>>) dst(%dma_wait3A_134 : memref<6x128xi32, #tpu.memory_space<vmem>>)
      tpu.yield
    }) : () -> ()
    %dma_start3A = arith.constant 0 : i32
    %dma_start3A_5 = arith.constant 0 : i32
    %dma_start3A_6 = arith.constant 0 : i32
    %dma_start3A_7 = arith.constant 0 : i32
    %dma_start3A_8 = arith.constant 0 : i32
    %dma_start3A_9 = tpu.memref_slice %arg6[%dma_start3A_6, %dma_start3A_7, %dma_start3A_8] : memref<2x384x128xf32, #tpu.memory_space<vmem>> -> memref<1x128x128xf32, #tpu.memory_space<vmem>>
    %dma_start3A_10 = tpu.memref_squeeze %dma_start3A_9 : memref<1x128x128xf32, #tpu.memory_space<vmem>> -> memref<128x128xf32, #tpu.memory_space<vmem>>
    %dma_start3A_11 = arith.constant 0 : i32
    %dma_start3A_12 = tpu.memref_slice %arg5[%dma_start3A, %dma_start3A_5, %dma_start3A_11] : memref<2x6x128xi32, #tpu.memory_space<vmem>> -> memref<1x1x128xi32, #tpu.memory_space<vmem>>
    %dma_start3A_13 = tpu.memref_squeeze %dma_start3A_12 : memref<1x1x128xi32, #tpu.memory_space<vmem>> -> memref<128xi32, #tpu.memory_space<vmem>>
    %dma_start3A_14 = arith.constant 0 : i32
    %dma_start3A_15 = arith.constant 0 : i32
    %dma_start3A_16 = tpu.memref_slice %arg2[%dma_start3A_14, %dma_start3A_15] : memref<1048576x128xf32, #tpu.memory_space<hbm>> -> memref<1048576x128xf32, #tpu.memory_space<hbm>>
    tpu.enqueue_indirect_dma source(%dma_start3A_16 : memref<1048576x128xf32, #tpu.memory_space<hbm>>) target(%dma_start3A_10 : memref<128x128xf32, #tpu.memory_space<vmem>>) offsets(%dma_start3A_13 : memref<128xi32, #tpu.memory_space<vmem>>) semaphore(%arg8 : memref<!tpu.dma_semaphore, #tpu.memory_space<semaphore_mem>>)
    %dma_start3A_17 = arith.constant 0 : i32
    %dma_start3A_18 = arith.constant 2 : i32
    %dma_start3A_19 = arith.constant 0 : i32
    %dma_start3A_20 = arith.constant 128 : i32
    %dma_start3A_21 = arith.constant 0 : i32
    %dma_start3A_22 = tpu.memref_slice %arg6[%dma_start3A_19, %dma_start3A_20, %dma_start3A_21] : memref<2x384x128xf32, #tpu.memory_space<vmem>> -> memref<1x128x128xf32, #tpu.memory_space<vmem>>
    %dma_start3A_23 = tpu.memref_squeeze %dma_start3A_22 : memref<1x128x128xf32, #tpu.memory_space<vmem>> -> memref<128x128xf32, #tpu.memory_space<vmem>>
    %dma_start3A_24 = arith.constant 0 : i32
    %dma_start3A_25 = tpu.memref_slice %arg5[%dma_start3A_17, %dma_start3A_18, %dma_start3A_24] : memref<2x6x128xi32, #tpu.memory_space<vmem>> -> memref<1x1x128xi32, #tpu.memory_space<vmem>>
    %dma_start3A_26 = tpu.memref_squeeze %dma_start3A_25 : memref<1x1x128xi32, #tpu.memory_space<vmem>> -> memref<128xi32, #tpu.memory_space<vmem>>
    %dma_start3A_27 = arith.constant 0 : i32
    %dma_start3A_28 = arith.constant 0 : i32
    %dma_start3A_29 = tpu.memref_slice %arg2[%dma_start3A_27, %dma_start3A_28] : memref<1048576x128xf32, #tpu.memory_space<hbm>> -> memref<1048576x128xf32, #tpu.memory_space<hbm>>
    tpu.enqueue_indirect_dma source(%dma_start3A_29 : memref<1048576x128xf32, #tpu.memory_space<hbm>>) target(%dma_start3A_23 : memref<128x128xf32, #tpu.memory_space<vmem>>) offsets(%dma_start3A_26 : memref<128xi32, #tpu.memory_space<vmem>>) semaphore(%arg8 : memref<!tpu.dma_semaphore, #tpu.memory_space<semaphore_mem>>)
    %dma_start3A_30 = arith.constant 0 : i32
    %dma_start3A_31 = arith.constant 4 : i32
    %dma_start3A_32 = arith.constant 0 : i32
    %dma_start3A_33 = arith.constant 256 : i32
    %dma_start3A_34 = arith.constant 0 : i32
    %dma_start3A_35 = tpu.memref_slice %arg6[%dma_start3A_32, %dma_start3A_33, %dma_start3A_34] : memref<2x384x128xf32, #tpu.memory_space<vmem>> -> memref<1x128x128xf32, #tpu.memory_space<vmem>>
    %dma_start3A_36 = tpu.memref_squeeze %dma_start3A_35 : memref<1x128x128xf32, #tpu.memory_space<vmem>> -> memref<128x128xf32, #tpu.memory_space<vmem>>
    %dma_start3A_37 = arith.constant 0 : i32
    %dma_start3A_38 = tpu.memref_slice %arg5[%dma_start3A_30, %dma_start3A_31, %dma_start3A_37] : memref<2x6x128xi32, #tpu.memory_space<vmem>> -> memref<1x1x128xi32, #tpu.memory_space<vmem>>
    %dma_start3A_39 = tpu.memref_squeeze %dma_start3A_38 : memref<1x1x128xi32, #tpu.memory_space<vmem>> -> memref<128xi32, #tpu.memory_space<vmem>>
    %dma_start3A_40 = arith.constant 0 : i32
    %dma_start3A_41 = arith.constant 0 : i32
    %dma_start3A_42 = tpu.memref_slice %arg2[%dma_start3A_40, %dma_start3A_41] : memref<1048576x128xf32, #tpu.memory_space<hbm>> -> memref<1048576x128xf32, #tpu.memory_space<hbm>>
    tpu.enqueue_indirect_dma source(%dma_start3A_42 : memref<1048576x128xf32, #tpu.memory_space<hbm>>) target(%dma_start3A_36 : memref<128x128xf32, #tpu.memory_space<vmem>>) offsets(%dma_start3A_39 : memref<128xi32, #tpu.memory_space<vmem>>) semaphore(%arg8 : memref<!tpu.dma_semaphore, #tpu.memory_space<semaphore_mem>>)
    %dma_start3A_43 = arith.constant 0 : i32
    %dma_start3A_44 = arith.constant 1 : i32
    %dma_start3A_45 = arith.constant 1 : i32
    %dma_start3A_46 = arith.constant 0 : i32
    %dma_start3A_47 = arith.constant 0 : i32
    %dma_start3A_48 = tpu.memref_slice %arg6[%dma_start3A_45, %dma_start3A_46, %dma_start3A_47] : memref<2x384x128xf32, #tpu.memory_space<vmem>> -> memref<1x128x128xf32, #tpu.memory_space<vmem>>
    %dma_start3A_49 = tpu.memref_squeeze %dma_start3A_48 : memref<1x128x128xf32, #tpu.memory_space<vmem>> -> memref<128x128xf32, #tpu.memory_space<vmem>>
    %dma_start3A_50 = arith.constant 0 : i32
    %dma_start3A_51 = tpu.memref_slice %arg5[%dma_start3A_43, %dma_start3A_44, %dma_start3A_50] : memref<2x6x128xi32, #tpu.memory_space<vmem>> -> memref<1x1x128xi32, #tpu.memory_space<vmem>>
    %dma_start3A_52 = tpu.memref_squeeze %dma_start3A_51 : memref<1x1x128xi32, #tpu.memory_space<vmem>> -> memref<128xi32, #tpu.memory_space<vmem>>
    %dma_start3A_53 = arith.constant 0 : i32
    %dma_start3A_54 = arith.constant 0 : i32
    %dma_start3A_55 = tpu.memref_slice %arg2[%dma_start3A_53, %dma_start3A_54] : memref<1048576x128xf32, #tpu.memory_space<hbm>> -> memref<1048576x128xf32, #tpu.memory_space<hbm>>
    tpu.enqueue_indirect_dma source(%dma_start3A_55 : memref<1048576x128xf32, #tpu.memory_space<hbm>>) target(%dma_start3A_49 : memref<128x128xf32, #tpu.memory_space<vmem>>) offsets(%dma_start3A_52 : memref<128xi32, #tpu.memory_space<vmem>>) semaphore(%arg9 : memref<!tpu.dma_semaphore, #tpu.memory_space<semaphore_mem>>)
    %dma_start3A_56 = arith.constant 0 : i32
    %dma_start3A_57 = arith.constant 3 : i32
    %dma_start3A_58 = arith.constant 1 : i32
    %dma_start3A_59 = arith.constant 128 : i32
    %dma_start3A_60 = arith.constant 0 : i32
    %dma_start3A_61 = tpu.memref_slice %arg6[%dma_start3A_58, %dma_start3A_59, %dma_start3A_60] : memref<2x384x128xf32, #tpu.memory_space<vmem>> -> memref<1x128x128xf32, #tpu.memory_space<vmem>>
    %dma_start3A_62 = tpu.memref_squeeze %dma_start3A_61 : memref<1x128x128xf32, #tpu.memory_space<vmem>> -> memref<128x128xf32, #tpu.memory_space<vmem>>
    %dma_start3A_63 = arith.constant 0 : i32
    %dma_start3A_64 = tpu.memref_slice %arg5[%dma_start3A_56, %dma_start3A_57, %dma_start3A_63] : memref<2x6x128xi32, #tpu.memory_space<vmem>> -> memref<1x1x128xi32, #tpu.memory_space<vmem>>
    %dma_start3A_65 = tpu.memref_squeeze %dma_start3A_64 : memref<1x1x128xi32, #tpu.memory_space<vmem>> -> memref<128xi32, #tpu.memory_space<vmem>>
    %dma_start3A_66 = arith.constant 0 : i32
    %dma_start3A_67 = arith.constant 0 : i32
    %dma_start3A_68 = tpu.memref_slice %arg2[%dma_start3A_66, %dma_start3A_67] : memref<1048576x128xf32, #tpu.memory_space<hbm>> -> memref<1048576x128xf32, #tpu.memory_space<hbm>>
    tpu.enqueue_indirect_dma source(%dma_start3A_68 : memref<1048576x128xf32, #tpu.memory_space<hbm>>) target(%dma_start3A_62 : memref<128x128xf32, #tpu.memory_space<vmem>>) offsets(%dma_start3A_65 : memref<128xi32, #tpu.memory_space<vmem>>) semaphore(%arg9 : memref<!tpu.dma_semaphore, #tpu.memory_space<semaphore_mem>>)
    %dma_start3A_69 = arith.constant 0 : i32
    %dma_start3A_70 = arith.constant 5 : i32
    %dma_start3A_71 = arith.constant 1 : i32
    %dma_start3A_72 = arith.constant 256 : i32
    %dma_start3A_73 = arith.constant 0 : i32
    %dma_start3A_74 = tpu.memref_slice %arg6[%dma_start3A_71, %dma_start3A_72, %dma_start3A_73] : memref<2x384x128xf32, #tpu.memory_space<vmem>> -> memref<1x128x128xf32, #tpu.memory_space<vmem>>
    %dma_start3A_75 = tpu.memref_squeeze %dma_start3A_74 : memref<1x128x128xf32, #tpu.memory_space<vmem>> -> memref<128x128xf32, #tpu.memory_space<vmem>>
    %dma_start3A_76 = arith.constant 0 : i32
    %dma_start3A_77 = tpu.memref_slice %arg5[%dma_start3A_69, %dma_start3A_70, %dma_start3A_76] : memref<2x6x128xi32, #tpu.memory_space<vmem>> -> memref<1x1x128xi32, #tpu.memory_space<vmem>>
    %dma_start3A_78 = tpu.memref_squeeze %dma_start3A_77 : memref<1x1x128xi32, #tpu.memory_space<vmem>> -> memref<128xi32, #tpu.memory_space<vmem>>
    %dma_start3A_79 = arith.constant 0 : i32
    %dma_start3A_80 = arith.constant 0 : i32
    %dma_start3A_81 = tpu.memref_slice %arg2[%dma_start3A_79, %dma_start3A_80] : memref<1048576x128xf32, #tpu.memory_space<hbm>> -> memref<1048576x128xf32, #tpu.memory_space<hbm>>
    tpu.enqueue_indirect_dma source(%dma_start3A_81 : memref<1048576x128xf32, #tpu.memory_space<hbm>>) target(%dma_start3A_75 : memref<128x128xf32, #tpu.memory_space<vmem>>) offsets(%dma_start3A_78 : memref<128xi32, #tpu.memory_space<vmem>>) semaphore(%arg9 : memref<!tpu.dma_semaphore, #tpu.memory_space<semaphore_mem>>)
    %add3A_82 = arith.constant 1 : i32
    %add3A_83 = arith.addi %mul3A_2, %add3A_82 : i32
    %mul3A_84 = arith.constant 6 : i32
    %mul3A_85 = arith.muli %add3A_83, %mul3A_84 : i32
    %dma_start3A_86 = arith.constant 1 : i32
    %dma_start3A_87 = arith.constant 0 : i32
    %dma_start3A_88 = arith.constant 0 : i32
    %dma_start3A_89 = tpu.memref_slice %arg5[%dma_start3A_86, %dma_start3A_87, %dma_start3A_88] : memref<2x6x128xi32, #tpu.memory_space<vmem>> -> memref<1x6x128xi32, #tpu.memory_space<vmem>>
    %dma_start3A_90 = tpu.memref_squeeze %dma_start3A_89 : memref<1x6x128xi32, #tpu.memory_space<vmem>> -> memref<6x128xi32, #tpu.memory_space<vmem>>
    %dma_start3A_91 = arith.constant 0 : i32
    %dma_start3A_92 = tpu.memref_slice %arg3[%mul3A_85, %dma_start3A_91] : memref<12288x128xi32, #tpu.memory_space<hbm>> -> memref<6x128xi32, #tpu.memory_space<hbm>>
    %dma_start3A_93 = arith.constant 0 : i32
    %dma_start3A_94 = arith.constant 0 : i32
    %dma_start3A_95 = tpu.memref_slice %arg5[%dma_start3A_86, %dma_start3A_93, %dma_start3A_94] : memref<2x6x128xi32, #tpu.memory_space<vmem>> -> memref<1x6x128xi32, #tpu.memory_space<vmem>>
    %dma_start3A_96 = tpu.memref_squeeze %dma_start3A_95 : memref<1x6x128xi32, #tpu.memory_space<vmem>> -> memref<6x128xi32, #tpu.memory_space<vmem>>
    %dma_start3A_97 = arith.constant 0 : i32
    %dma_start3A_98 = tpu.memref_slice %arg3[%mul3A_85, %dma_start3A_97] : memref<12288x128xi32, #tpu.memory_space<hbm>> -> memref<6x128xi32, #tpu.memory_space<hbm>>
    tpu.enqueue_dma source(%dma_start3A_98 : memref<6x128xi32, #tpu.memory_space<hbm>>) target(%dma_start3A_96 : memref<6x128xi32, #tpu.memory_space<vmem>>) target_semaphore(%arg10 : memref<!tpu.dma_semaphore, #tpu.memory_space<semaphore_mem>>)
    %scan3A = arith.constant 0 : i32
    %scan3A_99 = arith.constant 0 : i32
    %scan3A_100 = arith.constant 64 : i32
    %scan3A_101 = arith.addi %scan3A_99, %scan3A_100 : i32
    %scan3A_102 = arith.constant 1 : i32
    scf.for %scan3A_112 = %scan3A_99 to %scan3A_101 step %scan3A_102  : i32 {
      %add3A_113 = arith.addi %mul3A_2, %scan3A_112 : i32
      %dma_wait3A_114 = arith.constant 0 : i32
      %dma_wait3A_115 = arith.constant 0 : i32
      %dma_wait3A_116 = arith.constant 0 : i32
      %dma_wait3A_117 = tpu.memref_slice %arg6[%dma_wait3A_114, %dma_wait3A_115, %dma_wait3A_116] : memref<2x384x128xf32, #tpu.memory_space<vmem>> -> memref<1x384x128xf32, #tpu.memory_space<vmem>>
      %dma_wait3A_118 = tpu.memref_squeeze %dma_wait3A_117 : memref<1x384x128xf32, #tpu.memory_space<vmem>> -> memref<384x128xf32, #tpu.memory_space<vmem>>
      %dma_wait3A_119 = arith.constant 0 : i32
      %dma_wait3A_120 = arith.constant 0 : i32
      %dma_wait3A_121 = tpu.memref_slice %arg2[%dma_wait3A_119, %dma_wait3A_120] : memref<1048576x128xf32, #tpu.memory_space<hbm>> -> memref<384x128xf32, #tpu.memory_space<hbm>>
      %dma_wait3A_122 = arith.constant 0 : i32
      %dma_wait3A_123 = arith.constant 0 : i32
      %dma_wait3A_124 = tpu.memref_slice %arg6[%dma_wait3A_114, %dma_wait3A_122, %dma_wait3A_123] : memref<2x384x128xf32, #tpu.memory_space<vmem>> -> memref<1x384x128xf32, #tpu.memory_space<vmem>>
      %dma_wait3A_125 = tpu.memref_squeeze %dma_wait3A_124 : memref<1x384x128xf32, #tpu.memory_space<vmem>> -> memref<384x128xf32, #tpu.memory_space<vmem>>
      %dma_wait3A_126 = arith.constant 0 : i32
      %dma_wait3A_127 = arith.constant 0 : i32
      %dma_wait3A_128 = tpu.memref_slice %arg2[%dma_wait3A_126, %dma_wait3A_127] : memref<1048576x128xf32, #tpu.memory_space<hbm>> -> memref<384x128xf32, #tpu.memory_space<hbm>>
      tpu.wait_dma2 semaphore(%arg8 : memref<!tpu.dma_semaphore, #tpu.memory_space<semaphore_mem>>) src(%dma_wait3A_128 : memref<384x128xf32, #tpu.memory_space<hbm>>) dst(%dma_wait3A_125 : memref<384x128xf32, #tpu.memory_space<vmem>>)
      %gt3A = arith.constant 0 : i32
      %gt3A_129 = arith.cmpi sgt, %scan3A_112, %gt3A : i32
      %convert_element_type3A = arith.extui %gt3A_129 : i1 to i32
      %cond3A = arith.constant 0 : i32
      %cond3A_130 = arith.cmpi ne, %convert_element_type3A, %cond3A : i32
      scf.if %cond3A_130 {
        %dma_wait3A_197 = arith.constant 0 : i32
        %dma_wait3A_198 = arith.constant 0 : i32
        %dma_wait3A_199 = arith.constant 0 : i32
        %dma_wait3A_200 = tpu.memref_slice %arg4[%dma_wait3A_197, %dma_wait3A_198, %dma_wait3A_199] : memref<2048x256x128xf32, #tpu.memory_space<hbm>> -> memref<1x128x128xf32, #tpu.memory_space<hbm>>
        %dma_wait3A_201 = tpu.memref_squeeze %dma_wait3A_200 : memref<1x128x128xf32, #tpu.memory_space<hbm>> -> memref<128x128xf32, #tpu.memory_space<hbm>>
        %dma_wait3A_202 = arith.constant 0 : i32
        %dma_wait3A_203 = arith.constant 0 : i32
        %dma_wait3A_204 = tpu.memref_slice %arg4[%dma_wait3A_197, %dma_wait3A_202, %dma_wait3A_203] : memref<2048x256x128xf32, #tpu.memory_space<hbm>> -> memref<1x128x128xf32, #tpu.memory_space<hbm>>
        %dma_wait3A_205 = tpu.memref_squeeze %dma_wait3A_204 : memref<1x128x128xf32, #tpu.memory_space<hbm>> -> memref<128x128xf32, #tpu.memory_space<hbm>>
        tpu.wait_dma2 semaphore(%arg11 : memref<!tpu.dma_semaphore, #tpu.memory_space<semaphore_mem>>) src(%dma_wait3A_205 : memref<128x128xf32, #tpu.memory_space<hbm>>) dst(%arg7 : memref<128x128xf32, #tpu.memory_space<vmem>>)
      } else {
      }
      %scan3A_131 = arith.constant 0 : i32
      %scan3A_132 = arith.constant 0 : i32
      %scan3A_133 = arith.constant 128 : i32
      %scan3A_134 = arith.addi %scan3A_132, %scan3A_133 : i32
      %scan3A_135 = arith.constant 1 : i32
      scf.for %scan3A_197 = %scan3A_132 to %scan3A_134 step %scan3A_135  : i32 {
        %get3A = arith.constant 0 : i32
        %get3A_198 = arith.index_cast %get3A : i32 to index
        %get3A_199 = arith.index_cast %scan3A_197 : i32 to index
        %get3A_200 = arith.constant 0 : index
        %get3A_201 = tpu.vector_load %arg6[%get3A_198, %get3A_199, %get3A_200] {strides = array<i32>} : memref<2x384x128xf32, #tpu.memory_space<vmem>>, vector<1x1x16xf32>,
        %get3A_202 = vector.shape_cast %get3A_201 : vector<1x1x16xf32> to vector<16xf32>
        %add3A_203 = arith.constant 128 : i32
        %add3A_204 = arith.addi %add3A_203, %scan3A_197 : i32
        %get3A_205 = arith.constant 0 : i32
        %get3A_206 = arith.index_cast %get3A_205 : i32 to index
        %get3A_207 = arith.index_cast %add3A_204 : i32 to index
        %get3A_208 = arith.constant 64 : index
        %get3A_209 = tpu.vector_load %arg6[%get3A_206, %get3A_207, %get3A_208] {strides = array<i32>} : memref<2x384x128xf32, #tpu.memory_space<vmem>>, vector<1x1x16xf32>,
        %get3A_210 = vector.shape_cast %get3A_209 : vector<1x1x16xf32> to vector<16xf32>
        %add3A_211 = arith.addf %get3A_202, %get3A_210 : vector<16xf32>
        %add3A_212 = arith.constant 256 : i32
        %add3A_213 = arith.addi %add3A_212, %scan3A_197 : i32
        %get3A_214 = arith.constant 0 : i32
        %get3A_215 = arith.index_cast %get3A_214 : i32 to index
        %get3A_216 = arith.index_cast %add3A_213 : i32 to index
        %get3A_217 = arith.constant 0 : index
        %get3A_218 = tpu.vector_load %arg6[%get3A_215, %get3A_216, %get3A_217] {strides = array<i32>} : memref<2x384x128xf32, #tpu.memory_space<vmem>>, vector<1x1x16xf32>,
        %get3A_219 = vector.shape_cast %get3A_218 : vector<1x1x16xf32> to vector<16xf32>
        %add3A_220 = arith.addf %add3A_211, %get3A_219 : vector<16xf32>
        %swap3A = arith.index_cast %scan3A_197 : i32 to index
        %swap3A_221 = arith.constant 0 : index
        %swap3A_222 = tpu.vector_load %arg7[%swap3A, %swap3A_221] {strides = array<i32>} : memref<128x128xf32, #tpu.memory_space<vmem>>, vector<1x16xf32>,
        %swap3A_223 = vector.shape_cast %swap3A_222 : vector<1x16xf32> to vector<16xf32>
        %swap3A_224 = vector.shape_cast %add3A_220 : vector<16xf32> to vector<1x16xf32>
        tpu.vector_store %arg7[%swap3A, %swap3A_221], %swap3A_224 {strides = array<i32>} : memref<128x128xf32, #tpu.memory_space<vmem>>, vector<1x16xf32>,
        %get3A_225 = arith.constant 0 : i32
        %get3A_226 = arith.index_cast %get3A_225 : i32 to index
        %get3A_227 = arith.index_cast %scan3A_197 : i32 to index
        %get3A_228 = arith.constant 16 : index
        %get3A_229 = tpu.vector_load %arg6[%get3A_226, %get3A_227, %get3A_228] {strides = array<i32>} : memref<2x384x128xf32, #tpu.memory_space<vmem>>, vector<1x1x16xf32>,
        %get3A_230 = vector.shape_cast %get3A_229 : vector<1x1x16xf32> to vector<16xf32>
        %add3A_231 = arith.constant 128 : i32
        %add3A_232 = arith.addi %add3A_231, %scan3A_197 : i32
        %get3A_233 = arith.constant 0 : i32
        %get3A_234 = arith.index_cast %get3A_233 : i32 to index
        %get3A_235 = arith.index_cast %add3A_232 : i32 to index
        %get3A_236 = arith.constant 80 : index
        %get3A_237 = tpu.vector_load %arg6[%get3A_234, %get3A_235, %get3A_236] {strides = array<i32>} : memref<2x384x128xf32, #tpu.memory_space<vmem>>, vector<1x1x16xf32>,
        %get3A_238 = vector.shape_cast %get3A_237 : vector<1x1x16xf32> to vector<16xf32>
        %add3A_239 = arith.addf %get3A_230, %get3A_238 : vector<16xf32>
        %add3A_240 = arith.constant 256 : i32
        %add3A_241 = arith.addi %add3A_240, %scan3A_197 : i32
        %get3A_242 = arith.constant 0 : i32
        %get3A_243 = arith.index_cast %get3A_242 : i32 to index
        %get3A_244 = arith.index_cast %add3A_241 : i32 to index
        %get3A_245 = arith.constant 16 : index
        %get3A_246 = tpu.vector_load %arg6[%get3A_243, %get3A_244, %get3A_245] {strides = array<i32>} : memref<2x384x128xf32, #tpu.memory_space<vmem>>, vector<1x1x16xf32>,
        %get3A_247 = vector.shape_cast %get3A_246 : vector<1x1x16xf32> to vector<16xf32>
        %add3A_248 = arith.addf %add3A_239, %get3A_247 : vector<16xf32>
        %swap3A_249 = arith.index_cast %scan3A_197 : i32 to index
        %swap3A_250 = arith.constant 16 : index
        %swap3A_251 = tpu.vector_load %arg7[%swap3A_249, %swap3A_250] {strides = array<i32>} : memref<128x128xf32, #tpu.memory_space<vmem>>, vector<1x16xf32>,
        %swap3A_252 = vector.shape_cast %swap3A_251 : vector<1x16xf32> to vector<16xf32>
        %swap3A_253 = vector.shape_cast %add3A_248 : vector<16xf32> to vector<1x16xf32>
        tpu.vector_store %arg7[%swap3A_249, %swap3A_250], %swap3A_253 {strides = array<i32>} : memref<128x128xf32, #tpu.memory_space<vmem>>, vector<1x16xf32>,
        %get3A_254 = arith.constant 0 : i32
        %get3A_255 = arith.index_cast %get3A_254 : i32 to index
        %get3A_256 = arith.index_cast %scan3A_197 : i32 to index
        %get3A_257 = arith.constant 32 : index
        %get3A_258 = tpu.vector_load %arg6[%get3A_255, %get3A_256, %get3A_257] {strides = array<i32>} : memref<2x384x128xf32, #tpu.memory_space<vmem>>, vector<1x1x16xf32>,
        %get3A_259 = vector.shape_cast %get3A_258 : vector<1x1x16xf32> to vector<16xf32>
        %add3A_260 = arith.constant 128 : i32
        %add3A_261 = arith.addi %add3A_260, %scan3A_197 : i32
        %get3A_262 = arith.constant 0 : i32
        %get3A_263 = arith.index_cast %get3A_262 : i32 to index
        %get3A_264 = arith.index_cast %add3A_261 : i32 to index
        %get3A_265 = arith.constant 96 : index
        %get3A_266 = tpu.vector_load %arg6[%get3A_263, %get3A_264, %get3A_265] {strides = array<i32>} : memref<2x384x128xf32, #tpu.memory_space<vmem>>, vector<1x1x16xf32>,
        %get3A_267 = vector.shape_cast %get3A_266 : vector<1x1x16xf32> to vector<16xf32>
        %add3A_268 = arith.addf %get3A_259, %get3A_267 : vector<16xf32>
        %add3A_269 = arith.constant 256 : i32
        %add3A_270 = arith.addi %add3A_269, %scan3A_197 : i32
        %get3A_271 = arith.constant 0 : i32
        %get3A_272 = arith.index_cast %get3A_271 : i32 to index
        %get3A_273 = arith.index_cast %add3A_270 : i32 to index
        %get3A_274 = arith.constant 32 : index
        %get3A_275 = tpu.vector_load %arg6[%get3A_272, %get3A_273, %get3A_274] {strides = array<i32>} : memref<2x384x128xf32, #tpu.memory_space<vmem>>, vector<1x1x16xf32>,
        %get3A_276 = vector.shape_cast %get3A_275 : vector<1x1x16xf32> to vector<16xf32>
        %add3A_277 = arith.addf %add3A_268, %get3A_276 : vector<16xf32>
        %swap3A_278 = arith.index_cast %scan3A_197 : i32 to index
        %swap3A_279 = arith.constant 32 : index
        %swap3A_280 = tpu.vector_load %arg7[%swap3A_278, %swap3A_279] {strides = array<i32>} : memref<128x128xf32, #tpu.memory_space<vmem>>, vector<1x16xf32>,
        %swap3A_281 = vector.shape_cast %swap3A_280 : vector<1x16xf32> to vector<16xf32>
        %swap3A_282 = vector.shape_cast %add3A_277 : vector<16xf32> to vector<1x16xf32>
        tpu.vector_store %arg7[%swap3A_278, %swap3A_279], %swap3A_282 {strides = array<i32>} : memref<128x128xf32, #tpu.memory_space<vmem>>, vector<1x16xf32>,
        %get3A_283 = arith.constant 0 : i32
        %get3A_284 = arith.index_cast %get3A_283 : i32 to index
        %get3A_285 = arith.index_cast %scan3A_197 : i32 to index
        %get3A_286 = arith.constant 48 : index
        %get3A_287 = tpu.vector_load %arg6[%get3A_284, %get3A_285, %get3A_286] {strides = array<i32>} : memref<2x384x128xf32, #tpu.memory_space<vmem>>, vector<1x1x16xf32>,
        %get3A_288 = vector.shape_cast %get3A_287 : vector<1x1x16xf32> to vector<16xf32>
        %add3A_289 = arith.constant 128 : i32
        %add3A_290 = arith.addi %add3A_289, %scan3A_197 : i32
        %get3A_291 = arith.constant 0 : i32
        %get3A_292 = arith.index_cast %get3A_291 : i32 to index
        %get3A_293 = arith.index_cast %add3A_290 : i32 to index
        %get3A_294 = arith.constant 112 : index
        %get3A_295 = tpu.vector_load %arg6[%get3A_292, %get3A_293, %get3A_294] {strides = array<i32>} : memref<2x384x128xf32, #tpu.memory_space<vmem>>, vector<1x1x16xf32>,
        %get3A_296 = vector.shape_cast %get3A_295 : vector<1x1x16xf32> to vector<16xf32>
        %add3A_297 = arith.addf %get3A_288, %get3A_296 : vector<16xf32>
        %add3A_298 = arith.constant 256 : i32
        %add3A_299 = arith.addi %add3A_298, %scan3A_197 : i32
        %get3A_300 = arith.constant 0 : i32
        %get3A_301 = arith.index_cast %get3A_300 : i32 to index
        %get3A_302 = arith.index_cast %add3A_299 : i32 to index
        %get3A_303 = arith.constant 48 : index
        %get3A_304 = tpu.vector_load %arg6[%get3A_301, %get3A_302, %get3A_303] {strides = array<i32>} : memref<2x384x128xf32, #tpu.memory_space<vmem>>, vector<1x1x16xf32>,
        %get3A_305 = vector.shape_cast %get3A_304 : vector<1x1x16xf32> to vector<16xf32>
        %add3A_306 = arith.addf %add3A_297, %get3A_305 : vector<16xf32>
        %swap3A_307 = arith.index_cast %scan3A_197 : i32 to index
        %swap3A_308 = arith.constant 48 : index
        %swap3A_309 = tpu.vector_load %arg7[%swap3A_307, %swap3A_308] {strides = array<i32>} : memref<128x128xf32, #tpu.memory_space<vmem>>, vector<1x16xf32>,
        %swap3A_310 = vector.shape_cast %swap3A_309 : vector<1x16xf32> to vector<16xf32>
        %swap3A_311 = vector.shape_cast %add3A_306 : vector<16xf32> to vector<1x16xf32>
        tpu.vector_store %arg7[%swap3A_307, %swap3A_308], %swap3A_311 {strides = array<i32>} : memref<128x128xf32, #tpu.memory_space<vmem>>, vector<1x16xf32>,
      }
      %scan3A_136 = arith.constant 128 : i32
      %dma_start3A_137 = arith.constant 0 : i32
      %dma_start3A_138 = arith.constant 0 : i32
      %dma_start3A_139 = tpu.memref_slice %arg4[%add3A_113, %dma_start3A_137, %dma_start3A_138] : memref<2048x256x128xf32, #tpu.memory_space<hbm>> -> memref<1x128x128xf32, #tpu.memory_space<hbm>>
      %dma_start3A_140 = tpu.memref_squeeze %dma_start3A_139 : memref<1x128x128xf32, #tpu.memory_space<hbm>> -> memref<128x128xf32, #tpu.memory_space<hbm>>
      %dma_start3A_141 = arith.constant 0 : i32
      %dma_start3A_142 = arith.constant 0 : i32
      %dma_start3A_143 = tpu.memref_slice %arg4[%add3A_113, %dma_start3A_141, %dma_start3A_142] : memref<2048x256x128xf32, #tpu.memory_space<hbm>> -> memref<1x128x128xf32, #tpu.memory_space<hbm>>
      %dma_start3A_144 = tpu.memref_squeeze %dma_start3A_143 : memref<1x128x128xf32, #tpu.memory_space<hbm>> -> memref<128x128xf32, #tpu.memory_space<hbm>>
      tpu.enqueue_dma source(%arg7 : memref<128x128xf32, #tpu.memory_space<vmem>>) target(%dma_start3A_144 : memref<128x128xf32, #tpu.memory_space<hbm>>) target_semaphore(%arg11 : memref<!tpu.dma_semaphore, #tpu.memory_space<semaphore_mem>>)
      %lt3A = arith.constant 63 : i32
      %lt3A_145 = arith.cmpi slt, %scan3A_112, %lt3A : i32
      %convert_element_type3A_146 = arith.extui %lt3A_145 : i1 to i32
      %cond3A_147 = arith.constant 0 : i32
      %cond3A_148 = arith.cmpi ne, %convert_element_type3A_146, %cond3A_147 : i32
      scf.if %cond3A_148 {
        %add3A_197 = arith.constant 1 : i32
        %add3A_198 = arith.addi %scan3A_112, %add3A_197 : i32
        %jit3A = arith.constant 2 : i32
        %eq3A = arith.constant 0 : i32
        %eq3A_199 = arith.cmpi eq, %jit3A, %eq3A : i32
        %jit3A_200 = arith.constant 1 : i32
        %select_n3A = arith.select %eq3A_199, %jit3A_200, %jit3A : i32
        %rem3A = arith.remsi %add3A_198, %select_n3A : i32
        %ne3A = arith.constant 0 : i32
        %ne3A_201 = arith.cmpi ne, %rem3A, %ne3A : i32
        %lt3A_202 = arith.constant 0 : i32
        %lt3A_203 = arith.cmpi slt, %rem3A, %lt3A_202 : i32
        %lt3A_204 = arith.constant 0 : i32
        %lt3A_205 = arith.cmpi slt, %select_n3A, %lt3A_204 : i32
        %ne3A_206 = arith.xori %lt3A_203, %lt3A_205 : i1
        %and3A = arith.andi %ne3A_206, %ne3A_201 : i1
        %add3A_207 = arith.addi %rem3A, %select_n3A : i32
        %select_n3A_208 = arith.select %and3A, %add3A_207, %rem3A : i32
        %dma_wait3A_209 = arith.constant 0 : i32
        %dma_wait3A_210 = arith.constant 0 : i32
        %dma_wait3A_211 = tpu.memref_slice %arg5[%select_n3A_208, %dma_wait3A_209, %dma_wait3A_210] : memref<2x6x128xi32, #tpu.memory_space<vmem>> -> memref<1x6x128xi32, #tpu.memory_space<vmem>>
        %dma_wait3A_212 = tpu.memref_squeeze %dma_wait3A_211 : memref<1x6x128xi32, #tpu.memory_space<vmem>> -> memref<6x128xi32, #tpu.memory_space<vmem>>
        %dma_wait3A_213 = arith.constant 0 : i32
        %dma_wait3A_214 = arith.constant 0 : i32
        %dma_wait3A_215 = tpu.memref_slice %arg3[%dma_wait3A_213, %dma_wait3A_214] : memref<12288x128xi32, #tpu.memory_space<hbm>> -> memref<6x128xi32, #tpu.memory_space<hbm>>
        %dma_wait3A_216 = arith.constant 0 : i32
        %dma_wait3A_217 = arith.constant 0 : i32
        %dma_wait3A_218 = tpu.memref_slice %arg5[%select_n3A_208, %dma_wait3A_216, %dma_wait3A_217] : memref<2x6x128xi32, #tpu.memory_space<vmem>> -> memref<1x6x128xi32, #tpu.memory_space<vmem>>
        %dma_wait3A_219 = tpu.memref_squeeze %dma_wait3A_218 : memref<1x6x128xi32, #tpu.memory_space<vmem>> -> memref<6x128xi32, #tpu.memory_space<vmem>>
        %dma_wait3A_220 = arith.constant 0 : i32
        %dma_wait3A_221 = arith.constant 0 : i32
        %dma_wait3A_222 = tpu.memref_slice %arg3[%dma_wait3A_220, %dma_wait3A_221] : memref<12288x128xi32, #tpu.memory_space<hbm>> -> memref<6x128xi32, #tpu.memory_space<hbm>>
        tpu.wait_dma2 semaphore(%arg10 : memref<!tpu.dma_semaphore, #tpu.memory_space<semaphore_mem>>) src(%dma_wait3A_222 : memref<6x128xi32, #tpu.memory_space<hbm>>) dst(%dma_wait3A_219 : memref<6x128xi32, #tpu.memory_space<vmem>>)
        %add3A_223 = arith.constant 1 : i32
        %add3A_224 = arith.addi %scan3A_112, %add3A_223 : i32
        %jit3A_225 = arith.constant 2 : i32
        %eq3A_226 = arith.constant 0 : i32
        %eq3A_227 = arith.cmpi eq, %jit3A_225, %eq3A_226 : i32
        %jit3A_228 = arith.constant 1 : i32
        %select_n3A_229 = arith.select %eq3A_227, %jit3A_228, %jit3A_225 : i32
        %rem3A_230 = arith.remsi %add3A_224, %select_n3A_229 : i32
        %ne3A_231 = arith.constant 0 : i32
        %ne3A_232 = arith.cmpi ne, %rem3A_230, %ne3A_231 : i32
        %lt3A_233 = arith.constant 0 : i32
        %lt3A_234 = arith.cmpi slt, %rem3A_230, %lt3A_233 : i32
        %lt3A_235 = arith.constant 0 : i32
        %lt3A_236 = arith.cmpi slt, %select_n3A_229, %lt3A_235 : i32
        %ne3A_237 = arith.xori %lt3A_234, %lt3A_236 : i1
        %and3A_238 = arith.andi %ne3A_237, %ne3A_232 : i1
        %add3A_239 = arith.addi %rem3A_230, %select_n3A_229 : i32
        %select_n3A_240 = arith.select %and3A_238, %add3A_239, %rem3A_230 : i32
        %dma_start3A_241 = arith.constant 0 : i32
        %dma_start3A_242 = arith.constant 0 : i32
        %dma_start3A_243 = arith.constant 0 : i32
        %dma_start3A_244 = arith.constant 0 : i32
        %dma_start3A_245 = tpu.memref_slice %arg6[%dma_start3A_242, %dma_start3A_243, %dma_start3A_244] : memref<2x384x128xf32, #tpu.memory_space<vmem>> -> memref<1x128x128xf32, #tpu.memory_space<vmem>>
        %dma_start3A_246 = tpu.memref_squeeze %dma_start3A_245 : memref<1x128x128xf32, #tpu.memory_space<vmem>> -> memref<128x128xf32, #tpu.memory_space<vmem>>
        %dma_start3A_247 = arith.constant 0 : i32
        %dma_start3A_248 = tpu.memref_slice %arg5[%select_n3A_240, %dma_start3A_241, %dma_start3A_247] : memref<2x6x128xi32, #tpu.memory_space<vmem>> -> memref<1x1x128xi32, #tpu.memory_space<vmem>>
        %dma_start3A_249 = tpu.memref_squeeze %dma_start3A_248 : memref<1x1x128xi32, #tpu.memory_space<vmem>> -> memref<128xi32, #tpu.memory_space<vmem>>
        %dma_start3A_250 = arith.constant 0 : i32
        %dma_start3A_251 = arith.constant 0 : i32
        %dma_start3A_252 = tpu.memref_slice %arg2[%dma_start3A_250, %dma_start3A_251] : memref<1048576x128xf32, #tpu.memory_space<hbm>> -> memref<1048576x128xf32, #tpu.memory_space<hbm>>
        tpu.enqueue_indirect_dma source(%dma_start3A_252 : memref<1048576x128xf32, #tpu.memory_space<hbm>>) target(%dma_start3A_246 : memref<128x128xf32, #tpu.memory_space<vmem>>) offsets(%dma_start3A_249 : memref<128xi32, #tpu.memory_space<vmem>>) semaphore(%arg8 : memref<!tpu.dma_semaphore, #tpu.memory_space<semaphore_mem>>)
        %jit3A_253 = arith.constant 2 : i32
        %eq3A_254 = arith.constant 0 : i32
        %eq3A_255 = arith.cmpi eq, %jit3A_253, %eq3A_254 : i32
        %jit3A_256 = arith.constant 1 : i32
        %select_n3A_257 = arith.select %eq3A_255, %jit3A_256, %jit3A_253 : i32
        %rem3A_258 = arith.remsi %add3A_224, %select_n3A_257 : i32
        %ne3A_259 = arith.constant 0 : i32
        %ne3A_260 = arith.cmpi ne, %rem3A_258, %ne3A_259 : i32
        %lt3A_261 = arith.constant 0 : i32
        %lt3A_262 = arith.cmpi slt, %rem3A_258, %lt3A_261 : i32
        %lt3A_263 = arith.constant 0 : i32
        %lt3A_264 = arith.cmpi slt, %select_n3A_257, %lt3A_263 : i32
        %ne3A_265 = arith.xori %lt3A_262, %lt3A_264 : i1
        %and3A_266 = arith.andi %ne3A_265, %ne3A_260 : i1
        %add3A_267 = arith.addi %rem3A_258, %select_n3A_257 : i32
        %select_n3A_268 = arith.select %and3A_266, %add3A_267, %rem3A_258 : i32
        %dma_start3A_269 = arith.constant 2 : i32
        %dma_start3A_270 = arith.constant 0 : i32
        %dma_start3A_271 = arith.constant 128 : i32
        %dma_start3A_272 = arith.constant 0 : i32
        %dma_start3A_273 = tpu.memref_slice %arg6[%dma_start3A_270, %dma_start3A_271, %dma_start3A_272] : memref<2x384x128xf32, #tpu.memory_space<vmem>> -> memref<1x128x128xf32, #tpu.memory_space<vmem>>
        %dma_start3A_274 = tpu.memref_squeeze %dma_start3A_273 : memref<1x128x128xf32, #tpu.memory_space<vmem>> -> memref<128x128xf32, #tpu.memory_space<vmem>>
        %dma_start3A_275 = arith.constant 0 : i32
        %dma_start3A_276 = tpu.memref_slice %arg5[%select_n3A_268, %dma_start3A_269, %dma_start3A_275] : memref<2x6x128xi32, #tpu.memory_space<vmem>> -> memref<1x1x128xi32, #tpu.memory_space<vmem>>
        %dma_start3A_277 = tpu.memref_squeeze %dma_start3A_276 : memref<1x1x128xi32, #tpu.memory_space<vmem>> -> memref<128xi32, #tpu.memory_space<vmem>>
        %dma_start3A_278 = arith.constant 0 : i32
        %dma_start3A_279 = arith.constant 0 : i32
        %dma_start3A_280 = tpu.memref_slice %arg2[%dma_start3A_278, %dma_start3A_279] : memref<1048576x128xf32, #tpu.memory_space<hbm>> -> memref<1048576x128xf32, #tpu.memory_space<hbm>>
        tpu.enqueue_indirect_dma source(%dma_start3A_280 : memref<1048576x128xf32, #tpu.memory_space<hbm>>) target(%dma_start3A_274 : memref<128x128xf32, #tpu.memory_space<vmem>>) offsets(%dma_start3A_277 : memref<128xi32, #tpu.memory_space<vmem>>) semaphore(%arg8 : memref<!tpu.dma_semaphore, #tpu.memory_space<semaphore_mem>>)
        %jit3A_281 = arith.constant 2 : i32
        %eq3A_282 = arith.constant 0 : i32
        %eq3A_283 = arith.cmpi eq, %jit3A_281, %eq3A_282 : i32
        %jit3A_284 = arith.constant 1 : i32
        %select_n3A_285 = arith.select %eq3A_283, %jit3A_284, %jit3A_281 : i32
        %rem3A_286 = arith.remsi %add3A_224, %select_n3A_285 : i32
        %ne3A_287 = arith.constant 0 : i32
        %ne3A_288 = arith.cmpi ne, %rem3A_286, %ne3A_287 : i32
        %lt3A_289 = arith.constant 0 : i32
        %lt3A_290 = arith.cmpi slt, %rem3A_286, %lt3A_289 : i32
        %lt3A_291 = arith.constant 0 : i32
        %lt3A_292 = arith.cmpi slt, %select_n3A_285, %lt3A_291 : i32
        %ne3A_293 = arith.xori %lt3A_290, %lt3A_292 : i1
        %and3A_294 = arith.andi %ne3A_293, %ne3A_288 : i1
        %add3A_295 = arith.addi %rem3A_286, %select_n3A_285 : i32
        %select_n3A_296 = arith.select %and3A_294, %add3A_295, %rem3A_286 : i32
        %dma_start3A_297 = arith.constant 4 : i32
        %dma_start3A_298 = arith.constant 0 : i32
        %dma_start3A_299 = arith.constant 256 : i32
        %dma_start3A_300 = arith.constant 0 : i32
        %dma_start3A_301 = tpu.memref_slice %arg6[%dma_start3A_298, %dma_start3A_299, %dma_start3A_300] : memref<2x384x128xf32, #tpu.memory_space<vmem>> -> memref<1x128x128xf32, #tpu.memory_space<vmem>>
        %dma_start3A_302 = tpu.memref_squeeze %dma_start3A_301 : memref<1x128x128xf32, #tpu.memory_space<vmem>> -> memref<128x128xf32, #tpu.memory_space<vmem>>
        %dma_start3A_303 = arith.constant 0 : i32
        %dma_start3A_304 = tpu.memref_slice %arg5[%select_n3A_296, %dma_start3A_297, %dma_start3A_303] : memref<2x6x128xi32, #tpu.memory_space<vmem>> -> memref<1x1x128xi32, #tpu.memory_space<vmem>>
        %dma_start3A_305 = tpu.memref_squeeze %dma_start3A_304 : memref<1x1x128xi32, #tpu.memory_space<vmem>> -> memref<128xi32, #tpu.memory_space<vmem>>
        %dma_start3A_306 = arith.constant 0 : i32
        %dma_start3A_307 = arith.constant 0 : i32
        %dma_start3A_308 = tpu.memref_slice %arg2[%dma_start3A_306, %dma_start3A_307] : memref<1048576x128xf32, #tpu.memory_space<hbm>> -> memref<1048576x128xf32, #tpu.memory_space<hbm>>
        tpu.enqueue_indirect_dma source(%dma_start3A_308 : memref<1048576x128xf32, #tpu.memory_space<hbm>>) target(%dma_start3A_302 : memref<128x128xf32, #tpu.memory_space<vmem>>) offsets(%dma_start3A_305 : memref<128xi32, #tpu.memory_space<vmem>>) semaphore(%arg8 : memref<!tpu.dma_semaphore, #tpu.memory_space<semaphore_mem>>)
      } else {
      }
      %dma_wait3A_149 = arith.constant 1 : i32
      %dma_wait3A_150 = arith.constant 0 : i32
      %dma_wait3A_151 = arith.constant 0 : i32
      %dma_wait3A_152 = tpu.memref_slice %arg6[%dma_wait3A_149, %dma_wait3A_150, %dma_wait3A_151] : memref<2x384x128xf32, #tpu.memory_space<vmem>> -> memref<1x384x128xf32, #tpu.memory_space<vmem>>
      %dma_wait3A_153 = tpu.memref_squeeze %dma_wait3A_152 : memref<1x384x128xf32, #tpu.memory_space<vmem>> -> memref<384x128xf32, #tpu.memory_space<vmem>>
      %dma_wait3A_154 = arith.constant 0 : i32
      %dma_wait3A_155 = arith.constant 0 : i32
      %dma_wait3A_156 = tpu.memref_slice %arg2[%dma_wait3A_154, %dma_wait3A_155] : memref<1048576x128xf32, #tpu.memory_space<hbm>> -> memref<384x128xf32, #tpu.memory_space<hbm>>
      %dma_wait3A_157 = arith.constant 0 : i32
      %dma_wait3A_158 = arith.constant 0 : i32
      %dma_wait3A_159 = tpu.memref_slice %arg6[%dma_wait3A_149, %dma_wait3A_157, %dma_wait3A_158] : memref<2x384x128xf32, #tpu.memory_space<vmem>> -> memref<1x384x128xf32, #tpu.memory_space<vmem>>
      %dma_wait3A_160 = tpu.memref_squeeze %dma_wait3A_159 : memref<1x384x128xf32, #tpu.memory_space<vmem>> -> memref<384x128xf32, #tpu.memory_space<vmem>>
      %dma_wait3A_161 = arith.constant 0 : i32
      %dma_wait3A_162 = arith.constant 0 : i32
      %dma_wait3A_163 = tpu.memref_slice %arg2[%dma_wait3A_161, %dma_wait3A_162] : memref<1048576x128xf32, #tpu.memory_space<hbm>> -> memref<384x128xf32, #tpu.memory_space<hbm>>
      tpu.wait_dma2 semaphore(%arg9 : memref<!tpu.dma_semaphore, #tpu.memory_space<semaphore_mem>>) src(%dma_wait3A_163 : memref<384x128xf32, #tpu.memory_space<hbm>>) dst(%dma_wait3A_160 : memref<384x128xf32, #tpu.memory_space<vmem>>)
      %lt3A_164 = arith.constant 62 : i32
      %lt3A_165 = arith.cmpi slt, %scan3A_112, %lt3A_164 : i32
      %convert_element_type3A_166 = arith.extui %lt3A_165 : i1 to i32
      %cond3A_167 = arith.constant 0 : i32
      %cond3A_168 = arith.cmpi ne, %convert_element_type3A_166, %cond3A_167 : i32
      scf.if %cond3A_168 {
        %add3A_197 = arith.constant 2 : i32
        %add3A_198 = arith.addi %scan3A_112, %add3A_197 : i32
        %add3A_199 = arith.addi %mul3A_2, %add3A_198 : i32
        %mul3A_200 = arith.constant 6 : i32
        %mul3A_201 = arith.muli %add3A_199, %mul3A_200 : i32
        %jit3A = arith.constant 2 : i32
        %eq3A = arith.constant 0 : i32
        %eq3A_202 = arith.cmpi eq, %jit3A, %eq3A : i32
        %jit3A_203 = arith.constant 1 : i32
        %select_n3A = arith.select %eq3A_202, %jit3A_203, %jit3A : i32
        %rem3A = arith.remsi %add3A_198, %select_n3A : i32
        %ne3A = arith.constant 0 : i32
        %ne3A_204 = arith.cmpi ne, %rem3A, %ne3A : i32
        %lt3A_205 = arith.constant 0 : i32
        %lt3A_206 = arith.cmpi slt, %rem3A, %lt3A_205 : i32
        %lt3A_207 = arith.constant 0 : i32
        %lt3A_208 = arith.cmpi slt, %select_n3A, %lt3A_207 : i32
        %ne3A_209 = arith.xori %lt3A_206, %lt3A_208 : i1
        %and3A = arith.andi %ne3A_209, %ne3A_204 : i1
        %add3A_210 = arith.addi %rem3A, %select_n3A : i32
        %select_n3A_211 = arith.select %and3A, %add3A_210, %rem3A : i32
        %dma_start3A_212 = arith.constant 0 : i32
        %dma_start3A_213 = arith.constant 0 : i32
        %dma_start3A_214 = tpu.memref_slice %arg5[%select_n3A_211, %dma_start3A_212, %dma_start3A_213] : memref<2x6x128xi32, #tpu.memory_space<vmem>> -> memref<1x6x128xi32, #tpu.memory_space<vmem>>
        %dma_start3A_215 = tpu.memref_squeeze %dma_start3A_214 : memref<1x6x128xi32, #tpu.memory_space<vmem>> -> memref<6x128xi32, #tpu.memory_space<vmem>>
        %dma_start3A_216 = arith.constant 0 : i32
        %dma_start3A_217 = tpu.memref_slice %arg3[%mul3A_201, %dma_start3A_216] : memref<12288x128xi32, #tpu.memory_space<hbm>> -> memref<6x128xi32, #tpu.memory_space<hbm>>
        %dma_start3A_218 = arith.constant 0 : i32
        %dma_start3A_219 = arith.constant 0 : i32
        %dma_start3A_220 = tpu.memref_slice %arg5[%select_n3A_211, %dma_start3A_218, %dma_start3A_219] : memref<2x6x128xi32, #tpu.memory_space<vmem>> -> memref<1x6x128xi32, #tpu.memory_space<vmem>>
        %dma_start3A_221 = tpu.memref_squeeze %dma_start3A_220 : memref<1x6x128xi32, #tpu.memory_space<vmem>> -> memref<6x128xi32, #tpu.memory_space<vmem>>
        %dma_start3A_222 = arith.constant 0 : i32
        %dma_start3A_223 = tpu.memref_slice %arg3[%mul3A_201, %dma_start3A_222] : memref<12288x128xi32, #tpu.memory_space<hbm>> -> memref<6x128xi32, #tpu.memory_space<hbm>>
        tpu.enqueue_dma source(%dma_start3A_223 : memref<6x128xi32, #tpu.memory_space<hbm>>) target(%dma_start3A_221 : memref<6x128xi32, #tpu.memory_space<vmem>>) target_semaphore(%arg10 : memref<!tpu.dma_semaphore, #tpu.memory_space<semaphore_mem>>)
      } else {
      }
      %dma_wait3A_169 = arith.constant 0 : i32
      %dma_wait3A_170 = arith.constant 0 : i32
      %dma_wait3A_171 = arith.constant 0 : i32
      %dma_wait3A_172 = tpu.memref_slice %arg4[%dma_wait3A_169, %dma_wait3A_170, %dma_wait3A_171] : memref<2048x256x128xf32, #tpu.memory_space<hbm>> -> memref<1x128x128xf32, #tpu.memory_space<hbm>>
      %dma_wait3A_173 = tpu.memref_squeeze %dma_wait3A_172 : memref<1x128x128xf32, #tpu.memory_space<hbm>> -> memref<128x128xf32, #tpu.memory_space<hbm>>
      %dma_wait3A_174 = arith.constant 0 : i32
      %dma_wait3A_175 = arith.constant 0 : i32
      %dma_wait3A_176 = tpu.memref_slice %arg4[%dma_wait3A_169, %dma_wait3A_174, %dma_wait3A_175] : memref<2048x256x128xf32, #tpu.memory_space<hbm>> -> memref<1x128x128xf32, #tpu.memory_space<hbm>>
      %dma_wait3A_177 = tpu.memref_squeeze %dma_wait3A_176 : memref<1x128x128xf32, #tpu.memory_space<hbm>> -> memref<128x128xf32, #tpu.memory_space<hbm>>
      tpu.wait_dma2 semaphore(%arg11 : memref<!tpu.dma_semaphore, #tpu.memory_space<semaphore_mem>>) src(%dma_wait3A_177 : memref<128x128xf32, #tpu.memory_space<hbm>>) dst(%arg7 : memref<128x128xf32, #tpu.memory_space<vmem>>)
      %scan3A_178 = arith.constant 0 : i32
      %scan3A_179 = arith.constant 0 : i32
      %scan3A_180 = arith.constant 128 : i32
      %scan3A_181 = arith.addi %scan3A_179, %scan3A_180 : i32
      %scan3A_182 = arith.constant 1 : i32
      scf.for %scan3A_197 = %scan3A_179 to %scan3A_181 step %scan3A_182  : i32 {
        %get3A = arith.constant 1 : i32
        %get3A_198 = arith.index_cast %get3A : i32 to index
        %get3A_199 = arith.index_cast %scan3A_197 : i32 to index
        %get3A_200 = arith.constant 0 : index
        %get3A_201 = tpu.vector_load %arg6[%get3A_198, %get3A_199, %get3A_200] {strides = array<i32>} : memref<2x384x128xf32, #tpu.memory_space<vmem>>, vector<1x1x16xf32>,
        %get3A_202 = vector.shape_cast %get3A_201 : vector<1x1x16xf32> to vector<16xf32>
        %add3A_203 = arith.constant 128 : i32
        %add3A_204 = arith.addi %add3A_203, %scan3A_197 : i32
        %get3A_205 = arith.constant 1 : i32
        %get3A_206 = arith.index_cast %get3A_205 : i32 to index
        %get3A_207 = arith.index_cast %add3A_204 : i32 to index
        %get3A_208 = arith.constant 64 : index
        %get3A_209 = tpu.vector_load %arg6[%get3A_206, %get3A_207, %get3A_208] {strides = array<i32>} : memref<2x384x128xf32, #tpu.memory_space<vmem>>, vector<1x1x16xf32>,
        %get3A_210 = vector.shape_cast %get3A_209 : vector<1x1x16xf32> to vector<16xf32>
        %add3A_211 = arith.addf %get3A_202, %get3A_210 : vector<16xf32>
        %add3A_212 = arith.constant 256 : i32
        %add3A_213 = arith.addi %add3A_212, %scan3A_197 : i32
        %get3A_214 = arith.constant 1 : i32
        %get3A_215 = arith.index_cast %get3A_214 : i32 to index
        %get3A_216 = arith.index_cast %add3A_213 : i32 to index
        %get3A_217 = arith.constant 0 : index
        %get3A_218 = tpu.vector_load %arg6[%get3A_215, %get3A_216, %get3A_217] {strides = array<i32>} : memref<2x384x128xf32, #tpu.memory_space<vmem>>, vector<1x1x16xf32>,
        %get3A_219 = vector.shape_cast %get3A_218 : vector<1x1x16xf32> to vector<16xf32>
        %add3A_220 = arith.addf %add3A_211, %get3A_219 : vector<16xf32>
        %swap3A = arith.index_cast %scan3A_197 : i32 to index
        %swap3A_221 = arith.constant 0 : index
        %swap3A_222 = tpu.vector_load %arg7[%swap3A, %swap3A_221] {strides = array<i32>} : memref<128x128xf32, #tpu.memory_space<vmem>>, vector<1x16xf32>,
        %swap3A_223 = vector.shape_cast %swap3A_222 : vector<1x16xf32> to vector<16xf32>
        %swap3A_224 = vector.shape_cast %add3A_220 : vector<16xf32> to vector<1x16xf32>
        tpu.vector_store %arg7[%swap3A, %swap3A_221], %swap3A_224 {strides = array<i32>} : memref<128x128xf32, #tpu.memory_space<vmem>>, vector<1x16xf32>,
        %get3A_225 = arith.constant 1 : i32
        %get3A_226 = arith.index_cast %get3A_225 : i32 to index
        %get3A_227 = arith.index_cast %scan3A_197 : i32 to index
        %get3A_228 = arith.constant 16 : index
        %get3A_229 = tpu.vector_load %arg6[%get3A_226, %get3A_227, %get3A_228] {strides = array<i32>} : memref<2x384x128xf32, #tpu.memory_space<vmem>>, vector<1x1x16xf32>,
        %get3A_230 = vector.shape_cast %get3A_229 : vector<1x1x16xf32> to vector<16xf32>
        %add3A_231 = arith.constant 128 : i32
        %add3A_232 = arith.addi %add3A_231, %scan3A_197 : i32
        %get3A_233 = arith.constant 1 : i32
        %get3A_234 = arith.index_cast %get3A_233 : i32 to index
        %get3A_235 = arith.index_cast %add3A_232 : i32 to index
        %get3A_236 = arith.constant 80 : index
        %get3A_237 = tpu.vector_load %arg6[%get3A_234, %get3A_235, %get3A_236] {strides = array<i32>} : memref<2x384x128xf32, #tpu.memory_space<vmem>>, vector<1x1x16xf32>,
        %get3A_238 = vector.shape_cast %get3A_237 : vector<1x1x16xf32> to vector<16xf32>
        %add3A_239 = arith.addf %get3A_230, %get3A_238 : vector<16xf32>
        %add3A_240 = arith.constant 256 : i32
        %add3A_241 = arith.addi %add3A_240, %scan3A_197 : i32
        %get3A_242 = arith.constant 1 : i32
        %get3A_243 = arith.index_cast %get3A_242 : i32 to index
        %get3A_244 = arith.index_cast %add3A_241 : i32 to index
        %get3A_245 = arith.constant 16 : index
        %get3A_246 = tpu.vector_load %arg6[%get3A_243, %get3A_244, %get3A_245] {strides = array<i32>} : memref<2x384x128xf32, #tpu.memory_space<vmem>>, vector<1x1x16xf32>,
        %get3A_247 = vector.shape_cast %get3A_246 : vector<1x1x16xf32> to vector<16xf32>
        %add3A_248 = arith.addf %add3A_239, %get3A_247 : vector<16xf32>
        %swap3A_249 = arith.index_cast %scan3A_197 : i32 to index
        %swap3A_250 = arith.constant 16 : index
        %swap3A_251 = tpu.vector_load %arg7[%swap3A_249, %swap3A_250] {strides = array<i32>} : memref<128x128xf32, #tpu.memory_space<vmem>>, vector<1x16xf32>,
        %swap3A_252 = vector.shape_cast %swap3A_251 : vector<1x16xf32> to vector<16xf32>
        %swap3A_253 = vector.shape_cast %add3A_248 : vector<16xf32> to vector<1x16xf32>
        tpu.vector_store %arg7[%swap3A_249, %swap3A_250], %swap3A_253 {strides = array<i32>} : memref<128x128xf32, #tpu.memory_space<vmem>>, vector<1x16xf32>,
        %get3A_254 = arith.constant 1 : i32
        %get3A_255 = arith.index_cast %get3A_254 : i32 to index
        %get3A_256 = arith.index_cast %scan3A_197 : i32 to index
        %get3A_257 = arith.constant 32 : index
        %get3A_258 = tpu.vector_load %arg6[%get3A_255, %get3A_256, %get3A_257] {strides = array<i32>} : memref<2x384x128xf32, #tpu.memory_space<vmem>>, vector<1x1x16xf32>,
        %get3A_259 = vector.shape_cast %get3A_258 : vector<1x1x16xf32> to vector<16xf32>
        %add3A_260 = arith.constant 128 : i32
        %add3A_261 = arith.addi %add3A_260, %scan3A_197 : i32
        %get3A_262 = arith.constant 1 : i32
        %get3A_263 = arith.index_cast %get3A_262 : i32 to index
        %get3A_264 = arith.index_cast %add3A_261 : i32 to index
        %get3A_265 = arith.constant 96 : index
        %get3A_266 = tpu.vector_load %arg6[%get3A_263, %get3A_264, %get3A_265] {strides = array<i32>} : memref<2x384x128xf32, #tpu.memory_space<vmem>>, vector<1x1x16xf32>,
        %get3A_267 = vector.shape_cast %get3A_266 : vector<1x1x16xf32> to vector<16xf32>
        %add3A_268 = arith.addf %get3A_259, %get3A_267 : vector<16xf32>
        %add3A_269 = arith.constant 256 : i32
        %add3A_270 = arith.addi %add3A_269, %scan3A_197 : i32
        %get3A_271 = arith.constant 1 : i32
        %get3A_272 = arith.index_cast %get3A_271 : i32 to index
        %get3A_273 = arith.index_cast %add3A_270 : i32 to index
        %get3A_274 = arith.constant 32 : index
        %get3A_275 = tpu.vector_load %arg6[%get3A_272, %get3A_273, %get3A_274] {strides = array<i32>} : memref<2x384x128xf32, #tpu.memory_space<vmem>>, vector<1x1x16xf32>,
        %get3A_276 = vector.shape_cast %get3A_275 : vector<1x1x16xf32> to vector<16xf32>
        %add3A_277 = arith.addf %add3A_268, %get3A_276 : vector<16xf32>
        %swap3A_278 = arith.index_cast %scan3A_197 : i32 to index
        %swap3A_279 = arith.constant 32 : index
        %swap3A_280 = tpu.vector_load %arg7[%swap3A_278, %swap3A_279] {strides = array<i32>} : memref<128x128xf32, #tpu.memory_space<vmem>>, vector<1x16xf32>,
        %swap3A_281 = vector.shape_cast %swap3A_280 : vector<1x16xf32> to vector<16xf32>
        %swap3A_282 = vector.shape_cast %add3A_277 : vector<16xf32> to vector<1x16xf32>
        tpu.vector_store %arg7[%swap3A_278, %swap3A_279], %swap3A_282 {strides = array<i32>} : memref<128x128xf32, #tpu.memory_space<vmem>>, vector<1x16xf32>,
        %get3A_283 = arith.constant 1 : i32
        %get3A_284 = arith.index_cast %get3A_283 : i32 to index
        %get3A_285 = arith.index_cast %scan3A_197 : i32 to index
        %get3A_286 = arith.constant 48 : index
        %get3A_287 = tpu.vector_load %arg6[%get3A_284, %get3A_285, %get3A_286] {strides = array<i32>} : memref<2x384x128xf32, #tpu.memory_space<vmem>>, vector<1x1x16xf32>,
        %get3A_288 = vector.shape_cast %get3A_287 : vector<1x1x16xf32> to vector<16xf32>
        %add3A_289 = arith.constant 128 : i32
        %add3A_290 = arith.addi %add3A_289, %scan3A_197 : i32
        %get3A_291 = arith.constant 1 : i32
        %get3A_292 = arith.index_cast %get3A_291 : i32 to index
        %get3A_293 = arith.index_cast %add3A_290 : i32 to index
        %get3A_294 = arith.constant 112 : index
        %get3A_295 = tpu.vector_load %arg6[%get3A_292, %get3A_293, %get3A_294] {strides = array<i32>} : memref<2x384x128xf32, #tpu.memory_space<vmem>>, vector<1x1x16xf32>,
        %get3A_296 = vector.shape_cast %get3A_295 : vector<1x1x16xf32> to vector<16xf32>
        %add3A_297 = arith.addf %get3A_288, %get3A_296 : vector<16xf32>
        %add3A_298 = arith.constant 256 : i32
        %add3A_299 = arith.addi %add3A_298, %scan3A_197 : i32
        %get3A_300 = arith.constant 1 : i32
        %get3A_301 = arith.index_cast %get3A_300 : i32 to index
        %get3A_302 = arith.index_cast %add3A_299 : i32 to index
        %get3A_303 = arith.constant 48 : index
        %get3A_304 = tpu.vector_load %arg6[%get3A_301, %get3A_302, %get3A_303] {strides = array<i32>} : memref<2x384x128xf32, #tpu.memory_space<vmem>>, vector<1x1x16xf32>,
        %get3A_305 = vector.shape_cast %get3A_304 : vector<1x1x16xf32> to vector<16xf32>
        %add3A_306 = arith.addf %add3A_297, %get3A_305 : vector<16xf32>
        %swap3A_307 = arith.index_cast %scan3A_197 : i32 to index
        %swap3A_308 = arith.constant 48 : index
        %swap3A_309 = tpu.vector_load %arg7[%swap3A_307, %swap3A_308] {strides = array<i32>} : memref<128x128xf32, #tpu.memory_space<vmem>>, vector<1x16xf32>,
        %swap3A_310 = vector.shape_cast %swap3A_309 : vector<1x16xf32> to vector<16xf32>
        %swap3A_311 = vector.shape_cast %add3A_306 : vector<16xf32> to vector<1x16xf32>
        tpu.vector_store %arg7[%swap3A_307, %swap3A_308], %swap3A_311 {strides = array<i32>} : memref<128x128xf32, #tpu.memory_space<vmem>>, vector<1x16xf32>,
      }
      %scan3A_183 = arith.constant 128 : i32
      %dma_start3A_184 = arith.constant 128 : i32
      %dma_start3A_185 = arith.constant 0 : i32
      %dma_start3A_186 = tpu.memref_slice %arg4[%add3A_113, %dma_start3A_184, %dma_start3A_185] : memref<2048x256x128xf32, #tpu.memory_space<hbm>> -> memref<1x128x128xf32, #tpu.memory_space<hbm>>
      %dma_start3A_187 = tpu.memref_squeeze %dma_start3A_186 : memref<1x128x128xf32, #tpu.memory_space<hbm>> -> memref<128x128xf32, #tpu.memory_space<hbm>>
      %dma_start3A_188 = arith.constant 128 : i32
      %dma_start3A_189 = arith.constant 0 : i32
      %dma_start3A_190 = tpu.memref_slice %arg4[%add3A_113, %dma_start3A_188, %dma_start3A_189] : memref<2048x256x128xf32, #tpu.memory_space<hbm>> -> memref<1x128x128xf32, #tpu.memory_space<hbm>>
      %dma_start3A_191 = tpu.memref_squeeze %dma_start3A_190 : memref<1x128x128xf32, #tpu.memory_space<hbm>> -> memref<128x128xf32, #tpu.memory_space<hbm>>
      tpu.enqueue_dma source(%arg7 : memref<128x128xf32, #tpu.memory_space<vmem>>) target(%dma_start3A_191 : memref<128x128xf32, #tpu.memory_space<hbm>>) target_semaphore(%arg11 : memref<!tpu.dma_semaphore, #tpu.memory_space<semaphore_mem>>)
      %lt3A_192 = arith.constant 63 : i32
      %lt3A_193 = arith.cmpi slt, %scan3A_112, %lt3A_192 : i32
      %convert_element_type3A_194 = arith.extui %lt3A_193 : i1 to i32
      %cond3A_195 = arith.constant 0 : i32
      %cond3A_196 = arith.cmpi ne, %convert_element_type3A_194, %cond3A_195 : i32
      scf.if %cond3A_196 {
        %add3A_197 = arith.constant 1 : i32
        %add3A_198 = arith.addi %scan3A_112, %add3A_197 : i32
        %jit3A = arith.constant 2 : i32
        %eq3A = arith.constant 0 : i32
        %eq3A_199 = arith.cmpi eq, %jit3A, %eq3A : i32
        %jit3A_200 = arith.constant 1 : i32
        %select_n3A = arith.select %eq3A_199, %jit3A_200, %jit3A : i32
        %rem3A = arith.remsi %add3A_198, %select_n3A : i32
        %ne3A = arith.constant 0 : i32
        %ne3A_201 = arith.cmpi ne, %rem3A, %ne3A : i32
        %lt3A_202 = arith.constant 0 : i32
        %lt3A_203 = arith.cmpi slt, %rem3A, %lt3A_202 : i32
        %lt3A_204 = arith.constant 0 : i32
        %lt3A_205 = arith.cmpi slt, %select_n3A, %lt3A_204 : i32
        %ne3A_206 = arith.xori %lt3A_203, %lt3A_205 : i1
        %and3A = arith.andi %ne3A_206, %ne3A_201 : i1
        %add3A_207 = arith.addi %rem3A, %select_n3A : i32
        %select_n3A_208 = arith.select %and3A, %add3A_207, %rem3A : i32
        %dma_start3A_209 = arith.constant 1 : i32
        %dma_start3A_210 = arith.constant 1 : i32
        %dma_start3A_211 = arith.constant 0 : i32
        %dma_start3A_212 = arith.constant 0 : i32
        %dma_start3A_213 = tpu.memref_slice %arg6[%dma_start3A_210, %dma_start3A_211, %dma_start3A_212] : memref<2x384x128xf32, #tpu.memory_space<vmem>> -> memref<1x128x128xf32, #tpu.memory_space<vmem>>
        %dma_start3A_214 = tpu.memref_squeeze %dma_start3A_213 : memref<1x128x128xf32, #tpu.memory_space<vmem>> -> memref<128x128xf32, #tpu.memory_space<vmem>>
        %dma_start3A_215 = arith.constant 0 : i32
        %dma_start3A_216 = tpu.memref_slice %arg5[%select_n3A_208, %dma_start3A_209, %dma_start3A_215] : memref<2x6x128xi32, #tpu.memory_space<vmem>> -> memref<1x1x128xi32, #tpu.memory_space<vmem>>
        %dma_start3A_217 = tpu.memref_squeeze %dma_start3A_216 : memref<1x1x128xi32, #tpu.memory_space<vmem>> -> memref<128xi32, #tpu.memory_space<vmem>>
        %dma_start3A_218 = arith.constant 0 : i32
        %dma_start3A_219 = arith.constant 0 : i32
        %dma_start3A_220 = tpu.memref_slice %arg2[%dma_start3A_218, %dma_start3A_219] : memref<1048576x128xf32, #tpu.memory_space<hbm>> -> memref<1048576x128xf32, #tpu.memory_space<hbm>>
        tpu.enqueue_indirect_dma source(%dma_start3A_220 : memref<1048576x128xf32, #tpu.memory_space<hbm>>) target(%dma_start3A_214 : memref<128x128xf32, #tpu.memory_space<vmem>>) offsets(%dma_start3A_217 : memref<128xi32, #tpu.memory_space<vmem>>) semaphore(%arg9 : memref<!tpu.dma_semaphore, #tpu.memory_space<semaphore_mem>>)
        %jit3A_221 = arith.constant 2 : i32
        %eq3A_222 = arith.constant 0 : i32
        %eq3A_223 = arith.cmpi eq, %jit3A_221, %eq3A_222 : i32
        %jit3A_224 = arith.constant 1 : i32
        %select_n3A_225 = arith.select %eq3A_223, %jit3A_224, %jit3A_221 : i32
        %rem3A_226 = arith.remsi %add3A_198, %select_n3A_225 : i32
        %ne3A_227 = arith.constant 0 : i32
        %ne3A_228 = arith.cmpi ne, %rem3A_226, %ne3A_227 : i32
        %lt3A_229 = arith.constant 0 : i32
        %lt3A_230 = arith.cmpi slt, %rem3A_226, %lt3A_229 : i32
        %lt3A_231 = arith.constant 0 : i32
        %lt3A_232 = arith.cmpi slt, %select_n3A_225, %lt3A_231 : i32
        %ne3A_233 = arith.xori %lt3A_230, %lt3A_232 : i1
        %and3A_234 = arith.andi %ne3A_233, %ne3A_228 : i1
        %add3A_235 = arith.addi %rem3A_226, %select_n3A_225 : i32
        %select_n3A_236 = arith.select %and3A_234, %add3A_235, %rem3A_226 : i32
        %dma_start3A_237 = arith.constant 3 : i32
        %dma_start3A_238 = arith.constant 1 : i32
        %dma_start3A_239 = arith.constant 128 : i32
        %dma_start3A_240 = arith.constant 0 : i32
        %dma_start3A_241 = tpu.memref_slice %arg6[%dma_start3A_238, %dma_start3A_239, %dma_start3A_240] : memref<2x384x128xf32, #tpu.memory_space<vmem>> -> memref<1x128x128xf32, #tpu.memory_space<vmem>>
        %dma_start3A_242 = tpu.memref_squeeze %dma_start3A_241 : memref<1x128x128xf32, #tpu.memory_space<vmem>> -> memref<128x128xf32, #tpu.memory_space<vmem>>
        %dma_start3A_243 = arith.constant 0 : i32
        %dma_start3A_244 = tpu.memref_slice %arg5[%select_n3A_236, %dma_start3A_237, %dma_start3A_243] : memref<2x6x128xi32, #tpu.memory_space<vmem>> -> memref<1x1x128xi32, #tpu.memory_space<vmem>>
        %dma_start3A_245 = tpu.memref_squeeze %dma_start3A_244 : memref<1x1x128xi32, #tpu.memory_space<vmem>> -> memref<128xi32, #tpu.memory_space<vmem>>
        %dma_start3A_246 = arith.constant 0 : i32
        %dma_start3A_247 = arith.constant 0 : i32
        %dma_start3A_248 = tpu.memref_slice %arg2[%dma_start3A_246, %dma_start3A_247] : memref<1048576x128xf32, #tpu.memory_space<hbm>> -> memref<1048576x128xf32, #tpu.memory_space<hbm>>
        tpu.enqueue_indirect_dma source(%dma_start3A_248 : memref<1048576x128xf32, #tpu.memory_space<hbm>>) target(%dma_start3A_242 : memref<128x128xf32, #tpu.memory_space<vmem>>) offsets(%dma_start3A_245 : memref<128xi32, #tpu.memory_space<vmem>>) semaphore(%arg9 : memref<!tpu.dma_semaphore, #tpu.memory_space<semaphore_mem>>)
        %jit3A_249 = arith.constant 2 : i32
        %eq3A_250 = arith.constant 0 : i32
        %eq3A_251 = arith.cmpi eq, %jit3A_249, %eq3A_250 : i32
        %jit3A_252 = arith.constant 1 : i32
        %select_n3A_253 = arith.select %eq3A_251, %jit3A_252, %jit3A_249 : i32
        %rem3A_254 = arith.remsi %add3A_198, %select_n3A_253 : i32
        %ne3A_255 = arith.constant 0 : i32
        %ne3A_256 = arith.cmpi ne, %rem3A_254, %ne3A_255 : i32
        %lt3A_257 = arith.constant 0 : i32
        %lt3A_258 = arith.cmpi slt, %rem3A_254, %lt3A_257 : i32
        %lt3A_259 = arith.constant 0 : i32
        %lt3A_260 = arith.cmpi slt, %select_n3A_253, %lt3A_259 : i32
        %ne3A_261 = arith.xori %lt3A_258, %lt3A_260 : i1
        %and3A_262 = arith.andi %ne3A_261, %ne3A_256 : i1
        %add3A_263 = arith.addi %rem3A_254, %select_n3A_253 : i32
        %select_n3A_264 = arith.select %and3A_262, %add3A_263, %rem3A_254 : i32
        %dma_start3A_265 = arith.constant 5 : i32
        %dma_start3A_266 = arith.constant 1 : i32
        %dma_start3A_267 = arith.constant 256 : i32
        %dma_start3A_268 = arith.constant 0 : i32
        %dma_start3A_269 = tpu.memref_slice %arg6[%dma_start3A_266, %dma_start3A_267, %dma_start3A_268] : memref<2x384x128xf32, #tpu.memory_space<vmem>> -> memref<1x128x128xf32, #tpu.memory_space<vmem>>
        %dma_start3A_270 = tpu.memref_squeeze %dma_start3A_269 : memref<1x128x128xf32, #tpu.memory_space<vmem>> -> memref<128x128xf32, #tpu.memory_space<vmem>>
        %dma_start3A_271 = arith.constant 0 : i32
        %dma_start3A_272 = tpu.memref_slice %arg5[%select_n3A_264, %dma_start3A_265, %dma_start3A_271] : memref<2x6x128xi32, #tpu.memory_space<vmem>> -> memref<1x1x128xi32, #tpu.memory_space<vmem>>
        %dma_start3A_273 = tpu.memref_squeeze %dma_start3A_272 : memref<1x1x128xi32, #tpu.memory_space<vmem>> -> memref<128xi32, #tpu.memory_space<vmem>>
        %dma_start3A_274 = arith.constant 0 : i32
        %dma_start3A_275 = arith.constant 0 : i32
        %dma_start3A_276 = tpu.memref_slice %arg2[%dma_start3A_274, %dma_start3A_275] : memref<1048576x128xf32, #tpu.memory_space<hbm>> -> memref<1048576x128xf32, #tpu.memory_space<hbm>>
        tpu.enqueue_indirect_dma source(%dma_start3A_276 : memref<1048576x128xf32, #tpu.memory_space<hbm>>) target(%dma_start3A_270 : memref<128x128xf32, #tpu.memory_space<vmem>>) offsets(%dma_start3A_273 : memref<128xi32, #tpu.memory_space<vmem>>) semaphore(%arg9 : memref<!tpu.dma_semaphore, #tpu.memory_space<semaphore_mem>>)
      } else {
      }
    }
    %scan3A_103 = arith.constant 64 : i32
    %dma_wait3A = arith.constant 0 : i32
    %dma_wait3A_104 = arith.constant 0 : i32
    %dma_wait3A_105 = arith.constant 0 : i32
    %dma_wait3A_106 = tpu.memref_slice %arg4[%dma_wait3A, %dma_wait3A_104, %dma_wait3A_105] : memref<2048x256x128xf32, #tpu.memory_space<hbm>> -> memref<1x128x128xf32, #tpu.memory_space<hbm>>
    %dma_wait3A_107 = tpu.memref_squeeze %dma_wait3A_106 : memref<1x128x128xf32, #tpu.memory_space<hbm>> -> memref<128x128xf32, #tpu.memory_space<hbm>>
    %dma_wait3A_108 = arith.constant 0 : i32
    %dma_wait3A_109 = arith.constant 0 : i32
    %dma_wait3A_110 = tpu.memref_slice %arg4[%dma_wait3A, %dma_wait3A_108, %dma_wait3A_109] : memref<2048x256x128xf32, #tpu.memory_space<hbm>> -> memref<1x128x128xf32, #tpu.memory_space<hbm>>
    %dma_wait3A_111 = tpu.memref_squeeze %dma_wait3A_110 : memref<1x128x128xf32, #tpu.memory_space<hbm>> -> memref<128x128xf32, #tpu.memory_space<hbm>>
    tpu.wait_dma2 semaphore(%arg11 : memref<!tpu.dma_semaphore, #tpu.memory_space<semaphore_mem>>) src(%dma_wait3A_111 : memref<128x128xf32, #tpu.memory_space<hbm>>) dst(%arg7 : memref<128x128xf32, #tpu.memory_space<vmem>>)
    return
  }
}

#map = affine_map<(d0, d1) -> (0, 0)>
#map1 = affine_map<(d0, d1) -> (0, 0, 0)>
module attributes {stable_mosaic.version = 14 : i64} {
  func.func @_gather_sum(%arg0: i32, %arg1: i32, %arg2: memref<1048576x128xf32, #tpu.memory_space<hbm>>, %arg3: memref<12288x128xi32, #tpu.memory_space<hbm>>, %arg4: memref<2048x256x128xf32, #tpu.memory_space<hbm>>, %arg5: memref<2x6x128xi32, #tpu.memory_space<vmem>>, %arg6: memref<2x384x128xf32, #tpu.memory_space<vmem>>, %arg7: memref<128x128xf32, #tpu.memory_space<vmem>>, %arg8: memref<!tpu.dma_semaphore, #tpu.memory_space<semaphore_mem>>, %arg9: memref<!tpu.dma_semaphore, #tpu.memory_space<semaphore_mem>>, %arg10: memref<!tpu.dma_semaphore, #tpu.memory_space<semaphore_mem>>, %arg11: memref<!tpu.dma_semaphore, #tpu.memory_space<semaphore_mem>>) attributes {dimension_semantics = [#tpu.dimension_semantics<core_parallel>, #tpu.dimension_semantics<subcore_parallel>], iteration_bounds = array<i64: 2, 16>, scalar_prefetch = 0 : i64, scratch_operands = 7 : i64, tpu.core_type = #tpu.core_type<sc_vector_subcore>, window_params = [{transform_indices = #map}, {transform_indices = #map}, {transform_indices = #map1}]} {
    %mul3A = arith.constant 2 : i32
    %mul3A_0 = arith.muli %arg1, %mul3A : i32
    %add3A = arith.addi %mul3A_0, %arg0 : i32
    %mul3A_1 = arith.constant 64 : i32
    %mul3A_2 = arith.muli %add3A, %mul3A_1 : i32
    %mul3A_3 = arith.constant 6 : i32
    %mul3A_4 = arith.muli %mul3A_2, %mul3A_3 : i32
    %run_scoped3A = arith.constant 0 : i32
    "tpu.region"() ({
      %run_scoped3A_112 = tpu.sem_alloc : memref<!tpu.dma_semaphore, #tpu.memory_space<semaphore_mem>>
      %dma_start3A_113 = arith.constant 0 : i32
      %dma_start3A_114 = arith.constant 0 : i32
      %dma_start3A_115 = tpu.memref_slice %arg5[%run_scoped3A, %dma_start3A_113, %dma_start3A_114] : memref<2x6x128xi32, #tpu.memory_space<vmem>> -> memref<1x6x128xi32, #tpu.memory_space<vmem>>
      %dma_start3A_116 = tpu.memref_squeeze %dma_start3A_115 : memref<1x6x128xi32, #tpu.memory_space<vmem>> -> memref<6x128xi32, #tpu.memory_space<vmem>>
      %dma_start3A_117 = arith.constant 0 : i32
      %dma_start3A_118 = tpu.memref_slice %arg3[%mul3A_4, %dma_start3A_117] : memref<12288x128xi32, #tpu.memory_space<hbm>> -> memref<6x128xi32, #tpu.memory_space<hbm>>
      %dma_start3A_119 = arith.constant 0 : i32
      %dma_start3A_120 = arith.constant 0 : i32
      %dma_start3A_121 = tpu.memref_slice %arg5[%run_scoped3A, %dma_start3A_119, %dma_start3A_120] : memref<2x6x128xi32, #tpu.memory_space<vmem>> -> memref<1x6x128xi32, #tpu.memory_space<vmem>>
      %dma_start3A_122 = tpu.memref_squeeze %dma_start3A_121 : memref<1x6x128xi32, #tpu.memory_space<vmem>> -> memref<6x128xi32, #tpu.memory_space<vmem>>
      %dma_start3A_123 = arith.constant 0 : i32
      %dma_start3A_124 = tpu.memref_slice %arg3[%mul3A_4, %dma_start3A_123] : memref<12288x128xi32, #tpu.memory_space<hbm>> -> memref<6x128xi32, #tpu.memory_space<hbm>>
      tpu.enqueue_dma source(%dma_start3A_124 : memref<6x128xi32, #tpu.memory_space<hbm>>) target(%dma_start3A_122 : memref<6x128xi32, #tpu.memory_space<vmem>>) target_semaphore(%run_scoped3A_112 : memref<!tpu.dma_semaphore, #tpu.memory_space<semaphore_mem>>)
      %dma_wait3A_125 = arith.constant 0 : i32
      %dma_wait3A_126 = arith.constant 0 : i32
      %dma_wait3A_127 = tpu.memref_slice %arg5[%run_scoped3A, %dma_wait3A_125, %dma_wait3A_126] : memref<2x6x128xi32, #tpu.memory_space<vmem>> -> memref<1x6x128xi32, #tpu.memory_space<vmem>>
      %dma_wait3A_128 = tpu.memref_squeeze %dma_wait3A_127 : memref<1x6x128xi32, #tpu.memory_space<vmem>> -> memref<6x128xi32, #tpu.memory_space<vmem>>
      %dma_wait3A_129 = arith.constant 0 : i32
      %dma_wait3A_130 = tpu.memref_slice %arg3[%mul3A_4, %dma_wait3A_129] : memref<12288x128xi32, #tpu.memory_space<hbm>> -> memref<6x128xi32, #tpu.memory_space<hbm>>
      %dma_wait3A_131 = arith.constant 0 : i32
      %dma_wait3A_132 = arith.constant 0 : i32
      %dma_wait3A_133 = tpu.memref_slice %arg5[%run_scoped3A, %dma_wait3A_131, %dma_wait3A_132] : memref<2x6x128xi32, #tpu.memory_space<vmem>> -> memref<1x6x128xi32, #tpu.memory_space<vmem>>
      %dma_wait3A_134 = tpu.memref_squeeze %dma_wait3A_133 : memref<1x6x128xi32, #tpu.memory_space<vmem>> -> memref<6x128xi32, #tpu.memory_space<vmem>>
      %dma_wait3A_135 = arith.constant 0 : i32
      %dma_wait3A_136 = tpu.memref_slice %arg3[%mul3A_4, %dma_wait3A_135] : memref<12288x128xi32, #tpu.memory_space<hbm>> -> memref<6x128xi32, #tpu.memory_space<hbm>>
      tpu.wait_dma2 semaphore(%run_scoped3A_112 : memref<!tpu.dma_semaphore, #tpu.memory_space<semaphore_mem>>) src(%dma_wait3A_136 : memref<6x128xi32, #tpu.memory_space<hbm>>) dst(%dma_wait3A_134 : memref<6x128xi32, #tpu.memory_space<vmem>>)
      tpu.yield
    }) : () -> ()
    %dma_start3A = arith.constant 0 : i32
    %dma_start3A_5 = arith.constant 0 : i32
    %dma_start3A_6 = arith.constant 0 : i32
    %dma_start3A_7 = arith.constant 0 : i32
    %dma_start3A_8 = arith.constant 0 : i32
    %dma_start3A_9 = tpu.memref_slice %arg6[%dma_start3A_6, %dma_start3A_7, %dma_start3A_8] : memref<2x384x128xf32, #tpu.memory_space<vmem>> -> memref<1x128x128xf32, #tpu.memory_space<vmem>>
    %dma_start3A_10 = tpu.memref_squeeze %dma_start3A_9 : memref<1x128x128xf32, #tpu.memory_space<vmem>> -> memref<128x128xf32, #tpu.memory_space<vmem>>
    %dma_start3A_11 = arith.constant 0 : i32
    %dma_start3A_12 = tpu.memref_slice %arg5[%dma_start3A, %dma_start3A_5, %dma_start3A_11] : memref<2x6x128xi32, #tpu.memory_space<vmem>> -> memref<1x1x128xi32, #tpu.memory_space<vmem>>
    %dma_start3A_13 = tpu.memref_squeeze %dma_start3A_12 : memref<1x1x128xi32, #tpu.memory_space<vmem>> -> memref<128xi32, #tpu.memory_space<vmem>>
    %dma_start3A_14 = arith.constant 0 : i32
    %dma_start3A_15 = arith.constant 0 : i32
    %dma_start3A_16 = tpu.memref_slice %arg2[%dma_start3A_14, %dma_start3A_15] : memref<1048576x128xf32, #tpu.memory_space<hbm>> -> memref<1048576x128xf32, #tpu.memory_space<hbm>>
    tpu.enqueue_indirect_dma source(%dma_start3A_16 : memref<1048576x128xf32, #tpu.memory_space<hbm>>) target(%dma_start3A_10 : memref<128x128xf32, #tpu.memory_space<vmem>>) offsets(%dma_start3A_13 : memref<128xi32, #tpu.memory_space<vmem>>) semaphore(%arg8 : memref<!tpu.dma_semaphore, #tpu.memory_space<semaphore_mem>>)
    %dma_start3A_17 = arith.constant 0 : i32
    %dma_start3A_18 = arith.constant 2 : i32
    %dma_start3A_19 = arith.constant 0 : i32
    %dma_start3A_20 = arith.constant 128 : i32
    %dma_start3A_21 = arith.constant 0 : i32
    %dma_start3A_22 = tpu.memref_slice %arg6[%dma_start3A_19, %dma_start3A_20, %dma_start3A_21] : memref<2x384x128xf32, #tpu.memory_space<vmem>> -> memref<1x128x128xf32, #tpu.memory_space<vmem>>
    %dma_start3A_23 = tpu.memref_squeeze %dma_start3A_22 : memref<1x128x128xf32, #tpu.memory_space<vmem>> -> memref<128x128xf32, #tpu.memory_space<vmem>>
    %dma_start3A_24 = arith.constant 0 : i32
    %dma_start3A_25 = tpu.memref_slice %arg5[%dma_start3A_17, %dma_start3A_18, %dma_start3A_24] : memref<2x6x128xi32, #tpu.memory_space<vmem>> -> memref<1x1x128xi32, #tpu.memory_space<vmem>>
    %dma_start3A_26 = tpu.memref_squeeze %dma_start3A_25 : memref<1x1x128xi32, #tpu.memory_space<vmem>> -> memref<128xi32, #tpu.memory_space<vmem>>
    %dma_start3A_27 = arith.constant 0 : i32
    %dma_start3A_28 = arith.constant 0 : i32
    %dma_start3A_29 = tpu.memref_slice %arg2[%dma_start3A_27, %dma_start3A_28] : memref<1048576x128xf32, #tpu.memory_space<hbm>> -> memref<1048576x128xf32, #tpu.memory_space<hbm>>
    tpu.enqueue_indirect_dma source(%dma_start3A_29 : memref<1048576x128xf32, #tpu.memory_space<hbm>>) target(%dma_start3A_23 : memref<128x128xf32, #tpu.memory_space<vmem>>) offsets(%dma_start3A_26 : memref<128xi32, #tpu.memory_space<vmem>>) semaphore(%arg8 : memref<!tpu.dma_semaphore, #tpu.memory_space<semaphore_mem>>)
    %dma_start3A_30 = arith.constant 0 : i32
    %dma_start3A_31 = arith.constant 4 : i32
    %dma_start3A_32 = arith.constant 0 : i32
    %dma_start3A_33 = arith.constant 256 : i32
    %dma_start3A_34 = arith.constant 0 : i32
    %dma_start3A_35 = tpu.memref_slice %arg6[%dma_start3A_32, %dma_start3A_33, %dma_start3A_34] : memref<2x384x128xf32, #tpu.memory_space<vmem>> -> memref<1x128x128xf32, #tpu.memory_space<vmem>>
    %dma_start3A_36 = tpu.memref_squeeze %dma_start3A_35 : memref<1x128x128xf32, #tpu.memory_space<vmem>> -> memref<128x128xf32, #tpu.memory_space<vmem>>
    %dma_start3A_37 = arith.constant 0 : i32
    %dma_start3A_38 = tpu.memref_slice %arg5[%dma_start3A_30, %dma_start3A_31, %dma_start3A_37] : memref<2x6x128xi32, #tpu.memory_space<vmem>> -> memref<1x1x128xi32, #tpu.memory_space<vmem>>
    %dma_start3A_39 = tpu.memref_squeeze %dma_start3A_38 : memref<1x1x128xi32, #tpu.memory_space<vmem>> -> memref<128xi32, #tpu.memory_space<vmem>>
    %dma_start3A_40 = arith.constant 0 : i32
    %dma_start3A_41 = arith.constant 0 : i32
    %dma_start3A_42 = tpu.memref_slice %arg2[%dma_start3A_40, %dma_start3A_41] : memref<1048576x128xf32, #tpu.memory_space<hbm>> -> memref<1048576x128xf32, #tpu.memory_space<hbm>>
    tpu.enqueue_indirect_dma source(%dma_start3A_42 : memref<1048576x128xf32, #tpu.memory_space<hbm>>) target(%dma_start3A_36 : memref<128x128xf32, #tpu.memory_space<vmem>>) offsets(%dma_start3A_39 : memref<128xi32, #tpu.memory_space<vmem>>) semaphore(%arg8 : memref<!tpu.dma_semaphore, #tpu.memory_space<semaphore_mem>>)
    %dma_start3A_43 = arith.constant 0 : i32
    %dma_start3A_44 = arith.constant 1 : i32
    %dma_start3A_45 = arith.constant 1 : i32
    %dma_start3A_46 = arith.constant 0 : i32
    %dma_start3A_47 = arith.constant 0 : i32
    %dma_start3A_48 = tpu.memref_slice %arg6[%dma_start3A_45, %dma_start3A_46, %dma_start3A_47] : memref<2x384x128xf32, #tpu.memory_space<vmem>> -> memref<1x128x128xf32, #tpu.memory_space<vmem>>
    %dma_start3A_49 = tpu.memref_squeeze %dma_start3A_48 : memref<1x128x128xf32, #tpu.memory_space<vmem>> -> memref<128x128xf32, #tpu.memory_space<vmem>>
    %dma_start3A_50 = arith.constant 0 : i32
    %dma_start3A_51 = tpu.memref_slice %arg5[%dma_start3A_43, %dma_start3A_44, %dma_start3A_50] : memref<2x6x128xi32, #tpu.memory_space<vmem>> -> memref<1x1x128xi32, #tpu.memory_space<vmem>>
    %dma_start3A_52 = tpu.memref_squeeze %dma_start3A_51 : memref<1x1x128xi32, #tpu.memory_space<vmem>> -> memref<128xi32, #tpu.memory_space<vmem>>
    %dma_start3A_53 = arith.constant 0 : i32
    %dma_start3A_54 = arith.constant 0 : i32
    %dma_start3A_55 = tpu.memref_slice %arg2[%dma_start3A_53, %dma_start3A_54] : memref<1048576x128xf32, #tpu.memory_space<hbm>> -> memref<1048576x128xf32, #tpu.memory_space<hbm>>
    tpu.enqueue_indirect_dma source(%dma_start3A_55 : memref<1048576x128xf32, #tpu.memory_space<hbm>>) target(%dma_start3A_49 : memref<128x128xf32, #tpu.memory_space<vmem>>) offsets(%dma_start3A_52 : memref<128xi32, #tpu.memory_space<vmem>>) semaphore(%arg9 : memref<!tpu.dma_semaphore, #tpu.memory_space<semaphore_mem>>)
    %dma_start3A_56 = arith.constant 0 : i32
    %dma_start3A_57 = arith.constant 3 : i32
    %dma_start3A_58 = arith.constant 1 : i32
    %dma_start3A_59 = arith.constant 128 : i32
    %dma_start3A_60 = arith.constant 0 : i32
    %dma_start3A_61 = tpu.memref_slice %arg6[%dma_start3A_58, %dma_start3A_59, %dma_start3A_60] : memref<2x384x128xf32, #tpu.memory_space<vmem>> -> memref<1x128x128xf32, #tpu.memory_space<vmem>>
    %dma_start3A_62 = tpu.memref_squeeze %dma_start3A_61 : memref<1x128x128xf32, #tpu.memory_space<vmem>> -> memref<128x128xf32, #tpu.memory_space<vmem>>
    %dma_start3A_63 = arith.constant 0 : i32
    %dma_start3A_64 = tpu.memref_slice %arg5[%dma_start3A_56, %dma_start3A_57, %dma_start3A_63] : memref<2x6x128xi32, #tpu.memory_space<vmem>> -> memref<1x1x128xi32, #tpu.memory_space<vmem>>
    %dma_start3A_65 = tpu.memref_squeeze %dma_start3A_64 : memref<1x1x128xi32, #tpu.memory_space<vmem>> -> memref<128xi32, #tpu.memory_space<vmem>>
    %dma_start3A_66 = arith.constant 0 : i32
    %dma_start3A_67 = arith.constant 0 : i32
    %dma_start3A_68 = tpu.memref_slice %arg2[%dma_start3A_66, %dma_start3A_67] : memref<1048576x128xf32, #tpu.memory_space<hbm>> -> memref<1048576x128xf32, #tpu.memory_space<hbm>>
    tpu.enqueue_indirect_dma source(%dma_start3A_68 : memref<1048576x128xf32, #tpu.memory_space<hbm>>) target(%dma_start3A_62 : memref<128x128xf32, #tpu.memory_space<vmem>>) offsets(%dma_start3A_65 : memref<128xi32, #tpu.memory_space<vmem>>) semaphore(%arg9 : memref<!tpu.dma_semaphore, #tpu.memory_space<semaphore_mem>>)
    %dma_start3A_69 = arith.constant 0 : i32
    %dma_start3A_70 = arith.constant 5 : i32
    %dma_start3A_71 = arith.constant 1 : i32
    %dma_start3A_72 = arith.constant 256 : i32
    %dma_start3A_73 = arith.constant 0 : i32
    %dma_start3A_74 = tpu.memref_slice %arg6[%dma_start3A_71, %dma_start3A_72, %dma_start3A_73] : memref<2x384x128xf32, #tpu.memory_space<vmem>> -> memref<1x128x128xf32, #tpu.memory_space<vmem>>
    %dma_start3A_75 = tpu.memref_squeeze %dma_start3A_74 : memref<1x128x128xf32, #tpu.memory_space<vmem>> -> memref<128x128xf32, #tpu.memory_space<vmem>>
    %dma_start3A_76 = arith.constant 0 : i32
    %dma_start3A_77 = tpu.memref_slice %arg5[%dma_start3A_69, %dma_start3A_70, %dma_start3A_76] : memref<2x6x128xi32, #tpu.memory_space<vmem>> -> memref<1x1x128xi32, #tpu.memory_space<vmem>>
    %dma_start3A_78 = tpu.memref_squeeze %dma_start3A_77 : memref<1x1x128xi32, #tpu.memory_space<vmem>> -> memref<128xi32, #tpu.memory_space<vmem>>
    %dma_start3A_79 = arith.constant 0 : i32
    %dma_start3A_80 = arith.constant 0 : i32
    %dma_start3A_81 = tpu.memref_slice %arg2[%dma_start3A_79, %dma_start3A_80] : memref<1048576x128xf32, #tpu.memory_space<hbm>> -> memref<1048576x128xf32, #tpu.memory_space<hbm>>
    tpu.enqueue_indirect_dma source(%dma_start3A_81 : memref<1048576x128xf32, #tpu.memory_space<hbm>>) target(%dma_start3A_75 : memref<128x128xf32, #tpu.memory_space<vmem>>) offsets(%dma_start3A_78 : memref<128xi32, #tpu.memory_space<vmem>>) semaphore(%arg9 : memref<!tpu.dma_semaphore, #tpu.memory_space<semaphore_mem>>)
    %add3A_82 = arith.constant 1 : i32
    %add3A_83 = arith.addi %mul3A_2, %add3A_82 : i32
    %mul3A_84 = arith.constant 6 : i32
    %mul3A_85 = arith.muli %add3A_83, %mul3A_84 : i32
    %dma_start3A_86 = arith.constant 1 : i32
    %dma_start3A_87 = arith.constant 0 : i32
    %dma_start3A_88 = arith.constant 0 : i32
    %dma_start3A_89 = tpu.memref_slice %arg5[%dma_start3A_86, %dma_start3A_87, %dma_start3A_88] : memref<2x6x128xi32, #tpu.memory_space<vmem>> -> memref<1x6x128xi32, #tpu.memory_space<vmem>>
    %dma_start3A_90 = tpu.memref_squeeze %dma_start3A_89 : memref<1x6x128xi32, #tpu.memory_space<vmem>> -> memref<6x128xi32, #tpu.memory_space<vmem>>
    %dma_start3A_91 = arith.constant 0 : i32
    %dma_start3A_92 = tpu.memref_slice %arg3[%mul3A_85, %dma_start3A_91] : memref<12288x128xi32, #tpu.memory_space<hbm>> -> memref<6x128xi32, #tpu.memory_space<hbm>>
    %dma_start3A_93 = arith.constant 0 : i32
    %dma_start3A_94 = arith.constant 0 : i32
    %dma_start3A_95 = tpu.memref_slice %arg5[%dma_start3A_86, %dma_start3A_93, %dma_start3A_94] : memref<2x6x128xi32, #tpu.memory_space<vmem>> -> memref<1x6x128xi32, #tpu.memory_space<vmem>>
    %dma_start3A_96 = tpu.memref_squeeze %dma_start3A_95 : memref<1x6x128xi32, #tpu.memory_space<vmem>> -> memref<6x128xi32, #tpu.memory_space<vmem>>
    %dma_start3A_97 = arith.constant 0 : i32
    %dma_start3A_98 = tpu.memref_slice %arg3[%mul3A_85, %dma_start3A_97] : memref<12288x128xi32, #tpu.memory_space<hbm>> -> memref<6x128xi32, #tpu.memory_space<hbm>>
    tpu.enqueue_dma source(%dma_start3A_98 : memref<6x128xi32, #tpu.memory_space<hbm>>) target(%dma_start3A_96 : memref<6x128xi32, #tpu.memory_space<vmem>>) target_semaphore(%arg10 : memref<!tpu.dma_semaphore, #tpu.memory_space<semaphore_mem>>)
    %scan3A = arith.constant 0 : i32
    %scan3A_99 = arith.constant 0 : i32
    %scan3A_100 = arith.constant 64 : i32
    %scan3A_101 = arith.addi %scan3A_99, %scan3A_100 : i32
    %scan3A_102 = arith.constant 1 : i32
    scf.for %scan3A_112 = %scan3A_99 to %scan3A_101 step %scan3A_102  : i32 {
      %add3A_113 = arith.addi %mul3A_2, %scan3A_112 : i32
      %dma_wait3A_114 = arith.constant 0 : i32
      %dma_wait3A_115 = arith.constant 0 : i32
      %dma_wait3A_116 = arith.constant 0 : i32
      %dma_wait3A_117 = tpu.memref_slice %arg6[%dma_wait3A_114, %dma_wait3A_115, %dma_wait3A_116] : memref<2x384x128xf32, #tpu.memory_space<vmem>> -> memref<1x384x128xf32, #tpu.memory_space<vmem>>
      %dma_wait3A_118 = tpu.memref_squeeze %dma_wait3A_117 : memref<1x384x128xf32, #tpu.memory_space<vmem>> -> memref<384x128xf32, #tpu.memory_space<vmem>>
      %dma_wait3A_119 = arith.constant 0 : i32
      %dma_wait3A_120 = arith.constant 0 : i32
      %dma_wait3A_121 = tpu.memref_slice %arg2[%dma_wait3A_119, %dma_wait3A_120] : memref<1048576x128xf32, #tpu.memory_space<hbm>> -> memref<384x128xf32, #tpu.memory_space<hbm>>
      %dma_wait3A_122 = arith.constant 0 : i32
      %dma_wait3A_123 = arith.constant 0 : i32
      %dma_wait3A_124 = tpu.memref_slice %arg6[%dma_wait3A_114, %dma_wait3A_122, %dma_wait3A_123] : memref<2x384x128xf32, #tpu.memory_space<vmem>> -> memref<1x384x128xf32, #tpu.memory_space<vmem>>
      %dma_wait3A_125 = tpu.memref_squeeze %dma_wait3A_124 : memref<1x384x128xf32, #tpu.memory_space<vmem>> -> memref<384x128xf32, #tpu.memory_space<vmem>>
      %dma_wait3A_126 = arith.constant 0 : i32
      %dma_wait3A_127 = arith.constant 0 : i32
      %dma_wait3A_128 = tpu.memref_slice %arg2[%dma_wait3A_126, %dma_wait3A_127] : memref<1048576x128xf32, #tpu.memory_space<hbm>> -> memref<384x128xf32, #tpu.memory_space<hbm>>
      tpu.wait_dma2 semaphore(%arg8 : memref<!tpu.dma_semaphore, #tpu.memory_space<semaphore_mem>>) src(%dma_wait3A_128 : memref<384x128xf32, #tpu.memory_space<hbm>>) dst(%dma_wait3A_125 : memref<384x128xf32, #tpu.memory_space<vmem>>)
      %gt3A = arith.constant 0 : i32
      %gt3A_129 = arith.cmpi sgt, %scan3A_112, %gt3A : i32
      %convert_element_type3A = arith.extui %gt3A_129 : i1 to i32
      %cond3A = arith.constant 0 : i32
      %cond3A_130 = arith.cmpi ne, %convert_element_type3A, %cond3A : i32
      scf.if %cond3A_130 {
        %dma_wait3A_197 = arith.constant 0 : i32
        %dma_wait3A_198 = arith.constant 0 : i32
        %dma_wait3A_199 = arith.constant 0 : i32
        %dma_wait3A_200 = tpu.memref_slice %arg4[%dma_wait3A_197, %dma_wait3A_198, %dma_wait3A_199] : memref<2048x256x128xf32, #tpu.memory_space<hbm>> -> memref<1x128x128xf32, #tpu.memory_space<hbm>>
        %dma_wait3A_201 = tpu.memref_squeeze %dma_wait3A_200 : memref<1x128x128xf32, #tpu.memory_space<hbm>> -> memref<128x128xf32, #tpu.memory_space<hbm>>
        %dma_wait3A_202 = arith.constant 0 : i32
        %dma_wait3A_203 = arith.constant 0 : i32
        %dma_wait3A_204 = tpu.memref_slice %arg4[%dma_wait3A_197, %dma_wait3A_202, %dma_wait3A_203] : memref<2048x256x128xf32, #tpu.memory_space<hbm>> -> memref<1x128x128xf32, #tpu.memory_space<hbm>>
        %dma_wait3A_205 = tpu.memref_squeeze %dma_wait3A_204 : memref<1x128x128xf32, #tpu.memory_space<hbm>> -> memref<128x128xf32, #tpu.memory_space<hbm>>
        tpu.wait_dma2 semaphore(%arg11 : memref<!tpu.dma_semaphore, #tpu.memory_space<semaphore_mem>>) src(%dma_wait3A_205 : memref<128x128xf32, #tpu.memory_space<hbm>>) dst(%arg7 : memref<128x128xf32, #tpu.memory_space<vmem>>)
      } else {
      }
      %scan3A_131 = arith.constant 0 : i32
      %scan3A_132 = arith.constant 0 : i32
      %scan3A_133 = arith.constant 128 : i32
      %scan3A_134 = arith.addi %scan3A_132, %scan3A_133 : i32
      %scan3A_135 = arith.constant 1 : i32
      scf.for %scan3A_197 = %scan3A_132 to %scan3A_134 step %scan3A_135  : i32 {
        %get3A = arith.constant 0 : i32
        %get3A_198 = arith.index_cast %get3A : i32 to index
        %get3A_199 = arith.index_cast %scan3A_197 : i32 to index
        %get3A_200 = arith.constant 0 : index
        %get3A_201 = tpu.vector_load %arg6[%get3A_198, %get3A_199, %get3A_200] {strides = array<i32>} : memref<2x384x128xf32, #tpu.memory_space<vmem>>, vector<1x1x16xf32>,
        %get3A_202 = vector.shape_cast %get3A_201 : vector<1x1x16xf32> to vector<16xf32>
        %add3A_203 = arith.constant 128 : i32
        %add3A_204 = arith.addi %add3A_203, %scan3A_197 : i32
        %get3A_205 = arith.constant 0 : i32
        %get3A_206 = arith.index_cast %get3A_205 : i32 to index
        %get3A_207 = arith.index_cast %add3A_204 : i32 to index
        %get3A_208 = arith.constant 64 : index
        %get3A_209 = tpu.vector_load %arg6[%get3A_206, %get3A_207, %get3A_208] {strides = array<i32>} : memref<2x384x128xf32, #tpu.memory_space<vmem>>, vector<1x1x16xf32>,
        %get3A_210 = vector.shape_cast %get3A_209 : vector<1x1x16xf32> to vector<16xf32>
        %add3A_211 = arith.addf %get3A_202, %get3A_210 : vector<16xf32>
        %add3A_212 = arith.constant 256 : i32
        %add3A_213 = arith.addi %add3A_212, %scan3A_197 : i32
        %get3A_214 = arith.constant 0 : i32
        %get3A_215 = arith.index_cast %get3A_214 : i32 to index
        %get3A_216 = arith.index_cast %add3A_213 : i32 to index
        %get3A_217 = arith.constant 0 : index
        %get3A_218 = tpu.vector_load %arg6[%get3A_215, %get3A_216, %get3A_217] {strides = array<i32>} : memref<2x384x128xf32, #tpu.memory_space<vmem>>, vector<1x1x16xf32>,
        %get3A_219 = vector.shape_cast %get3A_218 : vector<1x1x16xf32> to vector<16xf32>
        %add3A_220 = arith.addf %add3A_211, %get3A_219 : vector<16xf32>
        %swap3A = arith.index_cast %scan3A_197 : i32 to index
        %swap3A_221 = arith.constant 0 : index
        %swap3A_222 = tpu.vector_load %arg7[%swap3A, %swap3A_221] {strides = array<i32>} : memref<128x128xf32, #tpu.memory_space<vmem>>, vector<1x16xf32>,
        %swap3A_223 = vector.shape_cast %swap3A_222 : vector<1x16xf32> to vector<16xf32>
        %swap3A_224 = vector.shape_cast %add3A_220 : vector<16xf32> to vector<1x16xf32>
        tpu.vector_store %arg7[%swap3A, %swap3A_221], %swap3A_224 {strides = array<i32>} : memref<128x128xf32, #tpu.memory_space<vmem>>, vector<1x16xf32>,
        %get3A_225 = arith.constant 0 : i32
        %get3A_226 = arith.index_cast %get3A_225 : i32 to index
        %get3A_227 = arith.index_cast %scan3A_197 : i32 to index
        %get3A_228 = arith.constant 16 : index
        %get3A_229 = tpu.vector_load %arg6[%get3A_226, %get3A_227, %get3A_228] {strides = array<i32>} : memref<2x384x128xf32, #tpu.memory_space<vmem>>, vector<1x1x16xf32>,
        %get3A_230 = vector.shape_cast %get3A_229 : vector<1x1x16xf32> to vector<16xf32>
        %add3A_231 = arith.constant 128 : i32
        %add3A_232 = arith.addi %add3A_231, %scan3A_197 : i32
        %get3A_233 = arith.constant 0 : i32
        %get3A_234 = arith.index_cast %get3A_233 : i32 to index
        %get3A_235 = arith.index_cast %add3A_232 : i32 to index
        %get3A_236 = arith.constant 80 : index
        %get3A_237 = tpu.vector_load %arg6[%get3A_234, %get3A_235, %get3A_236] {strides = array<i32>} : memref<2x384x128xf32, #tpu.memory_space<vmem>>, vector<1x1x16xf32>,
        %get3A_238 = vector.shape_cast %get3A_237 : vector<1x1x16xf32> to vector<16xf32>
        %add3A_239 = arith.addf %get3A_230, %get3A_238 : vector<16xf32>
        %add3A_240 = arith.constant 256 : i32
        %add3A_241 = arith.addi %add3A_240, %scan3A_197 : i32
        %get3A_242 = arith.constant 0 : i32
        %get3A_243 = arith.index_cast %get3A_242 : i32 to index
        %get3A_244 = arith.index_cast %add3A_241 : i32 to index
        %get3A_245 = arith.constant 16 : index
        %get3A_246 = tpu.vector_load %arg6[%get3A_243, %get3A_244, %get3A_245] {strides = array<i32>} : memref<2x384x128xf32, #tpu.memory_space<vmem>>, vector<1x1x16xf32>,
        %get3A_247 = vector.shape_cast %get3A_246 : vector<1x1x16xf32> to vector<16xf32>
        %add3A_248 = arith.addf %add3A_239, %get3A_247 : vector<16xf32>
        %swap3A_249 = arith.index_cast %scan3A_197 : i32 to index
        %swap3A_250 = arith.constant 16 : index
        %swap3A_251 = tpu.vector_load %arg7[%swap3A_249, %swap3A_250] {strides = array<i32>} : memref<128x128xf32, #tpu.memory_space<vmem>>, vector<1x16xf32>,
        %swap3A_252 = vector.shape_cast %swap3A_251 : vector<1x16xf32> to vector<16xf32>
        %swap3A_253 = vector.shape_cast %add3A_248 : vector<16xf32> to vector<1x16xf32>
        tpu.vector_store %arg7[%swap3A_249, %swap3A_250], %swap3A_253 {strides = array<i32>} : memref<128x128xf32, #tpu.memory_space<vmem>>, vector<1x16xf32>,
        %get3A_254 = arith.constant 0 : i32
        %get3A_255 = arith.index_cast %get3A_254 : i32 to index
        %get3A_256 = arith.index_cast %scan3A_197 : i32 to index
        %get3A_257 = arith.constant 32 : index
        %get3A_258 = tpu.vector_load %arg6[%get3A_255, %get3A_256, %get3A_257] {strides = array<i32>} : memref<2x384x128xf32, #tpu.memory_space<vmem>>, vector<1x1x16xf32>,
        %get3A_259 = vector.shape_cast %get3A_258 : vector<1x1x16xf32> to vector<16xf32>
        %add3A_260 = arith.constant 128 : i32
        %add3A_261 = arith.addi %add3A_260, %scan3A_197 : i32
        %get3A_262 = arith.constant 0 : i32
        %get3A_263 = arith.index_cast %get3A_262 : i32 to index
        %get3A_264 = arith.index_cast %add3A_261 : i32 to index
        %get3A_265 = arith.constant 96 : index
        %get3A_266 = tpu.vector_load %arg6[%get3A_263, %get3A_264, %get3A_265] {strides = array<i32>} : memref<2x384x128xf32, #tpu.memory_space<vmem>>, vector<1x1x16xf32>,
        %get3A_267 = vector.shape_cast %get3A_266 : vector<1x1x16xf32> to vector<16xf32>
        %add3A_268 = arith.addf %get3A_259, %get3A_267 : vector<16xf32>
        %add3A_269 = arith.constant 256 : i32
        %add3A_270 = arith.addi %add3A_269, %scan3A_197 : i32
        %get3A_271 = arith.constant 0 : i32
        %get3A_272 = arith.index_cast %get3A_271 : i32 to index
        %get3A_273 = arith.index_cast %add3A_270 : i32 to index
        %get3A_274 = arith.constant 32 : index
        %get3A_275 = tpu.vector_load %arg6[%get3A_272, %get3A_273, %get3A_274] {strides = array<i32>} : memref<2x384x128xf32, #tpu.memory_space<vmem>>, vector<1x1x16xf32>,
        %get3A_276 = vector.shape_cast %get3A_275 : vector<1x1x16xf32> to vector<16xf32>
        %add3A_277 = arith.addf %add3A_268, %get3A_276 : vector<16xf32>
        %swap3A_278 = arith.index_cast %scan3A_197 : i32 to index
        %swap3A_279 = arith.constant 32 : index
        %swap3A_280 = tpu.vector_load %arg7[%swap3A_278, %swap3A_279] {strides = array<i32>} : memref<128x128xf32, #tpu.memory_space<vmem>>, vector<1x16xf32>,
        %swap3A_281 = vector.shape_cast %swap3A_280 : vector<1x16xf32> to vector<16xf32>
        %swap3A_282 = vector.shape_cast %add3A_277 : vector<16xf32> to vector<1x16xf32>
        tpu.vector_store %arg7[%swap3A_278, %swap3A_279], %swap3A_282 {strides = array<i32>} : memref<128x128xf32, #tpu.memory_space<vmem>>, vector<1x16xf32>,
        %get3A_283 = arith.constant 0 : i32
        %get3A_284 = arith.index_cast %get3A_283 : i32 to index
        %get3A_285 = arith.index_cast %scan3A_197 : i32 to index
        %get3A_286 = arith.constant 48 : index
        %get3A_287 = tpu.vector_load %arg6[%get3A_284, %get3A_285, %get3A_286] {strides = array<i32>} : memref<2x384x128xf32, #tpu.memory_space<vmem>>, vector<1x1x16xf32>,
        %get3A_288 = vector.shape_cast %get3A_287 : vector<1x1x16xf32> to vector<16xf32>
        %add3A_289 = arith.constant 128 : i32
        %add3A_290 = arith.addi %add3A_289, %scan3A_197 : i32
        %get3A_291 = arith.constant 0 : i32
        %get3A_292 = arith.index_cast %get3A_291 : i32 to index
        %get3A_293 = arith.index_cast %add3A_290 : i32 to index
        %get3A_294 = arith.constant 112 : index
        %get3A_295 = tpu.vector_load %arg6[%get3A_292, %get3A_293, %get3A_294] {strides = array<i32>} : memref<2x384x128xf32, #tpu.memory_space<vmem>>, vector<1x1x16xf32>,
        %get3A_296 = vector.shape_cast %get3A_295 : vector<1x1x16xf32> to vector<16xf32>
        %add3A_297 = arith.addf %get3A_288, %get3A_296 : vector<16xf32>
        %add3A_298 = arith.constant 256 : i32
        %add3A_299 = arith.addi %add3A_298, %scan3A_197 : i32
        %get3A_300 = arith.constant 0 : i32
        %get3A_301 = arith.index_cast %get3A_300 : i32 to index
        %get3A_302 = arith.index_cast %add3A_299 : i32 to index
        %get3A_303 = arith.constant 48 : index
        %get3A_304 = tpu.vector_load %arg6[%get3A_301, %get3A_302, %get3A_303] {strides = array<i32>} : memref<2x384x128xf32, #tpu.memory_space<vmem>>, vector<1x1x16xf32>,
        %get3A_305 = vector.shape_cast %get3A_304 : vector<1x1x16xf32> to vector<16xf32>
        %add3A_306 = arith.addf %add3A_297, %get3A_305 : vector<16xf32>
        %swap3A_307 = arith.index_cast %scan3A_197 : i32 to index
        %swap3A_308 = arith.constant 48 : index
        %swap3A_309 = tpu.vector_load %arg7[%swap3A_307, %swap3A_308] {strides = array<i32>} : memref<128x128xf32, #tpu.memory_space<vmem>>, vector<1x16xf32>,
        %swap3A_310 = vector.shape_cast %swap3A_309 : vector<1x16xf32> to vector<16xf32>
        %swap3A_311 = vector.shape_cast %add3A_306 : vector<16xf32> to vector<1x16xf32>
        tpu.vector_store %arg7[%swap3A_307, %swap3A_308], %swap3A_311 {strides = array<i32>} : memref<128x128xf32, #tpu.memory_space<vmem>>, vector<1x16xf32>,
      }
      %scan3A_136 = arith.constant 128 : i32
      %dma_start3A_137 = arith.constant 0 : i32
      %dma_start3A_138 = arith.constant 0 : i32
      %dma_start3A_139 = tpu.memref_slice %arg4[%add3A_113, %dma_start3A_137, %dma_start3A_138] : memref<2048x256x128xf32, #tpu.memory_space<hbm>> -> memref<1x128x128xf32, #tpu.memory_space<hbm>>
      %dma_start3A_140 = tpu.memref_squeeze %dma_start3A_139 : memref<1x128x128xf32, #tpu.memory_space<hbm>> -> memref<128x128xf32, #tpu.memory_space<hbm>>
      %dma_start3A_141 = arith.constant 0 : i32
      %dma_start3A_142 = arith.constant 0 : i32
      %dma_start3A_143 = tpu.memref_slice %arg4[%add3A_113, %dma_start3A_141, %dma_start3A_142] : memref<2048x256x128xf32, #tpu.memory_space<hbm>> -> memref<1x128x128xf32, #tpu.memory_space<hbm>>
      %dma_start3A_144 = tpu.memref_squeeze %dma_start3A_143 : memref<1x128x128xf32, #tpu.memory_space<hbm>> -> memref<128x128xf32, #tpu.memory_space<hbm>>
      tpu.enqueue_dma source(%arg7 : memref<128x128xf32, #tpu.memory_space<vmem>>) target(%dma_start3A_144 : memref<128x128xf32, #tpu.memory_space<hbm>>) target_semaphore(%arg11 : memref<!tpu.dma_semaphore, #tpu.memory_space<semaphore_mem>>)
      %lt3A = arith.constant 63 : i32
      %lt3A_145 = arith.cmpi slt, %scan3A_112, %lt3A : i32
      %convert_element_type3A_146 = arith.extui %lt3A_145 : i1 to i32
      %cond3A_147 = arith.constant 0 : i32
      %cond3A_148 = arith.cmpi ne, %convert_element_type3A_146, %cond3A_147 : i32
      scf.if %cond3A_148 {
        %add3A_197 = arith.constant 1 : i32
        %add3A_198 = arith.addi %scan3A_112, %add3A_197 : i32
        %jit3A = arith.constant 2 : i32
        %eq3A = arith.constant 0 : i32
        %eq3A_199 = arith.cmpi eq, %jit3A, %eq3A : i32
        %jit3A_200 = arith.constant 1 : i32
        %select_n3A = arith.select %eq3A_199, %jit3A_200, %jit3A : i32
        %rem3A = arith.remsi %add3A_198, %select_n3A : i32
        %ne3A = arith.constant 0 : i32
        %ne3A_201 = arith.cmpi ne, %rem3A, %ne3A : i32
        %lt3A_202 = arith.constant 0 : i32
        %lt3A_203 = arith.cmpi slt, %rem3A, %lt3A_202 : i32
        %lt3A_204 = arith.constant 0 : i32
        %lt3A_205 = arith.cmpi slt, %select_n3A, %lt3A_204 : i32
        %ne3A_206 = arith.xori %lt3A_203, %lt3A_205 : i1
        %and3A = arith.andi %ne3A_206, %ne3A_201 : i1
        %add3A_207 = arith.addi %rem3A, %select_n3A : i32
        %select_n3A_208 = arith.select %and3A, %add3A_207, %rem3A : i32
        %dma_wait3A_209 = arith.constant 0 : i32
        %dma_wait3A_210 = arith.constant 0 : i32
        %dma_wait3A_211 = tpu.memref_slice %arg5[%select_n3A_208, %dma_wait3A_209, %dma_wait3A_210] : memref<2x6x128xi32, #tpu.memory_space<vmem>> -> memref<1x6x128xi32, #tpu.memory_space<vmem>>
        %dma_wait3A_212 = tpu.memref_squeeze %dma_wait3A_211 : memref<1x6x128xi32, #tpu.memory_space<vmem>> -> memref<6x128xi32, #tpu.memory_space<vmem>>
        %dma_wait3A_213 = arith.constant 0 : i32
        %dma_wait3A_214 = arith.constant 0 : i32
        %dma_wait3A_215 = tpu.memref_slice %arg3[%dma_wait3A_213, %dma_wait3A_214] : memref<12288x128xi32, #tpu.memory_space<hbm>> -> memref<6x128xi32, #tpu.memory_space<hbm>>
        %dma_wait3A_216 = arith.constant 0 : i32
        %dma_wait3A_217 = arith.constant 0 : i32
        %dma_wait3A_218 = tpu.memref_slice %arg5[%select_n3A_208, %dma_wait3A_216, %dma_wait3A_217] : memref<2x6x128xi32, #tpu.memory_space<vmem>> -> memref<1x6x128xi32, #tpu.memory_space<vmem>>
        %dma_wait3A_219 = tpu.memref_squeeze %dma_wait3A_218 : memref<1x6x128xi32, #tpu.memory_space<vmem>> -> memref<6x128xi32, #tpu.memory_space<vmem>>
        %dma_wait3A_220 = arith.constant 0 : i32
        %dma_wait3A_221 = arith.constant 0 : i32
        %dma_wait3A_222 = tpu.memref_slice %arg3[%dma_wait3A_220, %dma_wait3A_221] : memref<12288x128xi32, #tpu.memory_space<hbm>> -> memref<6x128xi32, #tpu.memory_space<hbm>>
        tpu.wait_dma2 semaphore(%arg10 : memref<!tpu.dma_semaphore, #tpu.memory_space<semaphore_mem>>) src(%dma_wait3A_222 : memref<6x128xi32, #tpu.memory_space<hbm>>) dst(%dma_wait3A_219 : memref<6x128xi32, #tpu.memory_space<vmem>>)
        %add3A_223 = arith.constant 1 : i32
        %add3A_224 = arith.addi %scan3A_112, %add3A_223 : i32
        %jit3A_225 = arith.constant 2 : i32
        %eq3A_226 = arith.constant 0 : i32
        %eq3A_227 = arith.cmpi eq, %jit3A_225, %eq3A_226 : i32
        %jit3A_228 = arith.constant 1 : i32
        %select_n3A_229 = arith.select %eq3A_227, %jit3A_228, %jit3A_225 : i32
        %rem3A_230 = arith.remsi %add3A_224, %select_n3A_229 : i32
        %ne3A_231 = arith.constant 0 : i32
        %ne3A_232 = arith.cmpi ne, %rem3A_230, %ne3A_231 : i32
        %lt3A_233 = arith.constant 0 : i32
        %lt3A_234 = arith.cmpi slt, %rem3A_230, %lt3A_233 : i32
        %lt3A_235 = arith.constant 0 : i32
        %lt3A_236 = arith.cmpi slt, %select_n3A_229, %lt3A_235 : i32
        %ne3A_237 = arith.xori %lt3A_234, %lt3A_236 : i1
        %and3A_238 = arith.andi %ne3A_237, %ne3A_232 : i1
        %add3A_239 = arith.addi %rem3A_230, %select_n3A_229 : i32
        %select_n3A_240 = arith.select %and3A_238, %add3A_239, %rem3A_230 : i32
        %dma_start3A_241 = arith.constant 0 : i32
        %dma_start3A_242 = arith.constant 0 : i32
        %dma_start3A_243 = arith.constant 0 : i32
        %dma_start3A_244 = arith.constant 0 : i32
        %dma_start3A_245 = tpu.memref_slice %arg6[%dma_start3A_242, %dma_start3A_243, %dma_start3A_244] : memref<2x384x128xf32, #tpu.memory_space<vmem>> -> memref<1x128x128xf32, #tpu.memory_space<vmem>>
        %dma_start3A_246 = tpu.memref_squeeze %dma_start3A_245 : memref<1x128x128xf32, #tpu.memory_space<vmem>> -> memref<128x128xf32, #tpu.memory_space<vmem>>
        %dma_start3A_247 = arith.constant 0 : i32
        %dma_start3A_248 = tpu.memref_slice %arg5[%select_n3A_240, %dma_start3A_241, %dma_start3A_247] : memref<2x6x128xi32, #tpu.memory_space<vmem>> -> memref<1x1x128xi32, #tpu.memory_space<vmem>>
        %dma_start3A_249 = tpu.memref_squeeze %dma_start3A_248 : memref<1x1x128xi32, #tpu.memory_space<vmem>> -> memref<128xi32, #tpu.memory_space<vmem>>
        %dma_start3A_250 = arith.constant 0 : i32
        %dma_start3A_251 = arith.constant 0 : i32
        %dma_start3A_252 = tpu.memref_slice %arg2[%dma_start3A_250, %dma_start3A_251] : memref<1048576x128xf32, #tpu.memory_space<hbm>> -> memref<1048576x128xf32, #tpu.memory_space<hbm>>
        tpu.enqueue_indirect_dma source(%dma_start3A_252 : memref<1048576x128xf32, #tpu.memory_space<hbm>>) target(%dma_start3A_246 : memref<128x128xf32, #tpu.memory_space<vmem>>) offsets(%dma_start3A_249 : memref<128xi32, #tpu.memory_space<vmem>>) semaphore(%arg8 : memref<!tpu.dma_semaphore, #tpu.memory_space<semaphore_mem>>)
        %jit3A_253 = arith.constant 2 : i32
        %eq3A_254 = arith.constant 0 : i32
        %eq3A_255 = arith.cmpi eq, %jit3A_253, %eq3A_254 : i32
        %jit3A_256 = arith.constant 1 : i32
        %select_n3A_257 = arith.select %eq3A_255, %jit3A_256, %jit3A_253 : i32
        %rem3A_258 = arith.remsi %add3A_224, %select_n3A_257 : i32
        %ne3A_259 = arith.constant 0 : i32
        %ne3A_260 = arith.cmpi ne, %rem3A_258, %ne3A_259 : i32
        %lt3A_261 = arith.constant 0 : i32
        %lt3A_262 = arith.cmpi slt, %rem3A_258, %lt3A_261 : i32
        %lt3A_263 = arith.constant 0 : i32
        %lt3A_264 = arith.cmpi slt, %select_n3A_257, %lt3A_263 : i32
        %ne3A_265 = arith.xori %lt3A_262, %lt3A_264 : i1
        %and3A_266 = arith.andi %ne3A_265, %ne3A_260 : i1
        %add3A_267 = arith.addi %rem3A_258, %select_n3A_257 : i32
        %select_n3A_268 = arith.select %and3A_266, %add3A_267, %rem3A_258 : i32
        %dma_start3A_269 = arith.constant 2 : i32
        %dma_start3A_270 = arith.constant 0 : i32
        %dma_start3A_271 = arith.constant 128 : i32
        %dma_start3A_272 = arith.constant 0 : i32
        %dma_start3A_273 = tpu.memref_slice %arg6[%dma_start3A_270, %dma_start3A_271, %dma_start3A_272] : memref<2x384x128xf32, #tpu.memory_space<vmem>> -> memref<1x128x128xf32, #tpu.memory_space<vmem>>
        %dma_start3A_274 = tpu.memref_squeeze %dma_start3A_273 : memref<1x128x128xf32, #tpu.memory_space<vmem>> -> memref<128x128xf32, #tpu.memory_space<vmem>>
        %dma_start3A_275 = arith.constant 0 : i32
        %dma_start3A_276 = tpu.memref_slice %arg5[%select_n3A_268, %dma_start3A_269, %dma_start3A_275] : memref<2x6x128xi32, #tpu.memory_space<vmem>> -> memref<1x1x128xi32, #tpu.memory_space<vmem>>
        %dma_start3A_277 = tpu.memref_squeeze %dma_start3A_276 : memref<1x1x128xi32, #tpu.memory_space<vmem>> -> memref<128xi32, #tpu.memory_space<vmem>>
        %dma_start3A_278 = arith.constant 0 : i32
        %dma_start3A_279 = arith.constant 0 : i32
        %dma_start3A_280 = tpu.memref_slice %arg2[%dma_start3A_278, %dma_start3A_279] : memref<1048576x128xf32, #tpu.memory_space<hbm>> -> memref<1048576x128xf32, #tpu.memory_space<hbm>>
        tpu.enqueue_indirect_dma source(%dma_start3A_280 : memref<1048576x128xf32, #tpu.memory_space<hbm>>) target(%dma_start3A_274 : memref<128x128xf32, #tpu.memory_space<vmem>>) offsets(%dma_start3A_277 : memref<128xi32, #tpu.memory_space<vmem>>) semaphore(%arg8 : memref<!tpu.dma_semaphore, #tpu.memory_space<semaphore_mem>>)
        %jit3A_281 = arith.constant 2 : i32
        %eq3A_282 = arith.constant 0 : i32
        %eq3A_283 = arith.cmpi eq, %jit3A_281, %eq3A_282 : i32
        %jit3A_284 = arith.constant 1 : i32
        %select_n3A_285 = arith.select %eq3A_283, %jit3A_284, %jit3A_281 : i32
        %rem3A_286 = arith.remsi %add3A_224, %select_n3A_285 : i32
        %ne3A_287 = arith.constant 0 : i32
        %ne3A_288 = arith.cmpi ne, %rem3A_286, %ne3A_287 : i32
        %lt3A_289 = arith.constant 0 : i32
        %lt3A_290 = arith.cmpi slt, %rem3A_286, %lt3A_289 : i32
        %lt3A_291 = arith.constant 0 : i32
        %lt3A_292 = arith.cmpi slt, %select_n3A_285, %lt3A_291 : i32
        %ne3A_293 = arith.xori %lt3A_290, %lt3A_292 : i1
        %and3A_294 = arith.andi %ne3A_293, %ne3A_288 : i1
        %add3A_295 = arith.addi %rem3A_286, %select_n3A_285 : i32
        %select_n3A_296 = arith.select %and3A_294, %add3A_295, %rem3A_286 : i32
        %dma_start3A_297 = arith.constant 4 : i32
        %dma_start3A_298 = arith.constant 0 : i32
        %dma_start3A_299 = arith.constant 256 : i32
        %dma_start3A_300 = arith.constant 0 : i32
        %dma_start3A_301 = tpu.memref_slice %arg6[%dma_start3A_298, %dma_start3A_299, %dma_start3A_300] : memref<2x384x128xf32, #tpu.memory_space<vmem>> -> memref<1x128x128xf32, #tpu.memory_space<vmem>>
        %dma_start3A_302 = tpu.memref_squeeze %dma_start3A_301 : memref<1x128x128xf32, #tpu.memory_space<vmem>> -> memref<128x128xf32, #tpu.memory_space<vmem>>
        %dma_start3A_303 = arith.constant 0 : i32
        %dma_start3A_304 = tpu.memref_slice %arg5[%select_n3A_296, %dma_start3A_297, %dma_start3A_303] : memref<2x6x128xi32, #tpu.memory_space<vmem>> -> memref<1x1x128xi32, #tpu.memory_space<vmem>>
        %dma_start3A_305 = tpu.memref_squeeze %dma_start3A_304 : memref<1x1x128xi32, #tpu.memory_space<vmem>> -> memref<128xi32, #tpu.memory_space<vmem>>
        %dma_start3A_306 = arith.constant 0 : i32
        %dma_start3A_307 = arith.constant 0 : i32
        %dma_start3A_308 = tpu.memref_slice %arg2[%dma_start3A_306, %dma_start3A_307] : memref<1048576x128xf32, #tpu.memory_space<hbm>> -> memref<1048576x128xf32, #tpu.memory_space<hbm>>
        tpu.enqueue_indirect_dma source(%dma_start3A_308 : memref<1048576x128xf32, #tpu.memory_space<hbm>>) target(%dma_start3A_302 : memref<128x128xf32, #tpu.memory_space<vmem>>) offsets(%dma_start3A_305 : memref<128xi32, #tpu.memory_space<vmem>>) semaphore(%arg8 : memref<!tpu.dma_semaphore, #tpu.memory_space<semaphore_mem>>)
      } else {
      }
      %dma_wait3A_149 = arith.constant 1 : i32
      %dma_wait3A_150 = arith.constant 0 : i32
      %dma_wait3A_151 = arith.constant 0 : i32
      %dma_wait3A_152 = tpu.memref_slice %arg6[%dma_wait3A_149, %dma_wait3A_150, %dma_wait3A_151] : memref<2x384x128xf32, #tpu.memory_space<vmem>> -> memref<1x384x128xf32, #tpu.memory_space<vmem>>
      %dma_wait3A_153 = tpu.memref_squeeze %dma_wait3A_152 : memref<1x384x128xf32, #tpu.memory_space<vmem>> -> memref<384x128xf32, #tpu.memory_space<vmem>>
      %dma_wait3A_154 = arith.constant 0 : i32
      %dma_wait3A_155 = arith.constant 0 : i32
      %dma_wait3A_156 = tpu.memref_slice %arg2[%dma_wait3A_154, %dma_wait3A_155] : memref<1048576x128xf32, #tpu.memory_space<hbm>> -> memref<384x128xf32, #tpu.memory_space<hbm>>
      %dma_wait3A_157 = arith.constant 0 : i32
      %dma_wait3A_158 = arith.constant 0 : i32
      %dma_wait3A_159 = tpu.memref_slice %arg6[%dma_wait3A_149, %dma_wait3A_157, %dma_wait3A_158] : memref<2x384x128xf32, #tpu.memory_space<vmem>> -> memref<1x384x128xf32, #tpu.memory_space<vmem>>
      %dma_wait3A_160 = tpu.memref_squeeze %dma_wait3A_159 : memref<1x384x128xf32, #tpu.memory_space<vmem>> -> memref<384x128xf32, #tpu.memory_space<vmem>>
      %dma_wait3A_161 = arith.constant 0 : i32
      %dma_wait3A_162 = arith.constant 0 : i32
      %dma_wait3A_163 = tpu.memref_slice %arg2[%dma_wait3A_161, %dma_wait3A_162] : memref<1048576x128xf32, #tpu.memory_space<hbm>> -> memref<384x128xf32, #tpu.memory_space<hbm>>
      tpu.wait_dma2 semaphore(%arg9 : memref<!tpu.dma_semaphore, #tpu.memory_space<semaphore_mem>>) src(%dma_wait3A_163 : memref<384x128xf32, #tpu.memory_space<hbm>>) dst(%dma_wait3A_160 : memref<384x128xf32, #tpu.memory_space<vmem>>)
      %lt3A_164 = arith.constant 62 : i32
      %lt3A_165 = arith.cmpi slt, %scan3A_112, %lt3A_164 : i32
      %convert_element_type3A_166 = arith.extui %lt3A_165 : i1 to i32
      %cond3A_167 = arith.constant 0 : i32
      %cond3A_168 = arith.cmpi ne, %convert_element_type3A_166, %cond3A_167 : i32
      scf.if %cond3A_168 {
        %add3A_197 = arith.constant 2 : i32
        %add3A_198 = arith.addi %scan3A_112, %add3A_197 : i32
        %add3A_199 = arith.addi %mul3A_2, %add3A_198 : i32
        %mul3A_200 = arith.constant 6 : i32
        %mul3A_201 = arith.muli %add3A_199, %mul3A_200 : i32
        %jit3A = arith.constant 2 : i32
        %eq3A = arith.constant 0 : i32
        %eq3A_202 = arith.cmpi eq, %jit3A, %eq3A : i32
        %jit3A_203 = arith.constant 1 : i32
        %select_n3A = arith.select %eq3A_202, %jit3A_203, %jit3A : i32
        %rem3A = arith.remsi %add3A_198, %select_n3A : i32
        %ne3A = arith.constant 0 : i32
        %ne3A_204 = arith.cmpi ne, %rem3A, %ne3A : i32
        %lt3A_205 = arith.constant 0 : i32
        %lt3A_206 = arith.cmpi slt, %rem3A, %lt3A_205 : i32
        %lt3A_207 = arith.constant 0 : i32
        %lt3A_208 = arith.cmpi slt, %select_n3A, %lt3A_207 : i32
        %ne3A_209 = arith.xori %lt3A_206, %lt3A_208 : i1
        %and3A = arith.andi %ne3A_209, %ne3A_204 : i1
        %add3A_210 = arith.addi %rem3A, %select_n3A : i32
        %select_n3A_211 = arith.select %and3A, %add3A_210, %rem3A : i32
        %dma_start3A_212 = arith.constant 0 : i32
        %dma_start3A_213 = arith.constant 0 : i32
        %dma_start3A_214 = tpu.memref_slice %arg5[%select_n3A_211, %dma_start3A_212, %dma_start3A_213] : memref<2x6x128xi32, #tpu.memory_space<vmem>> -> memref<1x6x128xi32, #tpu.memory_space<vmem>>
        %dma_start3A_215 = tpu.memref_squeeze %dma_start3A_214 : memref<1x6x128xi32, #tpu.memory_space<vmem>> -> memref<6x128xi32, #tpu.memory_space<vmem>>
        %dma_start3A_216 = arith.constant 0 : i32
        %dma_start3A_217 = tpu.memref_slice %arg3[%mul3A_201, %dma_start3A_216] : memref<12288x128xi32, #tpu.memory_space<hbm>> -> memref<6x128xi32, #tpu.memory_space<hbm>>
        %dma_start3A_218 = arith.constant 0 : i32
        %dma_start3A_219 = arith.constant 0 : i32
        %dma_start3A_220 = tpu.memref_slice %arg5[%select_n3A_211, %dma_start3A_218, %dma_start3A_219] : memref<2x6x128xi32, #tpu.memory_space<vmem>> -> memref<1x6x128xi32, #tpu.memory_space<vmem>>
        %dma_start3A_221 = tpu.memref_squeeze %dma_start3A_220 : memref<1x6x128xi32, #tpu.memory_space<vmem>> -> memref<6x128xi32, #tpu.memory_space<vmem>>
        %dma_start3A_222 = arith.constant 0 : i32
        %dma_start3A_223 = tpu.memref_slice %arg3[%mul3A_201, %dma_start3A_222] : memref<12288x128xi32, #tpu.memory_space<hbm>> -> memref<6x128xi32, #tpu.memory_space<hbm>>
        tpu.enqueue_dma source(%dma_start3A_223 : memref<6x128xi32, #tpu.memory_space<hbm>>) target(%dma_start3A_221 : memref<6x128xi32, #tpu.memory_space<vmem>>) target_semaphore(%arg10 : memref<!tpu.dma_semaphore, #tpu.memory_space<semaphore_mem>>)
      } else {
      }
      %dma_wait3A_169 = arith.constant 0 : i32
      %dma_wait3A_170 = arith.constant 0 : i32
      %dma_wait3A_171 = arith.constant 0 : i32
      %dma_wait3A_172 = tpu.memref_slice %arg4[%dma_wait3A_169, %dma_wait3A_170, %dma_wait3A_171] : memref<2048x256x128xf32, #tpu.memory_space<hbm>> -> memref<1x128x128xf32, #tpu.memory_space<hbm>>
      %dma_wait3A_173 = tpu.memref_squeeze %dma_wait3A_172 : memref<1x128x128xf32, #tpu.memory_space<hbm>> -> memref<128x128xf32, #tpu.memory_space<hbm>>
      %dma_wait3A_174 = arith.constant 0 : i32
      %dma_wait3A_175 = arith.constant 0 : i32
      %dma_wait3A_176 = tpu.memref_slice %arg4[%dma_wait3A_169, %dma_wait3A_174, %dma_wait3A_175] : memref<2048x256x128xf32, #tpu.memory_space<hbm>> -> memref<1x128x128xf32, #tpu.memory_space<hbm>>
      %dma_wait3A_177 = tpu.memref_squeeze %dma_wait3A_176 : memref<1x128x128xf32, #tpu.memory_space<hbm>> -> memref<128x128xf32, #tpu.memory_space<hbm>>
      tpu.wait_dma2 semaphore(%arg11 : memref<!tpu.dma_semaphore, #tpu.memory_space<semaphore_mem>>) src(%dma_wait3A_177 : memref<128x128xf32, #tpu.memory_space<hbm>>) dst(%arg7 : memref<128x128xf32, #tpu.memory_space<vmem>>)
      %scan3A_178 = arith.constant 0 : i32
      %scan3A_179 = arith.constant 0 : i32
      %scan3A_180 = arith.constant 128 : i32
      %scan3A_181 = arith.addi %scan3A_179, %scan3A_180 : i32
      %scan3A_182 = arith.constant 1 : i32
      scf.for %scan3A_197 = %scan3A_179 to %scan3A_181 step %scan3A_182  : i32 {
        %get3A = arith.constant 1 : i32
        %get3A_198 = arith.index_cast %get3A : i32 to index
        %get3A_199 = arith.index_cast %scan3A_197 : i32 to index
        %get3A_200 = arith.constant 0 : index
        %get3A_201 = tpu.vector_load %arg6[%get3A_198, %get3A_199, %get3A_200] {strides = array<i32>} : memref<2x384x128xf32, #tpu.memory_space<vmem>>, vector<1x1x16xf32>,
        %get3A_202 = vector.shape_cast %get3A_201 : vector<1x1x16xf32> to vector<16xf32>
        %add3A_203 = arith.constant 128 : i32
        %add3A_204 = arith.addi %add3A_203, %scan3A_197 : i32
        %get3A_205 = arith.constant 1 : i32
        %get3A_206 = arith.index_cast %get3A_205 : i32 to index
        %get3A_207 = arith.index_cast %add3A_204 : i32 to index
        %get3A_208 = arith.constant 64 : index
        %get3A_209 = tpu.vector_load %arg6[%get3A_206, %get3A_207, %get3A_208] {strides = array<i32>} : memref<2x384x128xf32, #tpu.memory_space<vmem>>, vector<1x1x16xf32>,
        %get3A_210 = vector.shape_cast %get3A_209 : vector<1x1x16xf32> to vector<16xf32>
        %add3A_211 = arith.addf %get3A_202, %get3A_210 : vector<16xf32>
        %add3A_212 = arith.constant 256 : i32
        %add3A_213 = arith.addi %add3A_212, %scan3A_197 : i32
        %get3A_214 = arith.constant 1 : i32
        %get3A_215 = arith.index_cast %get3A_214 : i32 to index
        %get3A_216 = arith.index_cast %add3A_213 : i32 to index
        %get3A_217 = arith.constant 0 : index
        %get3A_218 = tpu.vector_load %arg6[%get3A_215, %get3A_216, %get3A_217] {strides = array<i32>} : memref<2x384x128xf32, #tpu.memory_space<vmem>>, vector<1x1x16xf32>,
        %get3A_219 = vector.shape_cast %get3A_218 : vector<1x1x16xf32> to vector<16xf32>
        %add3A_220 = arith.addf %add3A_211, %get3A_219 : vector<16xf32>
        %swap3A = arith.index_cast %scan3A_197 : i32 to index
        %swap3A_221 = arith.constant 0 : index
        %swap3A_222 = tpu.vector_load %arg7[%swap3A, %swap3A_221] {strides = array<i32>} : memref<128x128xf32, #tpu.memory_space<vmem>>, vector<1x16xf32>,
        %swap3A_223 = vector.shape_cast %swap3A_222 : vector<1x16xf32> to vector<16xf32>
        %swap3A_224 = vector.shape_cast %add3A_220 : vector<16xf32> to vector<1x16xf32>
        tpu.vector_store %arg7[%swap3A, %swap3A_221], %swap3A_224 {strides = array<i32>} : memref<128x128xf32, #tpu.memory_space<vmem>>, vector<1x16xf32>,
        %get3A_225 = arith.constant 1 : i32
        %get3A_226 = arith.index_cast %get3A_225 : i32 to index
        %get3A_227 = arith.index_cast %scan3A_197 : i32 to index
        %get3A_228 = arith.constant 16 : index
        %get3A_229 = tpu.vector_load %arg6[%get3A_226, %get3A_227, %get3A_228] {strides = array<i32>} : memref<2x384x128xf32, #tpu.memory_space<vmem>>, vector<1x1x16xf32>,
        %get3A_230 = vector.shape_cast %get3A_229 : vector<1x1x16xf32> to vector<16xf32>
        %add3A_231 = arith.constant 128 : i32
        %add3A_232 = arith.addi %add3A_231, %scan3A_197 : i32
        %get3A_233 = arith.constant 1 : i32
        %get3A_234 = arith.index_cast %get3A_233 : i32 to index
        %get3A_235 = arith.index_cast %add3A_232 : i32 to index
        %get3A_236 = arith.constant 80 : index
        %get3A_237 = tpu.vector_load %arg6[%get3A_234, %get3A_235, %get3A_236] {strides = array<i32>} : memref<2x384x128xf32, #tpu.memory_space<vmem>>, vector<1x1x16xf32>,
        %get3A_238 = vector.shape_cast %get3A_237 : vector<1x1x16xf32> to vector<16xf32>
        %add3A_239 = arith.addf %get3A_230, %get3A_238 : vector<16xf32>
        %add3A_240 = arith.constant 256 : i32
        %add3A_241 = arith.addi %add3A_240, %scan3A_197 : i32
        %get3A_242 = arith.constant 1 : i32
        %get3A_243 = arith.index_cast %get3A_242 : i32 to index
        %get3A_244 = arith.index_cast %add3A_241 : i32 to index
        %get3A_245 = arith.constant 16 : index
        %get3A_246 = tpu.vector_load %arg6[%get3A_243, %get3A_244, %get3A_245] {strides = array<i32>} : memref<2x384x128xf32, #tpu.memory_space<vmem>>, vector<1x1x16xf32>,
        %get3A_247 = vector.shape_cast %get3A_246 : vector<1x1x16xf32> to vector<16xf32>
        %add3A_248 = arith.addf %add3A_239, %get3A_247 : vector<16xf32>
        %swap3A_249 = arith.index_cast %scan3A_197 : i32 to index
        %swap3A_250 = arith.constant 16 : index
        %swap3A_251 = tpu.vector_load %arg7[%swap3A_249, %swap3A_250] {strides = array<i32>} : memref<128x128xf32, #tpu.memory_space<vmem>>, vector<1x16xf32>,
        %swap3A_252 = vector.shape_cast %swap3A_251 : vector<1x16xf32> to vector<16xf32>
        %swap3A_253 = vector.shape_cast %add3A_248 : vector<16xf32> to vector<1x16xf32>
        tpu.vector_store %arg7[%swap3A_249, %swap3A_250], %swap3A_253 {strides = array<i32>} : memref<128x128xf32, #tpu.memory_space<vmem>>, vector<1x16xf32>,
        %get3A_254 = arith.constant 1 : i32
        %get3A_255 = arith.index_cast %get3A_254 : i32 to index
        %get3A_256 = arith.index_cast %scan3A_197 : i32 to index
        %get3A_257 = arith.constant 32 : index
        %get3A_258 = tpu.vector_load %arg6[%get3A_255, %get3A_256, %get3A_257] {strides = array<i32>} : memref<2x384x128xf32, #tpu.memory_space<vmem>>, vector<1x1x16xf32>,
        %get3A_259 = vector.shape_cast %get3A_258 : vector<1x1x16xf32> to vector<16xf32>
        %add3A_260 = arith.constant 128 : i32
        %add3A_261 = arith.addi %add3A_260, %scan3A_197 : i32
        %get3A_262 = arith.constant 1 : i32
        %get3A_263 = arith.index_cast %get3A_262 : i32 to index
        %get3A_264 = arith.index_cast %add3A_261 : i32 to index
        %get3A_265 = arith.constant 96 : index
        %get3A_266 = tpu.vector_load %arg6[%get3A_263, %get3A_264, %get3A_265] {strides = array<i32>} : memref<2x384x128xf32, #tpu.memory_space<vmem>>, vector<1x1x16xf32>,
        %get3A_267 = vector.shape_cast %get3A_266 : vector<1x1x16xf32> to vector<16xf32>
        %add3A_268 = arith.addf %get3A_259, %get3A_267 : vector<16xf32>
        %add3A_269 = arith.constant 256 : i32
        %add3A_270 = arith.addi %add3A_269, %scan3A_197 : i32
        %get3A_271 = arith.constant 1 : i32
        %get3A_272 = arith.index_cast %get3A_271 : i32 to index
        %get3A_273 = arith.index_cast %add3A_270 : i32 to index
        %get3A_274 = arith.constant 32 : index
        %get3A_275 = tpu.vector_load %arg6[%get3A_272, %get3A_273, %get3A_274] {strides = array<i32>} : memref<2x384x128xf32, #tpu.memory_space<vmem>>, vector<1x1x16xf32>,
        %get3A_276 = vector.shape_cast %get3A_275 : vector<1x1x16xf32> to vector<16xf32>
        %add3A_277 = arith.addf %add3A_268, %get3A_276 : vector<16xf32>
        %swap3A_278 = arith.index_cast %scan3A_197 : i32 to index
        %swap3A_279 = arith.constant 32 : index
        %swap3A_280 = tpu.vector_load %arg7[%swap3A_278, %swap3A_279] {strides = array<i32>} : memref<128x128xf32, #tpu.memory_space<vmem>>, vector<1x16xf32>,
        %swap3A_281 = vector.shape_cast %swap3A_280 : vector<1x16xf32> to vector<16xf32>
        %swap3A_282 = vector.shape_cast %add3A_277 : vector<16xf32> to vector<1x16xf32>
        tpu.vector_store %arg7[%swap3A_278, %swap3A_279], %swap3A_282 {strides = array<i32>} : memref<128x128xf32, #tpu.memory_space<vmem>>, vector<1x16xf32>,
        %get3A_283 = arith.constant 1 : i32
        %get3A_284 = arith.index_cast %get3A_283 : i32 to index
        %get3A_285 = arith.index_cast %scan3A_197 : i32 to index
        %get3A_286 = arith.constant 48 : index
        %get3A_287 = tpu.vector_load %arg6[%get3A_284, %get3A_285, %get3A_286] {strides = array<i32>} : memref<2x384x128xf32, #tpu.memory_space<vmem>>, vector<1x1x16xf32>,
        %get3A_288 = vector.shape_cast %get3A_287 : vector<1x1x16xf32> to vector<16xf32>
        %add3A_289 = arith.constant 128 : i32
        %add3A_290 = arith.addi %add3A_289, %scan3A_197 : i32
        %get3A_291 = arith.constant 1 : i32
        %get3A_292 = arith.index_cast %get3A_291 : i32 to index
        %get3A_293 = arith.index_cast %add3A_290 : i32 to index
        %get3A_294 = arith.constant 112 : index
        %get3A_295 = tpu.vector_load %arg6[%get3A_292, %get3A_293, %get3A_294] {strides = array<i32>} : memref<2x384x128xf32, #tpu.memory_space<vmem>>, vector<1x1x16xf32>,
        %get3A_296 = vector.shape_cast %get3A_295 : vector<1x1x16xf32> to vector<16xf32>
        %add3A_297 = arith.addf %get3A_288, %get3A_296 : vector<16xf32>
        %add3A_298 = arith.constant 256 : i32
        %add3A_299 = arith.addi %add3A_298, %scan3A_197 : i32
        %get3A_300 = arith.constant 1 : i32
        %get3A_301 = arith.index_cast %get3A_300 : i32 to index
        %get3A_302 = arith.index_cast %add3A_299 : i32 to index
        %get3A_303 = arith.constant 48 : index
        %get3A_304 = tpu.vector_load %arg6[%get3A_301, %get3A_302, %get3A_303] {strides = array<i32>} : memref<2x384x128xf32, #tpu.memory_space<vmem>>, vector<1x1x16xf32>,
        %get3A_305 = vector.shape_cast %get3A_304 : vector<1x1x16xf32> to vector<16xf32>
        %add3A_306 = arith.addf %add3A_297, %get3A_305 : vector<16xf32>
        %swap3A_307 = arith.index_cast %scan3A_197 : i32 to index
        %swap3A_308 = arith.constant 48 : index
        %swap3A_309 = tpu.vector_load %arg7[%swap3A_307, %swap3A_308] {strides = array<i32>} : memref<128x128xf32, #tpu.memory_space<vmem>>, vector<1x16xf32>,
        %swap3A_310 = vector.shape_cast %swap3A_309 : vector<1x16xf32> to vector<16xf32>
        %swap3A_311 = vector.shape_cast %add3A_306 : vector<16xf32> to vector<1x16xf32>
        tpu.vector_store %arg7[%swap3A_307, %swap3A_308], %swap3A_311 {strides = array<i32>} : memref<128x128xf32, #tpu.memory_space<vmem>>, vector<1x16xf32>,
      }
      %scan3A_183 = arith.constant 128 : i32
      %dma_start3A_184 = arith.constant 128 : i32
      %dma_start3A_185 = arith.constant 0 : i32
      %dma_start3A_186 = tpu.memref_slice %arg4[%add3A_113, %dma_start3A_184, %dma_start3A_185] : memref<2048x256x128xf32, #tpu.memory_space<hbm>> -> memref<1x128x128xf32, #tpu.memory_space<hbm>>
      %dma_start3A_187 = tpu.memref_squeeze %dma_start3A_186 : memref<1x128x128xf32, #tpu.memory_space<hbm>> -> memref<128x128xf32, #tpu.memory_space<hbm>>
      %dma_start3A_188 = arith.constant 128 : i32
      %dma_start3A_189 = arith.constant 0 : i32
      %dma_start3A_190 = tpu.memref_slice %arg4[%add3A_113, %dma_start3A_188, %dma_start3A_189] : memref<2048x256x128xf32, #tpu.memory_space<hbm>> -> memref<1x128x128xf32, #tpu.memory_space<hbm>>
      %dma_start3A_191 = tpu.memref_squeeze %dma_start3A_190 : memref<1x128x128xf32, #tpu.memory_space<hbm>> -> memref<128x128xf32, #tpu.memory_space<hbm>>
      tpu.enqueue_dma source(%arg7 : memref<128x128xf32, #tpu.memory_space<vmem>>) target(%dma_start3A_191 : memref<128x128xf32, #tpu.memory_space<hbm>>) target_semaphore(%arg11 : memref<!tpu.dma_semaphore, #tpu.memory_space<semaphore_mem>>)
      %lt3A_192 = arith.constant 63 : i32
      %lt3A_193 = arith.cmpi slt, %scan3A_112, %lt3A_192 : i32
      %convert_element_type3A_194 = arith.extui %lt3A_193 : i1 to i32
      %cond3A_195 = arith.constant 0 : i32
      %cond3A_196 = arith.cmpi ne, %convert_element_type3A_194, %cond3A_195 : i32
      scf.if %cond3A_196 {
        %add3A_197 = arith.constant 1 : i32
        %add3A_198 = arith.addi %scan3A_112, %add3A_197 : i32
        %jit3A = arith.constant 2 : i32
        %eq3A = arith.constant 0 : i32
        %eq3A_199 = arith.cmpi eq, %jit3A, %eq3A : i32
        %jit3A_200 = arith.constant 1 : i32
        %select_n3A = arith.select %eq3A_199, %jit3A_200, %jit3A : i32
        %rem3A = arith.remsi %add3A_198, %select_n3A : i32
        %ne3A = arith.constant 0 : i32
        %ne3A_201 = arith.cmpi ne, %rem3A, %ne3A : i32
        %lt3A_202 = arith.constant 0 : i32
        %lt3A_203 = arith.cmpi slt, %rem3A, %lt3A_202 : i32
        %lt3A_204 = arith.constant 0 : i32
        %lt3A_205 = arith.cmpi slt, %select_n3A, %lt3A_204 : i32
        %ne3A_206 = arith.xori %lt3A_203, %lt3A_205 : i1
        %and3A = arith.andi %ne3A_206, %ne3A_201 : i1
        %add3A_207 = arith.addi %rem3A, %select_n3A : i32
        %select_n3A_208 = arith.select %and3A, %add3A_207, %rem3A : i32
        %dma_start3A_209 = arith.constant 1 : i32
        %dma_start3A_210 = arith.constant 1 : i32
        %dma_start3A_211 = arith.constant 0 : i32
        %dma_start3A_212 = arith.constant 0 : i32
        %dma_start3A_213 = tpu.memref_slice %arg6[%dma_start3A_210, %dma_start3A_211, %dma_start3A_212] : memref<2x384x128xf32, #tpu.memory_space<vmem>> -> memref<1x128x128xf32, #tpu.memory_space<vmem>>
        %dma_start3A_214 = tpu.memref_squeeze %dma_start3A_213 : memref<1x128x128xf32, #tpu.memory_space<vmem>> -> memref<128x128xf32, #tpu.memory_space<vmem>>
        %dma_start3A_215 = arith.constant 0 : i32
        %dma_start3A_216 = tpu.memref_slice %arg5[%select_n3A_208, %dma_start3A_209, %dma_start3A_215] : memref<2x6x128xi32, #tpu.memory_space<vmem>> -> memref<1x1x128xi32, #tpu.memory_space<vmem>>
        %dma_start3A_217 = tpu.memref_squeeze %dma_start3A_216 : memref<1x1x128xi32, #tpu.memory_space<vmem>> -> memref<128xi32, #tpu.memory_space<vmem>>
        %dma_start3A_218 = arith.constant 0 : i32
        %dma_start3A_219 = arith.constant 0 : i32
        %dma_start3A_220 = tpu.memref_slice %arg2[%dma_start3A_218, %dma_start3A_219] : memref<1048576x128xf32, #tpu.memory_space<hbm>> -> memref<1048576x128xf32, #tpu.memory_space<hbm>>
        tpu.enqueue_indirect_dma source(%dma_start3A_220 : memref<1048576x128xf32, #tpu.memory_space<hbm>>) target(%dma_start3A_214 : memref<128x128xf32, #tpu.memory_space<vmem>>) offsets(%dma_start3A_217 : memref<128xi32, #tpu.memory_space<vmem>>) semaphore(%arg9 : memref<!tpu.dma_semaphore, #tpu.memory_space<semaphore_mem>>)
        %jit3A_221 = arith.constant 2 : i32
        %eq3A_222 = arith.constant 0 : i32
        %eq3A_223 = arith.cmpi eq, %jit3A_221, %eq3A_222 : i32
        %jit3A_224 = arith.constant 1 : i32
        %select_n3A_225 = arith.select %eq3A_223, %jit3A_224, %jit3A_221 : i32
        %rem3A_226 = arith.remsi %add3A_198, %select_n3A_225 : i32
        %ne3A_227 = arith.constant 0 : i32
        %ne3A_228 = arith.cmpi ne, %rem3A_226, %ne3A_227 : i32
        %lt3A_229 = arith.constant 0 : i32
        %lt3A_230 = arith.cmpi slt, %rem3A_226, %lt3A_229 : i32
        %lt3A_231 = arith.constant 0 : i32
        %lt3A_232 = arith.cmpi slt, %select_n3A_225, %lt3A_231 : i32
        %ne3A_233 = arith.xori %lt3A_230, %lt3A_232 : i1
        %and3A_234 = arith.andi %ne3A_233, %ne3A_228 : i1
        %add3A_235 = arith.addi %rem3A_226, %select_n3A_225 : i32
        %select_n3A_236 = arith.select %and3A_234, %add3A_235, %rem3A_226 : i32
        %dma_start3A_237 = arith.constant 3 : i32
        %dma_start3A_238 = arith.constant 1 : i32
        %dma_start3A_239 = arith.constant 128 : i32
        %dma_start3A_240 = arith.constant 0 : i32
        %dma_start3A_241 = tpu.memref_slice %arg6[%dma_start3A_238, %dma_start3A_239, %dma_start3A_240] : memref<2x384x128xf32, #tpu.memory_space<vmem>> -> memref<1x128x128xf32, #tpu.memory_space<vmem>>
        %dma_start3A_242 = tpu.memref_squeeze %dma_start3A_241 : memref<1x128x128xf32, #tpu.memory_space<vmem>> -> memref<128x128xf32, #tpu.memory_space<vmem>>
        %dma_start3A_243 = arith.constant 0 : i32
        %dma_start3A_244 = tpu.memref_slice %arg5[%select_n3A_236, %dma_start3A_237, %dma_start3A_243] : memref<2x6x128xi32, #tpu.memory_space<vmem>> -> memref<1x1x128xi32, #tpu.memory_space<vmem>>
        %dma_start3A_245 = tpu.memref_squeeze %dma_start3A_244 : memref<1x1x128xi32, #tpu.memory_space<vmem>> -> memref<128xi32, #tpu.memory_space<vmem>>
        %dma_start3A_246 = arith.constant 0 : i32
        %dma_start3A_247 = arith.constant 0 : i32
        %dma_start3A_248 = tpu.memref_slice %arg2[%dma_start3A_246, %dma_start3A_247] : memref<1048576x128xf32, #tpu.memory_space<hbm>> -> memref<1048576x128xf32, #tpu.memory_space<hbm>>
        tpu.enqueue_indirect_dma source(%dma_start3A_248 : memref<1048576x128xf32, #tpu.memory_space<hbm>>) target(%dma_start3A_242 : memref<128x128xf32, #tpu.memory_space<vmem>>) offsets(%dma_start3A_245 : memref<128xi32, #tpu.memory_space<vmem>>) semaphore(%arg9 : memref<!tpu.dma_semaphore, #tpu.memory_space<semaphore_mem>>)
        %jit3A_249 = arith.constant 2 : i32
        %eq3A_250 = arith.constant 0 : i32
        %eq3A_251 = arith.cmpi eq, %jit3A_249, %eq3A_250 : i32
        %jit3A_252 = arith.constant 1 : i32
        %select_n3A_253 = arith.select %eq3A_251, %jit3A_252, %jit3A_249 : i32
        %rem3A_254 = arith.remsi %add3A_198, %select_n3A_253 : i32
        %ne3A_255 = arith.constant 0 : i32
        %ne3A_256 = arith.cmpi ne, %rem3A_254, %ne3A_255 : i32
        %lt3A_257 = arith.constant 0 : i32
        %lt3A_258 = arith.cmpi slt, %rem3A_254, %lt3A_257 : i32
        %lt3A_259 = arith.constant 0 : i32
        %lt3A_260 = arith.cmpi slt, %select_n3A_253, %lt3A_259 : i32
        %ne3A_261 = arith.xori %lt3A_258, %lt3A_260 : i1
        %and3A_262 = arith.andi %ne3A_261, %ne3A_256 : i1
        %add3A_263 = arith.addi %rem3A_254, %select_n3A_253 : i32
        %select_n3A_264 = arith.select %and3A_262, %add3A_263, %rem3A_254 : i32
        %dma_start3A_265 = arith.constant 5 : i32
        %dma_start3A_266 = arith.constant 1 : i32
        %dma_start3A_267 = arith.constant 256 : i32
        %dma_start3A_268 = arith.constant 0 : i32
        %dma_start3A_269 = tpu.memref_slice %arg6[%dma_start3A_266, %dma_start3A_267, %dma_start3A_268] : memref<2x384x128xf32, #tpu.memory_space<vmem>> -> memref<1x128x128xf32, #tpu.memory_space<vmem>>
        %dma_start3A_270 = tpu.memref_squeeze %dma_start3A_269 : memref<1x128x128xf32, #tpu.memory_space<vmem>> -> memref<128x128xf32, #tpu.memory_space<vmem>>
        %dma_start3A_271 = arith.constant 0 : i32
        %dma_start3A_272 = tpu.memref_slice %arg5[%select_n3A_264, %dma_start3A_265, %dma_start3A_271] : memref<2x6x128xi32, #tpu.memory_space<vmem>> -> memref<1x1x128xi32, #tpu.memory_space<vmem>>
        %dma_start3A_273 = tpu.memref_squeeze %dma_start3A_272 : memref<1x1x128xi32, #tpu.memory_space<vmem>> -> memref<128xi32, #tpu.memory_space<vmem>>
        %dma_start3A_274 = arith.constant 0 : i32
        %dma_start3A_275 = arith.constant 0 : i32
        %dma_start3A_276 = tpu.memref_slice %arg2[%dma_start3A_274, %dma_start3A_275] : memref<1048576x128xf32, #tpu.memory_space<hbm>> -> memref<1048576x128xf32, #tpu.memory_space<hbm>>
        tpu.enqueue_indirect_dma source(%dma_start3A_276 : memref<1048576x128xf32, #tpu.memory_space<hbm>>) target(%dma_start3A_270 : memref<128x128xf32, #tpu.memory_space<vmem>>) offsets(%dma_start3A_273 : memref<128xi32, #tpu.memory_space<vmem>>) semaphore(%arg9 : memref<!tpu.dma_semaphore, #tpu.memory_space<semaphore_mem>>)
      } else {
      }
    }
    %scan3A_103 = arith.constant 64 : i32
    %dma_wait3A = arith.constant 0 : i32
    %dma_wait3A_104 = arith.constant 0 : i32
    %dma_wait3A_105 = arith.constant 0 : i32
    %dma_wait3A_106 = tpu.memref_slice %arg4[%dma_wait3A, %dma_wait3A_104, %dma_wait3A_105] : memref<2048x256x128xf32, #tpu.memory_space<hbm>> -> memref<1x128x128xf32, #tpu.memory_space<hbm>>
    %dma_wait3A_107 = tpu.memref_squeeze %dma_wait3A_106 : memref<1x128x128xf32, #tpu.memory_space<hbm>> -> memref<128x128xf32, #tpu.memory_space<hbm>>
    %dma_wait3A_108 = arith.constant 0 : i32
    %dma_wait3A_109 = arith.constant 0 : i32
    %dma_wait3A_110 = tpu.memref_slice %arg4[%dma_wait3A, %dma_wait3A_108, %dma_wait3A_109] : memref<2048x256x128xf32, #tpu.memory_space<hbm>> -> memref<1x128x128xf32, #tpu.memory_space<hbm>>
    %dma_wait3A_111 = tpu.memref_squeeze %dma_wait3A_110 : memref<1x128x128xf32, #tpu.memory_space<hbm>> -> memref<128x128xf32, #tpu.memory_space<hbm>>
    tpu.wait_dma2 semaphore(%arg11 : memref<!tpu.dma_semaphore, #tpu.memory_space<semaphore_mem>>) src(%dma_wait3A_111 : memref<128x128xf32, #tpu.memory_space<hbm>>) dst(%arg7 : memref<128x128xf32, #tpu.memory_space<vmem>>)
    return
  }
}

module attributes {stable_mosaic.version = 14 : i64} {
  func.func @_proj_body(%arg0: i32, %arg1: memref<16x64x256xf32, #tpu.memory_space<vmem>>, %arg2: memref<64x128xf32, #tpu.memory_space<vmem>>, %arg3: memref<64x128xf32, #tpu.memory_space<vmem>>, %arg4: memref<2x16x256x128xf32, #tpu.memory_space<vmem>>) attributes {dimension_semantics = [#tpu.dimension_semantics<arbitrary>], iteration_bounds = array<i64: 128>, scalar_prefetch = 0 : i64, scratch_operands = 0 : i64, tpu.core_type = #tpu.core_type<tc>, window_params = [{transform_indices = @transform_0, window_bounds = array<i64: 16, 64, 256>}, {pipeline_mode = #tpu.pipeline_mode<synchronous>, transform_indices = @transform_1, window_bounds = array<i64: 64, 128>}, {pipeline_mode = #tpu.pipeline_mode<synchronous>, transform_indices = @transform_2, window_bounds = array<i64: 64, 128>}, {transform_indices = @transform_3, window_bounds = array<i64: 2, 16, 256, 128>}]} {
    %get3A = arith.constant 0 : index
    %get3A_0 = arith.constant 0 : index
    %get3A_1 = arith.constant 0 : index
    %get3A_2 = vector.load %arg1[%get3A, %get3A_0, %get3A_1] : memref<16x64x256xf32, #tpu.memory_space<vmem>>, vector<16x64x256xf32>
    %transpose3A = tpu.transpose %get3A_2, [0, 2, 1] : vector<16x64x256xf32> -> vector<16x256x64xf32>
    %reshape3A = vector.shape_cast %transpose3A : vector<16x256x64xf32> to vector<4096x64xf32>
    %get3A_3 = arith.constant 0 : index
    %get3A_4 = arith.constant 0 : index
    %get3A_5 = vector.load %arg2[%get3A_3, %get3A_4] : memref<64x128xf32, #tpu.memory_space<vmem>>, vector<64x128xf32>
    %dot_general3A = arith.constant dense<0.000000e+00> : vector<4096x128xf32>
    %dot_general3A_6 = tpu.matmul %reshape3A, %get3A_5, %dot_general3A {dimension_numbers = #tpu.dot_dimension_numbers<[1], [0], [0], [1], [0, 0, 1, 1], [], []>, transpose_lhs_hint = false} : vector<4096x64xf32>, vector<64x128xf32>, vector<4096x128xf32> -> vector<4096x128xf32>
    %get3A_7 = arith.constant 0 : index
    %get3A_8 = arith.constant 0 : index
    %get3A_9 = vector.load %arg3[%get3A_7, %get3A_8] : memref<64x128xf32, #tpu.memory_space<vmem>>, vector<64x128xf32>
    %dot_general3A_10 = arith.constant dense<0.000000e+00> : vector<4096x128xf32>
    %dot_general3A_11 = tpu.matmul %reshape3A, %get3A_9, %dot_general3A_10 {dimension_numbers = #tpu.dot_dimension_numbers<[1], [0], [0], [1], [0, 0, 1, 1], [], []>, transpose_lhs_hint = false} : vector<4096x64xf32>, vector<64x128xf32>, vector<4096x128xf32> -> vector<4096x128xf32>
    %reshape3A_12 = vector.shape_cast %dot_general3A_6 : vector<4096x128xf32> to vector<16x256x128xf32>
    %swap3A = arith.constant 0 : index
    %swap3A_13 = arith.constant 0 : index
    %swap3A_14 = arith.constant 0 : index
    %swap3A_15 = arith.constant 0 : index
    %swap3A_16 = vector.load %arg4[%swap3A, %swap3A_13, %swap3A_14, %swap3A_15] : memref<2x16x256x128xf32, #tpu.memory_space<vmem>>, vector<1x16x256x128xf32>
    %swap3A_17 = vector.shape_cast %swap3A_16 : vector<1x16x256x128xf32> to vector<16x256x128xf32>
    %swap3A_18 = vector.shape_cast %reshape3A_12 : vector<16x256x128xf32> to vector<1x16x256x128xf32>
    tpu.vector_store %arg4[%swap3A, %swap3A_13, %swap3A_14, %swap3A_15], %swap3A_18 {strides = array<i32>} : memref<2x16x256x128xf32, #tpu.memory_space<vmem>>, vector<1x16x256x128xf32>,
    %reshape3A_19 = vector.shape_cast %dot_general3A_11 : vector<4096x128xf32> to vector<16x256x128xf32>
    %swap3A_20 = arith.constant 1 : index
    %swap3A_21 = arith.constant 0 : index
    %swap3A_22 = arith.constant 0 : index
    %swap3A_23 = arith.constant 0 : index
    %swap3A_24 = vector.load %arg4[%swap3A_20, %swap3A_21, %swap3A_22, %swap3A_23] : memref<2x16x256x128xf32, #tpu.memory_space<vmem>>, vector<1x16x256x128xf32>
    %swap3A_25 = vector.shape_cast %swap3A_24 : vector<1x16x256x128xf32> to vector<16x256x128xf32>
    %swap3A_26 = vector.shape_cast %reshape3A_19 : vector<16x256x128xf32> to vector<1x16x256x128xf32>
    tpu.vector_store %arg4[%swap3A_20, %swap3A_21, %swap3A_22, %swap3A_23], %swap3A_26 {strides = array<i32>} : memref<2x16x256x128xf32, #tpu.memory_space<vmem>>, vector<1x16x256x128xf32>,
    return
  }
  func.func @transform_0(%arg0: i32) -> (i32, i32, i32) {
    %c0_i32 = arith.constant 0 : i32
    %c0_i32_0 = arith.constant 0 : i32
    %c0_i32_1 = arith.constant 0 : i32
    return %arg0, %c0_i32, %c0_i32_0 : i32, i32, i32
  }
  func.func @transform_1(%arg0: i32) -> (i32, i32) {
    %c0_i32 = arith.constant 0 : i32
    %c0_i32_0 = arith.constant 0 : i32
    %c0_i32_1 = arith.constant 0 : i32
    return %c0_i32, %c0_i32_0 : i32, i32
  }
  func.func @transform_2(%arg0: i32) -> (i32, i32) {
    %c0_i32 = arith.constant 0 : i32
    %c0_i32_0 = arith.constant 0 : i32
    %c0_i32_1 = arith.constant 0 : i32
    return %c0_i32, %c0_i32_0 : i32, i32
  }
  func.func @transform_3(%arg0: i32) -> (i32, i32, i32, i32) {
    %c0_i32 = arith.constant 0 : i32
    %c0_i32_0 = arith.constant 0 : i32
    %c0_i32_1 = arith.constant 0 : i32
    %c0_i32_2 = arith.constant 0 : i32
    return %c0_i32, %arg0, %c0_i32_0, %c0_i32_1 : i32, i32, i32, i32
  }
}

module attributes {stable_mosaic.version = 14 : i64} {
  func.func @_ln_proj_body(%arg0: i32, %arg1: memref<16x256x128xf32, #tpu.memory_space<vmem>>, %arg2: memref<1x128xf32, #tpu.memory_space<vmem>>, %arg3: memref<128x128xf32, #tpu.memory_space<vmem>>, %arg4: memref<128x128xf32, #tpu.memory_space<vmem>>, %arg5: memref<2x16x256x128xf32, #tpu.memory_space<vmem>>) attributes {dimension_semantics = [#tpu.dimension_semantics<arbitrary>], iteration_bounds = array<i64: 128>, scalar_prefetch = 0 : i64, scratch_operands = 0 : i64, tpu.core_type = #tpu.core_type<tc>, window_params = [{transform_indices = @transform_0, window_bounds = array<i64: 16, 256, 128>}, {pipeline_mode = #tpu.pipeline_mode<synchronous>, transform_indices = @transform_1, window_bounds = array<i64: 1, 128>}, {pipeline_mode = #tpu.pipeline_mode<synchronous>, transform_indices = @transform_2, window_bounds = array<i64: 128, 128>}, {pipeline_mode = #tpu.pipeline_mode<synchronous>, transform_indices = @transform_3, window_bounds = array<i64: 128, 128>}, {transform_indices = @transform_4, window_bounds = array<i64: 2, 16, 256, 128>}]} {
    %get3A = arith.constant 0 : index
    %get3A_0 = arith.constant 0 : index
    %get3A_1 = arith.constant 0 : index
    %get3A_2 = vector.load %arg1[%get3A, %get3A_0, %get3A_1] : memref<16x256x128xf32, #tpu.memory_space<vmem>>, vector<16x256x128xf32>
    %slice3A = vector.extract_strided_slice %get3A_2 {offsets = [0, 0, 0], sizes = [16, 255, 128], strides = [1, 1, 1]} : vector<16x256x128xf32> to vector<16x255x128xf32>
    %get3A_3 = arith.constant 0 : index
    %get3A_4 = arith.constant 0 : index
    %get3A_5 = vector.load %arg2[%get3A_3, %get3A_4] : memref<1x128xf32, #tpu.memory_space<vmem>>, vector<1x128xf32>
    %broadcast_in_dim3A = vector.shape_cast %get3A_5 : vector<1x128xf32> to vector<1x1x128xf32>
    %add3A = vector.broadcast %broadcast_in_dim3A : vector<1x1x128xf32> to vector<16x255x128xf32>
    %add3A_6 = arith.addf %slice3A, %add3A : vector<16x255x128xf32>
    %iota3A = tpu.iota {dimensions = array<i32: 2>} : vector<16x255x128xi32>
    %lt3A = arith.constant 64 : i32
    %lt3A_7 = vector.broadcast %lt3A : i32 to vector<16x255x128xi32>
    %lt3A_8 = arith.cmpi slt, %iota3A, %lt3A_7 : vector<16x255x128xi32>
    %jit3A = arith.constant 0.000000e+00 : f32
    %broadcast_in_dim3A_9 = vector.broadcast %jit3A : f32 to vector<16x255x128xf32>
    %select_n3A = arith.select %lt3A_8, %add3A_6, %broadcast_in_dim3A_9 : vector<16x255x128xi1>, vector<16x255x128xf32>
    %reduce_sum3A = arith.constant dense<0.000000e+00> : vector<16xf32>
    %reduce_sum3A_10 = vector.multi_reduction <add>, %select_n3A, %reduce_sum3A [1, 2] : vector<16x255x128xf32> to vector<16xf32>
    %div3A = arith.constant 1.638400e+04 : f32
    %div3A_11 = vector.broadcast %div3A : f32 to vector<16xf32>
    %div3A_12 = arith.divf %reduce_sum3A_10, %div3A_11 : vector<16xf32>
    %broadcast_in_dim3A_13 = vector.shape_cast %div3A_12 : vector<16xf32> to vector<16x1x1xf32>
    %iota3A_14 = tpu.iota {dimensions = array<i32: 2>} : vector<16x255x128xi32>
    %lt3A_15 = arith.constant 64 : i32
    %lt3A_16 = vector.broadcast %lt3A_15 : i32 to vector<16x255x128xi32>
    %lt3A_17 = arith.cmpi slt, %iota3A_14, %lt3A_16 : vector<16x255x128xi32>
    %sub3A = vector.broadcast %broadcast_in_dim3A_13 : vector<16x1x1xf32> to vector<16x255x128xf32>
    %sub3A_18 = arith.subf %add3A_6, %sub3A : vector<16x255x128xf32>
    %jit3A_19 = arith.constant 0.000000e+00 : f32
    %broadcast_in_dim3A_20 = vector.broadcast %jit3A_19 : f32 to vector<16x255x128xf32>
    %select_n3A_21 = arith.select %lt3A_17, %sub3A_18, %broadcast_in_dim3A_20 : vector<16x255x128xi1>, vector<16x255x128xf32>
    %mul3A = arith.mulf %select_n3A_21, %select_n3A_21 : vector<16x255x128xf32>
    %reduce_sum3A_22 = arith.constant dense<0.000000e+00> : vector<16xf32>
    %reduce_sum3A_23 = vector.multi_reduction <add>, %mul3A, %reduce_sum3A_22 [1, 2] : vector<16x255x128xf32> to vector<16xf32>
    %broadcast_in_dim3A_24 = vector.shape_cast %reduce_sum3A_23 : vector<16xf32> to vector<16x1x1xf32>
    %mul3A_25 = arith.constant 6.400000e+01 : f32
    %mul3A_26 = vector.broadcast %mul3A_25 : f32 to vector<16x1x1xf32>
    %mul3A_27 = arith.mulf %mul3A_26, %broadcast_in_dim3A_13 : vector<16x1x1xf32>
    %mul3A_28 = arith.mulf %mul3A_27, %broadcast_in_dim3A_13 : vector<16x1x1xf32>
    %add3A_29 = arith.addf %broadcast_in_dim3A_24, %mul3A_28 : vector<16x1x1xf32>
    %div3A_30 = arith.constant 1.638300e+04 : f32
    %div3A_31 = vector.broadcast %div3A_30 : f32 to vector<16x1x1xf32>
    %div3A_32 = arith.divf %add3A_29, %div3A_31 : vector<16x1x1xf32>
    %sqrt3A = math.sqrt %div3A_32 : vector<16x1x1xf32>
    %add3A_33 = arith.constant 9.99999974E-6 : f32
    %add3A_34 = vector.broadcast %add3A_33 : f32 to vector<16x1x1xf32>
    %add3A_35 = arith.addf %sqrt3A, %add3A_34 : vector<16x1x1xf32>
    %div3A_36 = arith.constant 1.000000e+00 : f32
    %div3A_37 = vector.broadcast %div3A_36 : f32 to vector<16x1x1xf32>
    %div3A_38 = arith.divf %div3A_37, %add3A_35 : vector<16x1x1xf32>
    %mul3A_39 = vector.broadcast %div3A_38 : vector<16x1x1xf32> to vector<16x255x128xf32>
    %mul3A_40 = arith.mulf %select_n3A_21, %mul3A_39 : vector<16x255x128xf32>
    %max3A = arith.constant 0.000000e+00 : f32
    %max3A_41 = vector.broadcast %max3A : f32 to vector<16x255x128xf32>
    %max3A_42 = arith.maximumf %mul3A_40, %max3A_41 : vector<16x255x128xf32>
    %neg3A = arith.constant 0.000000e+00 : f32
    %neg3A_43 = vector.broadcast %neg3A : f32 to vector<16x1x1xf32>
    %neg3A_44 = arith.subf %neg3A_43, %broadcast_in_dim3A_13 : vector<16x1x1xf32>
    %mul3A_45 = arith.mulf %neg3A_44, %div3A_38 : vector<16x1x1xf32>
    %max3A_46 = arith.constant 0.000000e+00 : f32
    %max3A_47 = vector.broadcast %max3A_46 : f32 to vector<16x1x1xf32>
    %max3A_48 = arith.maximumf %mul3A_45, %max3A_47 : vector<16x1x1xf32>
    %broadcast_in_dim3A_49 = vector.shape_cast %max3A_48 : vector<16x1x1xf32> to vector<16x1x1xf32>
    %broadcast_in_dim3A_50 = vector.broadcast %broadcast_in_dim3A_49 : vector<16x1x1xf32> to vector<16x1x128xf32>
    %concatenate3A = tpu.concatenate %broadcast_in_dim3A_50, %max3A_42 in 1 : vector<16x1x128xf32>, vector<16x255x128xf32> -> vector<16x256x128xf32>
    %reshape3A = vector.shape_cast %concatenate3A : vector<16x256x128xf32> to vector<4096x128xf32>
    %get3A_51 = arith.constant 0 : index
    %get3A_52 = arith.constant 0 : index
    %get3A_53 = vector.load %arg3[%get3A_51, %get3A_52] : memref<128x128xf32, #tpu.memory_space<vmem>>, vector<128x128xf32>
    %dot_general3A = arith.constant dense<0.000000e+00> : vector<4096x128xf32>
    %dot_general3A_54 = tpu.matmul %reshape3A, %get3A_53, %dot_general3A {dimension_numbers = #tpu.dot_dimension_numbers<[1], [0], [0], [1], [0, 0, 1, 1], [], []>, transpose_lhs_hint = false} : vector<4096x128xf32>, vector<128x128xf32>, vector<4096x128xf32> -> vector<4096x128xf32>
    %get3A_55 = arith.constant 0 : index
    %get3A_56 = arith.constant 0 : index
    %get3A_57 = vector.load %arg4[%get3A_55, %get3A_56] : memref<128x128xf32, #tpu.memory_space<vmem>>, vector<128x128xf32>
    %dot_general3A_58 = arith.constant dense<0.000000e+00> : vector<4096x128xf32>
    %dot_general3A_59 = tpu.matmul %reshape3A, %get3A_57, %dot_general3A_58 {dimension_numbers = #tpu.dot_dimension_numbers<[1], [0], [0], [1], [0, 0, 1, 1], [], []>, transpose_lhs_hint = false} : vector<4096x128xf32>, vector<128x128xf32>, vector<4096x128xf32> -> vector<4096x128xf32>
    %reshape3A_60 = vector.shape_cast %dot_general3A_54 : vector<4096x128xf32> to vector<16x256x128xf32>
    %swap3A = arith.constant 0 : index
    %swap3A_61 = arith.constant 0 : index
    %swap3A_62 = arith.constant 0 : index
    %swap3A_63 = arith.constant 0 : index
    %swap3A_64 = vector.load %arg5[%swap3A, %swap3A_61, %swap3A_62, %swap3A_63] : memref<2x16x256x128xf32, #tpu.memory_space<vmem>>, vector<1x16x256x128xf32>
    %swap3A_65 = vector.shape_cast %swap3A_64 : vector<1x16x256x128xf32> to vector<16x256x128xf32>
    %swap3A_66 = vector.shape_cast %reshape3A_60 : vector<16x256x128xf32> to vector<1x16x256x128xf32>
    tpu.vector_store %arg5[%swap3A, %swap3A_61, %swap3A_62, %swap3A_63], %swap3A_66 {strides = array<i32>} : memref<2x16x256x128xf32, #tpu.memory_space<vmem>>, vector<1x16x256x128xf32>,
    %reshape3A_67 = vector.shape_cast %dot_general3A_59 : vector<4096x128xf32> to vector<16x256x128xf32>
    %swap3A_68 = arith.constant 1 : index
    %swap3A_69 = arith.constant 0 : index
    %swap3A_70 = arith.constant 0 : index
    %swap3A_71 = arith.constant 0 : index
    %swap3A_72 = vector.load %arg5[%swap3A_68, %swap3A_69, %swap3A_70, %swap3A_71] : memref<2x16x256x128xf32, #tpu.memory_space<vmem>>, vector<1x16x256x128xf32>
    %swap3A_73 = vector.shape_cast %swap3A_72 : vector<1x16x256x128xf32> to vector<16x256x128xf32>
    %swap3A_74 = vector.shape_cast %reshape3A_67 : vector<16x256x128xf32> to vector<1x16x256x128xf32>
    tpu.vector_store %arg5[%swap3A_68, %swap3A_69, %swap3A_70, %swap3A_71], %swap3A_74 {strides = array<i32>} : memref<2x16x256x128xf32, #tpu.memory_space<vmem>>, vector<1x16x256x128xf32>,
    return
  }
  func.func @transform_0(%arg0: i32) -> (i32, i32, i32) {
    %c0_i32 = arith.constant 0 : i32
    %c0_i32_0 = arith.constant 0 : i32
    %c0_i32_1 = arith.constant 0 : i32
    return %arg0, %c0_i32, %c0_i32_0 : i32, i32, i32
  }
  func.func @transform_1(%arg0: i32) -> (i32, i32) {
    %c0_i32 = arith.constant 0 : i32
    %c0_i32_0 = arith.constant 0 : i32
    %c0_i32_1 = arith.constant 0 : i32
    return %c0_i32, %c0_i32_0 : i32, i32
  }
  func.func @transform_2(%arg0: i32) -> (i32, i32) {
    %c0_i32 = arith.constant 0 : i32
    %c0_i32_0 = arith.constant 0 : i32
    %c0_i32_1 = arith.constant 0 : i32
    return %c0_i32, %c0_i32_0 : i32, i32
  }
  func.func @transform_3(%arg0: i32) -> (i32, i32) {
    %c0_i32 = arith.constant 0 : i32
    %c0_i32_0 = arith.constant 0 : i32
    %c0_i32_1 = arith.constant 0 : i32
    return %c0_i32, %c0_i32_0 : i32, i32
  }
  func.func @transform_4(%arg0: i32) -> (i32, i32, i32, i32) {
    %c0_i32 = arith.constant 0 : i32
    %c0_i32_0 = arith.constant 0 : i32
    %c0_i32_1 = arith.constant 0 : i32
    %c0_i32_2 = arith.constant 0 : i32
    return %c0_i32, %arg0, %c0_i32_0, %c0_i32_1 : i32, i32, i32, i32
  }
}

module attributes {stable_mosaic.version = 14 : i64} {
  func.func @_ln_pool_body(%arg0: i32, %arg1: memref<64x256x128xf32, #tpu.memory_space<vmem>>, %arg2: memref<1x128xf32, #tpu.memory_space<vmem>>, %arg3: memref<64x64xf32, #tpu.memory_space<vmem>>) attributes {dimension_semantics = [#tpu.dimension_semantics<arbitrary>], iteration_bounds = array<i64: 32>, scalar_prefetch = 0 : i64, scratch_operands = 0 : i64, tpu.core_type = #tpu.core_type<tc>, window_params = [{transform_indices = @transform_0, window_bounds = array<i64: 64, 256, 128>}, {pipeline_mode = #tpu.pipeline_mode<synchronous>, transform_indices = @transform_1, window_bounds = array<i64: 1, 128>}, {transform_indices = @transform_2, window_bounds = array<i64: 64, 64>}]} {
    %get3A = arith.constant 0 : index
    %get3A_0 = arith.constant 0 : index
    %get3A_1 = arith.constant 0 : index
    %get3A_2 = vector.load %arg1[%get3A, %get3A_0, %get3A_1] : memref<64x256x128xf32, #tpu.memory_space<vmem>>, vector<64x256x128xf32>
    %slice3A = vector.extract_strided_slice %get3A_2 {offsets = [0, 0, 0], sizes = [64, 255, 128], strides = [1, 1, 1]} : vector<64x256x128xf32> to vector<64x255x128xf32>
    %get3A_3 = arith.constant 0 : index
    %get3A_4 = arith.constant 0 : index
    %get3A_5 = vector.load %arg2[%get3A_3, %get3A_4] : memref<1x128xf32, #tpu.memory_space<vmem>>, vector<1x128xf32>
    %broadcast_in_dim3A = vector.shape_cast %get3A_5 : vector<1x128xf32> to vector<1x1x128xf32>
    %add3A = vector.broadcast %broadcast_in_dim3A : vector<1x1x128xf32> to vector<64x255x128xf32>
    %add3A_6 = arith.addf %slice3A, %add3A : vector<64x255x128xf32>
    %iota3A = tpu.iota {dimensions = array<i32: 2>} : vector<64x255x128xi32>
    %lt3A = arith.constant 64 : i32
    %lt3A_7 = vector.broadcast %lt3A : i32 to vector<64x255x128xi32>
    %lt3A_8 = arith.cmpi slt, %iota3A, %lt3A_7 : vector<64x255x128xi32>
    %jit3A = arith.constant 0.000000e+00 : f32
    %broadcast_in_dim3A_9 = vector.broadcast %jit3A : f32 to vector<64x255x128xf32>
    %select_n3A = arith.select %lt3A_8, %add3A_6, %broadcast_in_dim3A_9 : vector<64x255x128xi1>, vector<64x255x128xf32>
    %reduce_sum3A = arith.constant dense<0.000000e+00> : vector<64xf32>
    %reduce_sum3A_10 = vector.multi_reduction <add>, %select_n3A, %reduce_sum3A [1, 2] : vector<64x255x128xf32> to vector<64xf32>
    %div3A = arith.constant 1.638400e+04 : f32
    %div3A_11 = vector.broadcast %div3A : f32 to vector<64xf32>
    %div3A_12 = arith.divf %reduce_sum3A_10, %div3A_11 : vector<64xf32>
    %broadcast_in_dim3A_13 = vector.shape_cast %div3A_12 : vector<64xf32> to vector<64x1x1xf32>
    %iota3A_14 = tpu.iota {dimensions = array<i32: 2>} : vector<64x255x128xi32>
    %lt3A_15 = arith.constant 64 : i32
    %lt3A_16 = vector.broadcast %lt3A_15 : i32 to vector<64x255x128xi32>
    %lt3A_17 = arith.cmpi slt, %iota3A_14, %lt3A_16 : vector<64x255x128xi32>
    %sub3A = vector.broadcast %broadcast_in_dim3A_13 : vector<64x1x1xf32> to vector<64x255x128xf32>
    %sub3A_18 = arith.subf %add3A_6, %sub3A : vector<64x255x128xf32>
    %jit3A_19 = arith.constant 0.000000e+00 : f32
    %broadcast_in_dim3A_20 = vector.broadcast %jit3A_19 : f32 to vector<64x255x128xf32>
    %select_n3A_21 = arith.select %lt3A_17, %sub3A_18, %broadcast_in_dim3A_20 : vector<64x255x128xi1>, vector<64x255x128xf32>
    %mul3A = arith.mulf %select_n3A_21, %select_n3A_21 : vector<64x255x128xf32>
    %reduce_sum3A_22 = arith.constant dense<0.000000e+00> : vector<64xf32>
    %reduce_sum3A_23 = vector.multi_reduction <add>, %mul3A, %reduce_sum3A_22 [1, 2] : vector<64x255x128xf32> to vector<64xf32>
    %broadcast_in_dim3A_24 = vector.shape_cast %reduce_sum3A_23 : vector<64xf32> to vector<64x1x1xf32>
    %mul3A_25 = arith.constant 6.400000e+01 : f32
    %mul3A_26 = vector.broadcast %mul3A_25 : f32 to vector<64x1x1xf32>
    %mul3A_27 = arith.mulf %mul3A_26, %broadcast_in_dim3A_13 : vector<64x1x1xf32>
    %mul3A_28 = arith.mulf %mul3A_27, %broadcast_in_dim3A_13 : vector<64x1x1xf32>
    %add3A_29 = arith.addf %broadcast_in_dim3A_24, %mul3A_28 : vector<64x1x1xf32>
    %div3A_30 = arith.constant 1.638300e+04 : f32
    %div3A_31 = vector.broadcast %div3A_30 : f32 to vector<64x1x1xf32>
    %div3A_32 = arith.divf %add3A_29, %div3A_31 : vector<64x1x1xf32>
    %sqrt3A = math.sqrt %div3A_32 : vector<64x1x1xf32>
    %add3A_33 = arith.constant 9.99999974E-6 : f32
    %add3A_34 = vector.broadcast %add3A_33 : f32 to vector<64x1x1xf32>
    %add3A_35 = arith.addf %sqrt3A, %add3A_34 : vector<64x1x1xf32>
    %div3A_36 = arith.constant 1.000000e+00 : f32
    %div3A_37 = vector.broadcast %div3A_36 : f32 to vector<64x1x1xf32>
    %div3A_38 = arith.divf %div3A_37, %add3A_35 : vector<64x1x1xf32>
    %mul3A_39 = vector.broadcast %div3A_38 : vector<64x1x1xf32> to vector<64x255x128xf32>
    %mul3A_40 = arith.mulf %select_n3A_21, %mul3A_39 : vector<64x255x128xf32>
    %max3A = arith.constant 0.000000e+00 : f32
    %max3A_41 = vector.broadcast %max3A : f32 to vector<64x255x128xf32>
    %max3A_42 = arith.maximumf %mul3A_40, %max3A_41 : vector<64x255x128xf32>
    %neg3A = arith.constant 0.000000e+00 : f32
    %neg3A_43 = vector.broadcast %neg3A : f32 to vector<64x1x1xf32>
    %neg3A_44 = arith.subf %neg3A_43, %broadcast_in_dim3A_13 : vector<64x1x1xf32>
    %mul3A_45 = arith.mulf %neg3A_44, %div3A_38 : vector<64x1x1xf32>
    %max3A_46 = arith.constant 0.000000e+00 : f32
    %max3A_47 = vector.broadcast %max3A_46 : f32 to vector<64x1x1xf32>
    %max3A_48 = arith.maximumf %mul3A_45, %max3A_47 : vector<64x1x1xf32>
    %reduce_max3A = arith.constant dense<0xFF800000> : vector<64x128xf32>
    %reduce_max3A_49 = vector.multi_reduction <maximumf>, %max3A_42, %reduce_max3A [1] : vector<64x255x128xf32> to vector<64x128xf32>
    %squeeze3A = vector.shape_cast %max3A_48 : vector<64x1x1xf32> to vector<64x1xf32>
    %max3A_50 = vector.broadcast %squeeze3A : vector<64x1xf32> to vector<64x128xf32>
    %max3A_51 = arith.maximumf %reduce_max3A_49, %max3A_50 : vector<64x128xf32>
    %slice3A_52 = vector.extract_strided_slice %max3A_51 {offsets = [0, 0], sizes = [64, 64], strides = [1, 1]} : vector<64x128xf32> to vector<64x64xf32>
    %swap3A = arith.constant 0 : index
    %swap3A_53 = arith.constant 0 : index
    %swap3A_54 = vector.load %arg3[%swap3A, %swap3A_53] : memref<64x64xf32, #tpu.memory_space<vmem>>, vector<64x64xf32>
    tpu.vector_store %arg3[%swap3A, %swap3A_53], %slice3A_52 {strides = array<i32>} : memref<64x64xf32, #tpu.memory_space<vmem>>, vector<64x64xf32>,
    return
  }
  func.func @transform_0(%arg0: i32) -> (i32, i32, i32) {
    %c0_i32 = arith.constant 0 : i32
    %c0_i32_0 = arith.constant 0 : i32
    %c0_i32_1 = arith.constant 0 : i32
    return %arg0, %c0_i32, %c0_i32_0 : i32, i32, i32
  }
  func.func @transform_1(%arg0: i32) -> (i32, i32) {
    %c0_i32 = arith.constant 0 : i32
    %c0_i32_0 = arith.constant 0 : i32
    %c0_i32_1 = arith.constant 0 : i32
    return %c0_i32, %c0_i32_0 : i32, i32
  }
  func.func @transform_2(%arg0: i32) -> (i32, i32) {
    %c0_i32 = arith.constant 0 : i32
    %c0_i32_0 = arith.constant 0 : i32
    return %arg0, %c0_i32 : i32, i32
  }
}

</mosaic_0001>

<sc_bundles>
// kernel: kernel.10.cloned.1.call-start
scs
__scs_entry_jumppad:
0x0: {  	(pc) =	sbr.rel $0x88, $3  }
0x1: {  	(tag) =	ssettag $0x0;
	lr =	simm.s32 $0x1  }
0x2: {  	[smem:$0x3F9B] =	sst lr;
	_ =	strace $0xD0000000  }
0x3: {  	_ = 	snop  }
0x4: {  	_ = 	snop  }
0x5: {  	_ = 	snop  }
0x6: {  	_ = 	snop  }
0x7: {  	_ = 	snop  }
__scs_overlays_trampoline_lowered:
0x8: {  	[smem:$0x3FAA] =	sst s0  }
0x9: {  	[smem:$0x3FAB] =	sst s1  }
0xa: {  	[smem:$0x3FAC] =	sst s2  }
0xb: {  	[smem:$0x3FAD] =	sst s3  }
0xc: {  	[smem:$0x3FAE] =	sst s4  }
0xd: {  	[smem:$0x3FAF] =	sst s5  }
0xe: {  	[smem:$0x3FB0] =	sst s6  }
0xf: {  	[smem:$0x3FB1] =	sst s7  }
0x10: {  	[smem:$0x3FB2] =	sst s8  }
0x11: {  	[smem:$0x3FB3] =	sst s9;
	s0 =	simm.s32 @!p0 $0x0  }
0x12: {  	s1 =	sld [smem:$0x3F99];
	s0 =	simm.s32 @p0 $0x1  }
0x13: {  	[smem:$0x3FB4] =	sst s0;
	s0 =	simm.s32 @!p1 $0x0  }
0x14: {  	s2 =	sld [smem:$0x3F98];
	s0 =	simm.s32 @p1 $0x1  }
0x15: {  	[smem:$0x3FB5] =	sst s0;
	s0 =	simm.s32 @!p2 $0x0  }
0x16: {  	s3 =	sld [smem:$0x3FDB];
	s0 =	simm.s32 @p2 $0x1  }
0x17: {  	s4 =	simm.s32 $0x1BF5;
	[smem:$0x3FB7] =	sst s0  }
0x18: {  	s0 =	sld [smem:$0x3F9A];
	_ =	swait.ge [sflag:s4], $0x0  }
0x19: {  	s7 =	sld [smem:$0x3F9B]  }
0x1a: {  	s8 =	sadd.s32 $0xFFFFE003, lr  }
0x1b: {  	s9 =	sadd.s32 $0xFFFFFEF7, lr;
	s5 =	simm.s32 $0xFFFFFFFF;
	p2 =	slt.u32 s8, $0xFFFFF086  }
0x1c: {  	p1 =	slt.u32 s9, $0xF7A;
	s5 =	simm.s32 @!p2 $0x0  }
0x1d: {  	s5 =	simm.s32 @p1 $0x1;
	p0 =	seq.s32 s7, s2  }
0x1e: {  	s7 =	smul.u32 @!p0 $0xF7A, s2;
	p2 =	seq.s32 @!p0 s5, $0x0  }
0x1f: {  	s9 =	smul.u32 $0xF7A, s1;
	s8 =	simm.s32 @!p0 $0x1BF5;
	p2 =	por !p2, p0  }
0x20: {  	[sflag:s8] =	ssyncset.s32 @!p0 $0xFFFFF086;
	s6 =	sadd.s32 @!p0 s3, s7;
	s7 =	simm.s32 @!p0 $0x108  }
0x21: {  	s3 =	sadd.s32 s3, s9;
	s6 =	sadd.s32 @!p0 $0x88, s6;
	s7 =	simm.s32 @p2 $0x1082  }
0x22: {  	[simem:s7], [sflag:s8] =	dma.local @!p0 [hbm:s6], $0xF7A  }
0x23: {  	s9 =	sor.u32 $0xD0000000, s2;
	s6 =	simm.s32 $0x108;
	_ =	swait.ge @!p0 [sflag:s8], $0x0  }
0x24: {  	s3 =	sadd.s32 $0x88, s3;
	s6 =	simm.s32 @!p1 $0x1082;
	[sflag:s4] =	ssyncset.s32 $0xFFFFF086  }
0x25: {  	[simem:s6], [sflag:s4] =	dma.local [hbm:s3], $0xF7A  }
0x26: {  	[smem:$0x3F9B] =	sst s1;
	(tag) =	ssettag s2;
	_ =	strace s9  }
0x27: {  	s1 =	sld [smem:$0x3FAB]  }
0x28: {  	s2 =	sld [smem:$0x3FAC]  }
0x29: {  	s4 =	sld [smem:$0x3FAE]  }
0x2a: {  	p0 =	seq.s32 s5, $0x0;
	s5 =	sld [smem:$0x3FAF]  }
0x2b: {  	s6 =	sld [smem:$0x3FB0]  }
0x2c: {  	s7 =	sld [smem:$0x3FB1]  }
0x2d: {  	s3 =	simm.s32 $0x108;
	s8 =	sld [smem:$0x3FB2]  }
0x2e: {  	s3 =	simm.s32 @!p0 $0x1082;
	s9 =	sld [smem:$0x3FB3]  }
0x2f: {  	lr =	sadd.s32 s0, s3;
	s0 =	sld [smem:$0x3FAA]  }
0x30: {  	s3 =	sld [smem:$0x3FAD]  }
0x31: {  	[smem:$0x3FB6] =	sst s10  }
0x32: {  	s10 =	sld [smem:$0x3FB4];
	_ =	sdelay $0x3  }
0x33: {  	p0 =	seq.s32 s10, $0x1;
	s10 =	sld [smem:$0x3FB6];
	_ =	sdelay $0x3  }
0x34: {  	[smem:$0x3FB6] =	sst s10  }
0x35: {  	s10 =	sld [smem:$0x3FB5];
	_ =	sdelay $0x3  }
0x36: {  	p1 =	seq.s32 s10, $0x1;
	s10 =	sld [smem:$0x3FB6];
	_ =	sdelay $0x3  }
0x37: {  	[smem:$0x3FB6] =	sst s10  }
0x38: {  	s10 =	sld [smem:$0x3FB7]  }
0x39: {  	_ = 	snop;
	(pc) =	sbr.ind lr, $3  }
0x3a: {  	_ = 	snop  }
0x3b: {  	_ = 	snop  }
0x3c: {  	p2 =	seq.s32 s10, $0x1;
	s10 =	sld [smem:$0x3FB6]  }
0x3d: {  	_ =	shalt  }
0x3e: {  	_ =	shalt  }
0x3f: {  	_ =	shalt  }
0x40: {  	_ =	shalt  }
0x41: {  	_ =	shalt  }
0x42: {  	_ =	shalt  }
0x43: {  	_ =	shalt  }
0x44: {  	_ =	shalt  }
0x45: {  	_ =	shalt  }
0x46: {  	_ =	shalt  }
0x47: {  	_ =	shalt  }
0x48: {  	_ =	shalt  }
0x49: {  	_ =	shalt  }
0x4a: {  	_ =	shalt  }
0x4b: {  	_ =	shalt  }
0x4c: {  	_ =	shalt  }
0x4d: {  	_ =	shalt  }
0x4e: {  	_ =	shalt  }
0x4f: {  	_ =	shalt  }
0x50: {  	_ =	shalt  }
0x51: {  	_ =	shalt  }
0x52: {  	_ =	shalt  }
0x53: {  	_ =	shalt  }
0x54: {  	_ =	shalt  }
0x55: {  	_ =	shalt  }
0x56: {  	_ =	shalt  }
0x57: {  	_ =	shalt  }
0x58: {  	_ =	shalt  }
0x59: {  	_ =	shalt  }
0x5a: {  	_ =	shalt  }
0x5b: {  	_ =	shalt  }
0x5c: {  	_ =	shalt  }
0x5d: {  	_ =	shalt  }
0x5e: {  	_ =	shalt  }
0x5f: {  	_ =	shalt  }
0x60: {  	_ =	shalt  }
0x61: {  	_ =	shalt  }
0x62: {  	_ =	shalt  }
0x63: {  	_ =	shalt  }
0x64: {  	_ =	shalt  }
0x65: {  	_ =	shalt  }
0x66: {  	_ =	shalt  }
0x67: {  	_ =	shalt  }
0x68: {  	_ =	shalt  }
0x69: {  	_ =	shalt  }
0x6a: {  	_ =	shalt  }
0x6b: {  	_ =	shalt  }
0x6c: {  	_ =	shalt  }
0x6d: {  	_ =	shalt  }
0x6e: {  	_ =	shalt  }
0x6f: {  	_ =	shalt  }
0x70: {  	_ =	shalt  }
0x71: {  	_ =	shalt  }
0x72: {  	_ =	shalt  }
0x73: {  	_ =	shalt  }
0x74: {  	_ =	shalt  }
0x75: {  	_ =	shalt  }
0x76: {  	_ =	shalt  }
0x77: {  	_ =	shalt  }
0x78: {  	_ =	shalt  }
0x79: {  	_ =	shalt  }
0x7a: {  	_ =	shalt  }
0x7b: {  	_ =	shalt  }
0x7c: {  	_ =	shalt  }
0x7d: {  	_ =	shalt  }
0x7e: {  	_ =	shalt  }
0x7f: {  	_ =	shalt  }
0x80: {  	_ =	shalt  }
0x81: {  	_ =	shalt  }
0x82: {  	_ =	shalt  }
0x83: {  	_ =	shalt  }
0x84: {  	_ =	shalt  }
0x85: {  	_ =	shalt  }
0x86: {  	_ =	shalt  }
0x87: {  	_ =	shalt  }
.Lfunc_end0:
.L_simem_size_0:
called_computation.1_lowered:
.L_overlay_start_0:
0x88: {  	s2 =	sld [smem:$0x3FD9]  }
0x89: {  	s3 =	sld [smem:$0x3FFE];
	_ =	sdelay $0x1  }
0x8a: {  	s1 =	srdreg.scid  }
0x8b: {  	s0 =	sand.u32 $0x1, s1  }
0x8c: {  	s16 =	sshll.u32 s0, $0xA;
	s2 =	sadd.s32 s3, s2  }
0x8d: {  	s2 =	sadd.s32 s2, s16  }
0x8e: {  	[smem:$0x3FC2] =	sst s2  }
0x8f: {  	_ = 	snop  }
0x90: {  	(tm) =	ssettm $0x1  }
0x91: {  	s17 =	sld [smem:$0x3FFB];
	_ =	sdelay $0x3  }
0x92: {  	_ =	strace s17  }
0x93: {  	s2 =	sld [smem:$0x3FFC];
	_ =	sdelay $0x3  }
0x94: {  	_ =	strace s2  }
0x95: {  	s2 =	sld [smem:$0x3FFD];
	_ =	sdelay $0x3  }
0x96: {  	_ =	strace s2  }
0x97: {  	_ =	strace $0x8FFFFFFF  }
0x98: {  	s18 =	sld [smem:$0x3FDB];
	_ =	sdelay $0x1  }
0x99: {  	s19 =	simm.s32 $_scs_section_size  }
0x9a: {  	s4 =	simm.s32 $_size__tile_overlayer_lowered;
	s5 =	simm.s32 $_tile_overlayer_lowered  }
0x9b: {  	s22 =	simm.s32 $0x1BFF;
	s21 =	sshll.u32 s5, $0x1;
	s2 =	sadd.s32 s19, s18  }
0x9c: {  	s6 =	simm.s32 $0x0;
	s20 =	sshll.u32 s4, $0x1;
	s4 =	sadd.s32 s21, s2  }
0x9d: {  	[timem:s6], [sflag:s22] =	dma.local [hbm:s4], s20  }
0x9e: {  	_ =	swait.ge [sflag:s22], s20  }
0x9f: {  	s3 =	ssub.s32 $0x0, s20;
	[sflag:s22] =	ssyncset.done $0x0  }
0xa0: {  	[sflag:s22] =	ssyncadd.s32 s3;
	_ =	sdelay $0x1  }
0xa1: {  	s23 =	simm.s32 $0x1B8B  }
0xa2: {  	_ =	swait.ge [sflag:s23], $0x1  }
0xa3: {  	[sflag:s23] =	ssyncset.done $0x0  }
0xa4: {  	s25 =	simm.s32 $0x1B8E;
	s24 =	sld [smem:$0x3FFE];
	[sflag:s23] =	ssyncadd.s32 $0xFFFFFFFF  }
0xa5: {  	s26 =	simm.s32 $execute0_lowered;
	[smem:$0x3FD2] =	sst s25  }
0xa6: {  	s4 =	sshll.u32 s26, $0x1;
	_ =	strace $0x80000049;
	[dreg:$0x1] =	wrdreg $0xFFFFFFFF  }
0xa7: {  	s28 =	simm.s32 $_size_execute0_lowered;
	s2 =	sadd.s32 s2, s4;
	[dreg:$0x0] =	wrdreg $0x0  }
0xa8: {  	s4 =	sshll.u32 s28, $0x1;
	[dreg:$0x2] =	wrdreg s2  }
0xa9: {  	[dreg:$0x3] =	wrdreg s4  }
0xaa: {  	[dreg:$0x4] =	wrdreg $0xC0  }
0xab: {  	_ =	task [dreg:s6], $0x5FFFF  }
0xac: {  	[dreg:$0x1] =	wrdreg $0xFFFFFFFF  }
0xad: {  	[dreg:$0x0] =	wrdreg $0x60  }
0xae: {  	[dreg:$0x2] =	wrdreg s24  }
0xaf: {  	[dreg:$0x3] =	wrdreg $0x9  }
0xb0: {  	_ =	task.clear_ibuf [dreg:s6], $0x4FFFF;
	_ =	strace $0x90000049  }
0xb1: {  	s29 =	simm.s32 $0x9;
	_ =	strace $0x8000004B  }
0xb2: {  	_ =	swait.ge [sflag:s29], $0x1  }
0xb3: {  	[sflag:s29] =	ssyncadd.s32 $0xFFFFFFFF  }
0xb4: {  	_ =	strace $0x9000004B  }
0xb5: {  	_ =	sfence  }
0xb6: {  	s30 =	sld [smem:$0x0];
	_ =	sdelay $0x2  }
0xb7: {  	s31 =	sshll.u32 s1, $0xD;
	s1 =	sshrl.u32 s1, $0x2  }
0xb8: {  	s3 =	sand.u32 $0x4000, s31;
	s1 =	sadd.s32 s1, s30  }
0xb9: {  	s0 =	sor.u32 s3, s0;
	s1 =	sshll.u32 s1, $0x11  }
0xba: {  	s0 =	sor.u32 s1, s0  }
0xbb: {  	s0 =	sadd.s32 $0x8F2B, s0  }
0xbc: {  	[sflag:s0] =	ssyncadd.remote.s32 $0x1  }
0xbd: {  	_ =	sfence.sel $0xFFFF  }
0xbe: {  	[dreg:$0x0] =	wrdreg $0xFFFFFFFF;
	(pc) =	sbr.abs _section_cstart, $3  }
0xbf: {  	[dreg:$0x1] =	wrdreg $0xFFFFFFFF  }
0xc0: {  	_ =	task.clear_ibuf [dreg:s6], $0x2FFFF;
	_ =	strace $0x9FFFFFFF  }
0xc1: {  	(tm) =	ssettm $0x7FFFFFFF  }
tec
execute0_lowered:
.L_overlay_start_1:
0x0: {  	(tag) =	ssettag $0x1  }
0x1: {  	s0 =	rddreg [dreg:$0x0];
	s1 =	srdreg.scid  }
0x2: {  	s3 =	stileid.u32;
	s2 =	simm.s32 $0x0;
	s12 =	simm.s32 $0x5  }
0x3: {  	s13 =	simm.s32 $0x80;
	s17 =	simm.s32 $0x200;
	s18 =	simm.s32 $0x8600  }
0x4: {  	s19 =	simm.s32 $0xC600;
	s20 =	simm.s32 $0x180;
	s21 =	simm.s32 $0x10600  }
0x5: {  	s22 =	simm.s32 $0x280;
	s23 =	simm.s32 $0x14600;
	s24 =	simm.s32 $0x300  }
0x6: {  	s25 =	simm.s32 $0x1;
	s26 =	simm.s32 $0x18600;
	s28 =	simm.s32 $0x2  }
0x7: {  	s29 =	simm.s32 $0x4;
	s30 =	simm.s32 $0x0;
	s1 =	sand.u32 $0x1, s1  }
0x8: {  	s3 =	sshll.u32 s3, $0x1;
	[smem:$0x7FF] =	sst s2;
	s4 =	sadd.s32 $0x1000, s0  }
.Ltmp0:
0x9: {  	s5 =	sadd.s32 $0x1031000, s0;
	s7 =	sor.u32 s1, s3;
	(pc) =	sbr.rel .LBB2_1-.Ltmp0, $4  }
0xa: {  	s10 =	sadd.s32 $0x1031800, s0;
	s1 =	ssub.s32 $0x2, s1;
	s6 =	smul.u32 $0x1800, s7  }
0xb: {  	_ =	strace $0x8000004A;
	s3 =	sadd.s32 $0x31000, s0;
	s8 =	sshrl.u32 s1, $0x1  }
0xc: {  	s7 =	sshll.u32 s7, $0x6;
	s1 =	ssub.s32 s1, s8;
	s6 =	sadd.s32 s4, s6  }
0xd: {  	s9 =	sor.u32 $0x2, s7;
	s11 =	smax.u32 s1, $0x1;
	s8 =	sadd.s32 $0x60, s6  }
.LBB2_8:
0xe: {  	s30 =	sadd.s32 $0x1, s30  }
0xf: {  	p0 =	sne.s32 s30, s11  }
.Ltmp1:
0x10: {  	_ = 	snop;
	(pc) =	sbr.rel @!p0 .LBB2_9-.Ltmp1, $4  }
0x11: {  	_ = 	snop  }
0x12: {  	_ =	swait.ge [sflag:s29], $0x4000  }
0x13: {  	[sflag:s29] =	ssyncset.done $0x0  }
0x14: {  	[sflag:s29] =	ssyncadd.s32 $0xFFFFC000  }
.LBB2_1:
0x15: {  	[tilespmem:s2], [sflag:$0x5] =	stream.linear.gather [hbm4b:s6+s2], $0x300, $0x38;
	[tilespmem:$0x1C600] =	vst v63  }
0x16: {  	_ =	swait.ge [sflag:s12], $0x300  }
0x17: {  	[sflag:s12] =	ssyncset.done $0x0  }
0x18: {  	s0 =	simm.s32 $0x600;
	[sflag:s12] =	ssyncadd.s32 $0xFFFFFD00  }
0x19: {  	[tilespmem:s0], [sflag:$0x1] =	stream.indirect.gather [hbm4b:s3+s13], $0x80, s2, s13, $0xb8;
	[tilespmem:$0x1C600] =	vst v63  }
0x1a: {  	s16 =	simm.s32 $0x100;
	s1 =	simm.s32 $0x4600  }
0x1b: {  	[tilespmem:s1], [sflag:$0x1] =	stream.indirect.gather [hbm4b:s3+s13], $0x80, s16, s13, $0xb8;
	[tilespmem:$0x1C600] =	vst v63  }
0x1c: {  	_ = 	snop  }
0x1d: {  	[tilespmem:s18], [sflag:$0x1] =	stream.indirect.gather [hbm4b:s3+s13], $0x80, s17, s13, $0xb8;
	[tilespmem:$0x1C600] =	vst v63  }
0x1e: {  	_ = 	snop  }
0x1f: {  	[tilespmem:s19], [sflag:$0x2] =	stream.indirect.gather [hbm4b:s3+s13], $0x80, s13, s13, $0xb8;
	[tilespmem:$0x1C600] =	vst v63  }
0x20: {  	_ = 	snop  }
0x21: {  	[tilespmem:s21], [sflag:$0x2] =	stream.indirect.gather [hbm4b:s3+s13], $0x80, s20, s13, $0xb8;
	[tilespmem:$0x1C600] =	vst v63  }
0x22: {  	_ = 	snop  }
0x23: {  	[tilespmem:s23], [sflag:$0x2] =	stream.indirect.gather [hbm4b:s3+s13], $0x80, s22, s13, $0xb8;
	[tilespmem:$0x1C600] =	vst v63  }
0x24: {  	s31 =	simm.s32 $0x0  }
0x25: {  	[tilespmem:s24], [sflag:$0x3] =	stream.linear.gather [hbm4b:s8+s2], $0x300, $0x38;
	[tilespmem:$0x1C600] =	vst v63  }
.LBB2_2:
0x26: {  	_ =	swait.ge [sflag:s25], $0xC000  }
0x27: {  	p0 =	seq.s32 s31, $0x0;
	[sflag:s25] =	ssyncset.done $0x0  }
0x28: {  	s0 =	simm.s32 @!p0 $0x4;
	[sflag:s25] =	ssyncadd.s32 $0xFFFF4000  }
0x29: {  	_ =	swait.ge @!p0 [sflag:s0], $0x4000  }
0x2a: {  	[sflag:s0] =	ssyncset.done @!p0 $0x0  }
0x2b: {  	[sflag:s0] =	ssyncadd.s32 @!p0 $0xFFFFC000;
	s0 =	simm.s32 $0x0  }
0x2c: {  	v0 =	vld [tilespmem:s0+$0x630]  }
0x2d: {  	v1 =	vld [tilespmem:s0+$0x4670]  }
0x2e: {  	v6 =	vld [tilespmem:s0+$0x600]  }
0x2f: {  	v3 =	vld [tilespmem:s0+$0x8630]  }
0x30: {  	v7 =	vld [tilespmem:s0+$0x4640]  }
0x31: {  	v8 =	vld [tilespmem:s0+$0x610]  }
0x32: {  	v9 =	vld [tilespmem:s0+$0x4650]  }
0x33: {  	v2 =	vld [tilespmem:s0+$0x4660];
	v1 =	vadd.f32 v1, v0  }
0x34: {  	v0 =	vld [tilespmem:s0+$0x620]  }
0x35: {  	v5 =	vld [tilespmem:s0+$0x8600];
	v1 =	vadd.f32 v3, v1  }
0x36: {  	v3 =	vld [tilespmem:s0+$0x8610]  }
0x37: {  	s14 =	simm.s32 $0x80;
	v4 =	vld [tilespmem:s0+$0x8620];
	[tilespmem:s0+$0x18630] =	vst v1  }
0x38: {  	s1 =	sor.u32 s7, s31;
	s15 =	simm.s32 $0x400;
	v6 =	vadd.f32 v7, v6;
	v7 =	vadd.f32 v9, v8;
	v1 =	vld [tilespmem:s14+$0x630]  }
.LBB2_3:
0x39: {  	p0 =	sne.s32 s15, $0xFE00;
	v8 =	vld [tilespmem:s14+$0x4670];
	v0 =	vadd.f32 v2, v0  }
0x3a: {  	v9 =	vld [tilespmem:s14+$0x600];
	v2 =	vadd.f32 v5, v6  }
0x3b: {  	v5 =	vld [tilespmem:s14+$0x8630];
	v3 =	vadd.f32 v3, v7  }
0x3c: {  	v6 =	vld [tilespmem:s14+$0x4640];
	[tilespmem:s0+$0x18600] =	vst v2;
	v0 =	vadd.f32 v4, v0  }
0x3d: {  	v4 =	vld [tilespmem:s14+$0x610];
	[tilespmem:s0+$0x18610] =	vst v3  }
0x3e: {  	v7 =	vld [tilespmem:s14+$0x4650];
	v1 =	vadd.f32 v8, v1;
	[tilespmem:s0+$0x18620] =	vst v0;
	s0 =	smov.u32 s14  }
0x3f: {  	v0 =	vld [tilespmem:s0+$0x620]  }
.Ltmp2:
0x40: {  	v2 =	vld [tilespmem:s0+$0x4660];
	v1 =	vadd.f32 v5, v1;
	(pc) =	sbr.rel @p0 .LBB2_3-.Ltmp2, $4  }
0x41: {  	v6 =	vadd.f32 v6, v9;
	v5 =	vld [tilespmem:s0+$0x8600]  }
0x42: {  	v3 =	vld [tilespmem:s0+$0x8610];
	[tilespmem:s0+$0x18630] =	vst v1  }
0x43: {  	s14 =	sshra.s32 s15, $0x2;
	v7 =	vadd.f32 v7, v4;
	v4 =	vld [tilespmem:s0+$0x8620]  }
0x44: {  	s15 =	sadd.s32 $0x200, s15;
	v1 =	vld [tilespmem:s14+$0x630]  }
0x45: {  	v8 =	vld [tilespmem:s14+$0x4670]  }
0x46: {  	v9 =	vld [tilespmem:s14+$0x600];
	v0 =	vadd.f32 v2, v0;
	v5 =	vadd.f32 v5, v6  }
0x47: {  	v10 =	vld [tilespmem:s14+$0x4640];
	v2 =	vadd.f32 v3, v7  }
0x48: {  	v6 =	vld [tilespmem:s14+$0x8630];
	[tilespmem:s0+$0x18600] =	vst v5;
	v0 =	vadd.f32 v4, v0  }
0x49: {  	v3 =	vld [tilespmem:s14+$0x610];
	[tilespmem:s0+$0x18610] =	vst v2  }
0x4a: {  	v2 =	vld [tilespmem:s14+$0x4650];
	[tilespmem:s0+$0x18620] =	vst v0  }
0x4b: {  	v0 =	vadd.f32 v8, v1;
	v1 =	vld [tilespmem:s14+$0x620]  }
0x4c: {  	v4 =	vld [tilespmem:s14+$0x4660]  }
0x4d: {  	v5 =	vld [tilespmem:s14+$0x8600];
	v0 =	vadd.f32 v6, v0  }
0x4e: {  	v6 =	vld [tilespmem:s14+$0x8610]  }
0x4f: {  	[tilespmem:s14+$0x18630] =	vst v0;
	v0 =	vld [tilespmem:s14+$0x8620]  }
0x50: {  	v7 =	vadd.f32 v10, v9  }
0x51: {  	v2 =	vadd.f32 v2, v3  }
0x52: {  	v1 =	vadd.f32 v4, v1;
	v3 =	vadd.f32 v5, v7  }
0x53: {  	v2 =	vadd.f32 v6, v2  }
0x54: {  	[tilespmem:s14+$0x18600] =	vst v3;
	v0 =	vadd.f32 v0, v1  }
0x55: {  	s0 =	sshll.u32 s1, $0xC;
	[tilespmem:s14+$0x18610] =	vst v2  }
0x56: {  	p0 =	seq.s32 s31, $0x3F;
	s1 =	sadd.s32 s5, s0;
	[tilespmem:s14+$0x18620] =	vst v0  }
0x57: {  	[hbm4b:s1+s2] =	stream.linear.scatter [tilespmem:s26], [sflag:$0x4], $0x4000, $0x38;
	[tilespmem:$0x1C600] =	vst v63  }
0x58: {  	s1 =	sxor.u32 @!p0 $0xFFFFFFFF, s31  }
0x59: {  	s14 =	simm.s32 @!p0 $0x3;
	s1 =	sand.u32 @!p0 $0x1, s1  }
0x5a: {  	_ =	swait.ge @!p0 [sflag:s14], $0x300;
	s1 =	smul.u32 @!p0 $0xC00, s1  }
0x5b: {  	s15 =	simm.s32 @!p0 $0x600;
	[sflag:s14] =	ssyncset.done @!p0 $0x0  }
0x5c: {  	[sflag:s14] =	ssyncadd.s32 @!p0 $0xFFFFFD00;
	s14 =	simm.s32 @!p0 $0x80;
	s1 =	sshrl.u32 @!p0 s1, $0x2  }
0x5d: {  	[tilespmem:s15], [sflag:$0x1] =	stream.indirect.gather @!p0 [hbm4b:s3+s14], $0x80, s1, s14, $0xb8;
	[tilespmem:$0x1C600] =	vst v63  }
0x5e: {  	s16 =	simm.s32 @!p0 $0x4600;
	s15 =	sadd.s32 @!p0 $0x100, s1  }
0x5f: {  	[tilespmem:s16], [sflag:$0x1] =	stream.indirect.gather @!p0 [hbm4b:s3+s14], $0x80, s15, s14, $0xb8;
	[tilespmem:$0x1C600] =	vst v63  }
0x60: {  	p1 =	sgt.u32 s31, $0x3D;
	s1 =	sadd.s32 @!p0 $0x200, s1;
	s15 =	simm.s32 @!p0 $0x8600  }
0x61: {  	[tilespmem:s15], [sflag:$0x1] =	stream.indirect.gather @!p0 [hbm4b:s3+s14], $0x80, s1, s14, $0xb8;
	[tilespmem:$0x1C600] =	vst v63  }
0x62: {  	s1 =	sadd.s32 @!p1 s31, s9;
	s14 =	sand.u32 @!p1 $0x1, s31;
	s15 =	simm.s32 @!p1 $0x0  }
0x63: {  	_ =	swait.ge [sflag:s28], $0xC000;
	p2 =	seq.s32 @!p1 s14, $0x1;
	s1 =	smul.u32 @!p1 $0x60, s1  }
0x64: {  	s14 =	simm.s32 @!p1 $0x300;
	[sflag:s28] =	ssyncset.done $0x0;
	p2 =	por !p2, p1  }
0x65: {  	[sflag:s28] =	ssyncadd.s32 $0xFFFF4000;
	s14 =	simm.s32 @p2 $0x0;
	s1 =	sadd.s32 @!p1 s4, s1  }
0x66: {  	[tilespmem:s14], [sflag:$0x3] =	stream.linear.gather @!p1 [hbm4b:s1+s15], $0x300, $0x38;
	[tilespmem:$0x1C600] =	vst v63  }
0x67: {  	_ =	swait.ge [sflag:s29], $0x4000  }
0x68: {  	[sflag:s29] =	ssyncset.done $0x0  }
0x69: {  	s1 =	simm.s32 $0x0;
	[sflag:s29] =	ssyncadd.s32 $0xFFFFC000  }
0x6a: {  	v0 =	vld [tilespmem:s1+$0xC630]  }
0x6b: {  	v1 =	vld [tilespmem:s1+$0x10670]  }
0x6c: {  	v6 =	vld [tilespmem:s1+$0xC600]  }
0x6d: {  	v3 =	vld [tilespmem:s1+$0x14630]  }
0x6e: {  	v7 =	vld [tilespmem:s1+$0x10640]  }
0x6f: {  	v8 =	vld [tilespmem:s1+$0xC610]  }
0x70: {  	v63 =	vld [tilespmem:s1+$0x10650]  }
0x71: {  	v2 =	vld [tilespmem:s1+$0x10660];
	v1 =	vadd.f32 v1, v0  }
0x72: {  	v0 =	vld [tilespmem:s1+$0xC620]  }
0x73: {  	v5 =	vld [tilespmem:s1+$0x14600];
	v1 =	vadd.f32 v3, v1  }
0x74: {  	v3 =	vld [tilespmem:s1+$0x14610]  }
0x75: {  	s14 =	simm.s32 $0x80;
	v4 =	vld [tilespmem:s1+$0x14620];
	[tilespmem:s1+$0x18630] =	vst v1  }
0x76: {  	s15 =	simm.s32 $0x400;
	v6 =	vadd.f32 v7, v6;
	v7 =	vadd.f32 v63, v8;
	v1 =	vld [tilespmem:s14+$0xC630]  }
.LBB2_5:
0x77: {  	p1 =	sne.s32 s15, $0xFE00;
	v8 =	vld [tilespmem:s14+$0x10670];
	v0 =	vadd.f32 v2, v0  }
0x78: {  	v9 =	vld [tilespmem:s14+$0xC600];
	v2 =	vadd.f32 v5, v6  }
0x79: {  	v5 =	vld [tilespmem:s14+$0x14630];
	v3 =	vadd.f32 v3, v7  }
0x7a: {  	v6 =	vld [tilespmem:s14+$0x10640];
	[tilespmem:s1+$0x18600] =	vst v2;
	v0 =	vadd.f32 v4, v0  }
0x7b: {  	v4 =	vld [tilespmem:s14+$0xC610];
	[tilespmem:s1+$0x18610] =	vst v3  }
0x7c: {  	v7 =	vld [tilespmem:s14+$0x10650];
	v1 =	vadd.f32 v8, v1;
	[tilespmem:s1+$0x18620] =	vst v0;
	s1 =	smov.u32 s14  }
0x7d: {  	v0 =	vld [tilespmem:s1+$0xC620]  }
.Ltmp3:
0x7e: {  	v2 =	vld [tilespmem:s1+$0x10660];
	v1 =	vadd.f32 v5, v1;
	(pc) =	sbr.rel @p1 .LBB2_5-.Ltmp3, $4  }
0x7f: {  	v6 =	vadd.f32 v6, v9;
	v5 =	vld [tilespmem:s1+$0x14600]  }
0x80: {  	v3 =	vld [tilespmem:s1+$0x14610];
	[tilespmem:s1+$0x18630] =	vst v1  }
0x81: {  	s14 =	sshra.s32 s15, $0x2;
	v7 =	vadd.f32 v7, v4;
	v4 =	vld [tilespmem:s1+$0x14620]  }
0x82: {  	s15 =	sadd.s32 $0x200, s15;
	v1 =	vld [tilespmem:s14+$0xC630]  }
0x83: {  	v8 =	vld [tilespmem:s14+$0x10670]  }
0x84: {  	v9 =	vld [tilespmem:s14+$0xC600];
	v0 =	vadd.f32 v2, v0;
	v5 =	vadd.f32 v5, v6  }
0x85: {  	v54 =	vld [tilespmem:s14+$0x14630];
	v55 =	vadd.f32 v3, v7  }
0x86: {  	v10 =	vld [tilespmem:s14+$0x10640];
	[tilespmem:s1+$0x18600] =	vst v5;
	v0 =	vadd.f32 v4, v0  }
0x87: {  	v56 =	vld [tilespmem:s14+$0xC610];
	[tilespmem:s1+$0x18610] =	vst v55  }
0x88: {  	v2 =	vld [tilespmem:s14+$0x10650];
	[tilespmem:s1+$0x18620] =	vst v0  }
0x89: {  	v58 =	vld [tilespmem:s14+$0xC620]  }
0x8a: {  	v59 =	vld [tilespmem:s14+$0x10660]  }
0x8b: {  	v5 =	vld [tilespmem:s14+$0x14600]  }
0x8c: {  	v60 =	vld [tilespmem:s14+$0x14610]  }
0x8d: {  	v57 =	vadd.f32 v8, v1;
	v61 =	vld [tilespmem:s14+$0x14620]  }
0x8e: {  	v62 =	vadd.f32 v10, v9  }
0x8f: {  	v0 =	vadd.f32 v54, v57;
	v2 =	vadd.f32 v2, v56  }
0x90: {  	v1 =	vadd.f32 v59, v58;
	v63 =	vadd.f32 v5, v62  }
.Ltmp4:
0x91: {  	[tilespmem:s14+$0x18630] =	vst v0;
	v2 =	vadd.f32 v60, v2;
	(pc) =	sbr.rel @p0 .LBB2_8-.Ltmp4, $4  }
0x92: {  	[tilespmem:s14+$0x18600] =	vst v63;
	v0 =	vadd.f32 v61, v1  }
0x93: {  	[tilespmem:s14+$0x18610] =	vst v2  }
0x94: {  	s0 =	sadd.s32 s0, s10;
	[tilespmem:s14+$0x18620] =	vst v0  }
0x95: {  	[hbm4b:s0+s2] =	stream.linear.scatter [tilespmem:s26], [sflag:$0x4], $0x4000, $0x38;
	[tilespmem:$0x1C600] =	vst v63  }
0x96: {  	s0 =	sxor.u32 $0xFFFFFFFF, s31  }
0x97: {  	s0 =	sand.u32 $0x1, s0  }
0x98: {  	s0 =	smul.u32 $0xC00, s0;
	_ =	sdelay $0x1  }
0x99: {  	s0 =	sshrl.u32 s0, $0x2  }
0x9a: {  	s1 =	sor.u32 $0x80, s0  }
0x9b: {  	[tilespmem:s19], [sflag:$0x2] =	stream.indirect.gather [hbm4b:s3+s13], $0x80, s1, s13, $0xb8;
	[tilespmem:$0x1C600] =	vst v63  }
.Ltmp5:
0x9c: {  	_ = 	snop;
	(pc) =	sbr.rel .LBB2_2-.Ltmp5, $4  }
0x9d: {  	s16 =	sadd.s32 $0x180, s0  }
0x9e: {  	[tilespmem:s21], [sflag:$0x2] =	stream.indirect.gather [hbm4b:s3+s13], $0x80, s16, s13, $0xb8;
	[tilespmem:$0x1C600] =	vst v63  }
0x9f: {  	s31 =	sadd.s32 $0x1, s31;
	s0 =	sadd.s32 $0x280, s0  }
0xa0: {  	[tilespmem:s23], [sflag:$0x2] =	stream.indirect.gather [hbm4b:s3+s13], $0x80, s0, s13, $0xb8;
	[tilespmem:$0x1C600] =	vst v63  }
.LBB2_9:
0xa1: {  	_ =	sfence.sel $0x180000  }
0xa2: {  	[bflag:$0x0] =	sbarrier.arrive $0xFFFF  }
0xa3: {  	_ =	strace $0x9000004A  }
0xa4: {  	s0 =	stileid.u32;
	[bflag:$0x2] =	sbarrier.arrive $0xFFFF  }
0xa5: {  	p0 =	sne.s32 s0, $0x0;
	s0 =	rddreg [dreg:$0x1]  }
0xa6: {  	s0 =	sadd.s32 @!p0 $0x100000, s0  }
0xa7: {  	[sflag:s0] =	ssyncadd.tile.s32 @!p0 $0x1;
	_ =	shalt  }
.Lfunc_end2:
_tile_overlayer_lowered:
.L_overlay_start_2:
0xa8: {  	(tag) =	ssettag $0x2  }
0xa9: {  	s0 =	rddreg [dreg:$0x0];
	s2 =	stileid.u32  }
0xaa: {  	s1 =	rddreg [dreg:$0x1];
	p0 =	sne.s32 s2, $0x0  }
0xab: {  	s3 =	rddreg [dreg:$0x2];
	[bflag:$0x3] =	sbarrier.arrive $0xFFFF;
	s2 =	simm.s32 @!p0 $0x1C05  }
0xac: {  	[timem:s3], [sflag:s2] =	dma.local @!p0 [hbm:s0], s1  }
0xad: {  	s0 =	simm.s32 @!p0 $0x5  }
0xae: {  	_ =	swait.ge @!p0 [sflag:s0], s1  }
0xaf: {  	s1 =	ssub.s32 @!p0 $0x0, s1;
	[sflag:s0] =	ssyncset.done @!p0 $0x0  }
0xb0: {  	[sflag:s0] =	ssyncadd.s32 @!p0 s1  }
0xb1: {  	[bflag:$0x3] =	sbarrier.arrive $0xFFFF  }
0xb2: {  	_ =	shalt  }

// kernel: kernel.7.cloned.1.call-start
scs
__scs_entry_jumppad:
0x0: {  	(pc) =	sbr.rel $0x88, $3  }
0x1: {  	(tag) =	ssettag $0x0;
	lr =	simm.s32 $0x1  }
0x2: {  	[smem:$0x3F9B] =	sst lr;
	_ =	strace $0xD0000000  }
0x3: {  	_ = 	snop  }
0x4: {  	_ = 	snop  }
0x5: {  	_ = 	snop  }
0x6: {  	_ = 	snop  }
0x7: {  	_ = 	snop  }
__scs_overlays_trampoline_lowered:
0x8: {  	[smem:$0x3FAA] =	sst s0  }
0x9: {  	[smem:$0x3FAB] =	sst s1  }
0xa: {  	[smem:$0x3FAC] =	sst s2  }
0xb: {  	[smem:$0x3FAD] =	sst s3  }
0xc: {  	[smem:$0x3FAE] =	sst s4  }
0xd: {  	[smem:$0x3FAF] =	sst s5  }
0xe: {  	[smem:$0x3FB0] =	sst s6  }
0xf: {  	[smem:$0x3FB1] =	sst s7  }
0x10: {  	[smem:$0x3FB2] =	sst s8  }
0x11: {  	[smem:$0x3FB3] =	sst s9;
	s0 =	simm.s32 @!p0 $0x0  }
0x12: {  	s1 =	sld [smem:$0x3F99];
	s0 =	simm.s32 @p0 $0x1  }
0x13: {  	[smem:$0x3FB4] =	sst s0;
	s0 =	simm.s32 @!p1 $0x0  }
0x14: {  	s2 =	sld [smem:$0x3F98];
	s0 =	simm.s32 @p1 $0x1  }
0x15: {  	[smem:$0x3FB5] =	sst s0;
	s0 =	simm.s32 @!p2 $0x0  }
0x16: {  	s3 =	sld [smem:$0x3FDB];
	s0 =	simm.s32 @p2 $0x1  }
0x17: {  	s4 =	simm.s32 $0x1BF5;
	[smem:$0x3FB7] =	sst s0  }
0x18: {  	s0 =	sld [smem:$0x3F9A];
	_ =	swait.ge [sflag:s4], $0x0  }
0x19: {  	s7 =	sld [smem:$0x3F9B]  }
0x1a: {  	s8 =	sadd.s32 $0xFFFFE003, lr  }
0x1b: {  	s9 =	sadd.s32 $0xFFFFFEF7, lr;
	s5 =	simm.s32 $0xFFFFFFFF;
	p2 =	slt.u32 s8, $0xFFFFF086  }
0x1c: {  	p1 =	slt.u32 s9, $0xF7A;
	s5 =	simm.s32 @!p2 $0x0  }
0x1d: {  	s5 =	simm.s32 @p1 $0x1;
	p0 =	seq.s32 s7, s2  }
0x1e: {  	s7 =	smul.u32 @!p0 $0xF7A, s2;
	p2 =	seq.s32 @!p0 s5, $0x0  }
0x1f: {  	s9 =	smul.u32 $0xF7A, s1;
	s8 =	simm.s32 @!p0 $0x1BF5;
	p2 =	por !p2, p0  }
0x20: {  	[sflag:s8] =	ssyncset.s32 @!p0 $0xFFFFF086;
	s6 =	sadd.s32 @!p0 s3, s7;
	s7 =	simm.s32 @!p0 $0x108  }
0x21: {  	s3 =	sadd.s32 s3, s9;
	s6 =	sadd.s32 @!p0 $0x88, s6;
	s7 =	simm.s32 @p2 $0x1082  }
0x22: {  	[simem:s7], [sflag:s8] =	dma.local @!p0 [hbm:s6], $0xF7A  }
0x23: {  	s9 =	sor.u32 $0xD0000000, s2;
	s6 =	simm.s32 $0x108;
	_ =	swait.ge @!p0 [sflag:s8], $0x0  }
0x24: {  	s3 =	sadd.s32 $0x88, s3;
	s6 =	simm.s32 @!p1 $0x1082;
	[sflag:s4] =	ssyncset.s32 $0xFFFFF086  }
0x25: {  	[simem:s6], [sflag:s4] =	dma.local [hbm:s3], $0xF7A  }
0x26: {  	[smem:$0x3F9B] =	sst s1;
	(tag) =	ssettag s2;
	_ =	strace s9  }
0x27: {  	s1 =	sld [smem:$0x3FAB]  }
0x28: {  	s2 =	sld [smem:$0x3FAC]  }
0x29: {  	s4 =	sld [smem:$0x3FAE]  }
0x2a: {  	p0 =	seq.s32 s5, $0x0;
	s5 =	sld [smem:$0x3FAF]  }
0x2b: {  	s6 =	sld [smem:$0x3FB0]  }
0x2c: {  	s7 =	sld [smem:$0x3FB1]  }
0x2d: {  	s3 =	simm.s32 $0x108;
	s8 =	sld [smem:$0x3FB2]  }
0x2e: {  	s3 =	simm.s32 @!p0 $0x1082;
	s9 =	sld [smem:$0x3FB3]  }
0x2f: {  	lr =	sadd.s32 s0, s3;
	s0 =	sld [smem:$0x3FAA]  }
0x30: {  	s3 =	sld [smem:$0x3FAD]  }
0x31: {  	[smem:$0x3FB6] =	sst s10  }
0x32: {  	s10 =	sld [smem:$0x3FB4];
	_ =	sdelay $0x3  }
0x33: {  	p0 =	seq.s32 s10, $0x1;
	s10 =	sld [smem:$0x3FB6];
	_ =	sdelay $0x3  }
0x34: {  	[smem:$0x3FB6] =	sst s10  }
0x35: {  	s10 =	sld [smem:$0x3FB5];
	_ =	sdelay $0x3  }
0x36: {  	p1 =	seq.s32 s10, $0x1;
	s10 =	sld [smem:$0x3FB6];
	_ =	sdelay $0x3  }
0x37: {  	[smem:$0x3FB6] =	sst s10  }
0x38: {  	s10 =	sld [smem:$0x3FB7]  }
0x39: {  	_ = 	snop;
	(pc) =	sbr.ind lr, $3  }
0x3a: {  	_ = 	snop  }
0x3b: {  	_ = 	snop  }
0x3c: {  	p2 =	seq.s32 s10, $0x1;
	s10 =	sld [smem:$0x3FB6]  }
0x3d: {  	_ =	shalt  }
0x3e: {  	_ =	shalt  }
0x3f: {  	_ =	shalt  }
0x40: {  	_ =	shalt  }
0x41: {  	_ =	shalt  }
0x42: {  	_ =	shalt  }
0x43: {  	_ =	shalt  }
0x44: {  	_ =	shalt  }
0x45: {  	_ =	shalt  }
0x46: {  	_ =	shalt  }
0x47: {  	_ =	shalt  }
0x48: {  	_ =	shalt  }
0x49: {  	_ =	shalt  }
0x4a: {  	_ =	shalt  }
0x4b: {  	_ =	shalt  }
0x4c: {  	_ =	shalt  }
0x4d: {  	_ =	shalt  }
0x4e: {  	_ =	shalt  }
0x4f: {  	_ =	shalt  }
0x50: {  	_ =	shalt  }
0x51: {  	_ =	shalt  }
0x52: {  	_ =	shalt  }
0x53: {  	_ =	shalt  }
0x54: {  	_ =	shalt  }
0x55: {  	_ =	shalt  }
0x56: {  	_ =	shalt  }
0x57: {  	_ =	shalt  }
0x58: {  	_ =	shalt  }
0x59: {  	_ =	shalt  }
0x5a: {  	_ =	shalt  }
0x5b: {  	_ =	shalt  }
0x5c: {  	_ =	shalt  }
0x5d: {  	_ =	shalt  }
0x5e: {  	_ =	shalt  }
0x5f: {  	_ =	shalt  }
0x60: {  	_ =	shalt  }
0x61: {  	_ =	shalt  }
0x62: {  	_ =	shalt  }
0x63: {  	_ =	shalt  }
0x64: {  	_ =	shalt  }
0x65: {  	_ =	shalt  }
0x66: {  	_ =	shalt  }
0x67: {  	_ =	shalt  }
0x68: {  	_ =	shalt  }
0x69: {  	_ =	shalt  }
0x6a: {  	_ =	shalt  }
0x6b: {  	_ =	shalt  }
0x6c: {  	_ =	shalt  }
0x6d: {  	_ =	shalt  }
0x6e: {  	_ =	shalt  }
0x6f: {  	_ =	shalt  }
0x70: {  	_ =	shalt  }
0x71: {  	_ =	shalt  }
0x72: {  	_ =	shalt  }
0x73: {  	_ =	shalt  }
0x74: {  	_ =	shalt  }
0x75: {  	_ =	shalt  }
0x76: {  	_ =	shalt  }
0x77: {  	_ =	shalt  }
0x78: {  	_ =	shalt  }
0x79: {  	_ =	shalt  }
0x7a: {  	_ =	shalt  }
0x7b: {  	_ =	shalt  }
0x7c: {  	_ =	shalt  }
0x7d: {  	_ =	shalt  }
0x7e: {  	_ =	shalt  }
0x7f: {  	_ =	shalt  }
0x80: {  	_ =	shalt  }
0x81: {  	_ =	shalt  }
0x82: {  	_ =	shalt  }
0x83: {  	_ =	shalt  }
0x84: {  	_ =	shalt  }
0x85: {  	_ =	shalt  }
0x86: {  	_ =	shalt  }
0x87: {  	_ =	shalt  }
.Lfunc_end0:
.L_simem_size_0:
called_computation_lowered:
.L_overlay_start_0:
0x88: {  	s2 =	sld [smem:$0x3FD9]  }
0x89: {  	s3 =	sld [smem:$0x3FFE];
	_ =	sdelay $0x1  }
0x8a: {  	s1 =	srdreg.scid  }
0x8b: {  	s0 =	sand.u32 $0x1, s1  }
0x8c: {  	s16 =	sshll.u32 s0, $0xA;
	s2 =	sadd.s32 s3, s2  }
0x8d: {  	s2 =	sadd.s32 s2, s16  }
0x8e: {  	[smem:$0x3FC2] =	sst s2  }
0x8f: {  	_ = 	snop  }
0x90: {  	(tm) =	ssettm $0x1  }
0x91: {  	s17 =	sld [smem:$0x3FFB];
	_ =	sdelay $0x3  }
0x92: {  	_ =	strace s17  }
0x93: {  	s2 =	sld [smem:$0x3FFC];
	_ =	sdelay $0x3  }
0x94: {  	_ =	strace s2  }
0x95: {  	s2 =	sld [smem:$0x3FFD];
	_ =	sdelay $0x3  }
0x96: {  	_ =	strace s2  }
0x97: {  	_ =	strace $0x8FFFFFFF  }
0x98: {  	s18 =	sld [smem:$0x3FDB];
	_ =	sdelay $0x1  }
0x99: {  	s19 =	simm.s32 $_scs_section_size  }
0x9a: {  	s4 =	simm.s32 $_size__tile_overlayer_lowered;
	s5 =	simm.s32 $_tile_overlayer_lowered  }
0x9b: {  	s22 =	simm.s32 $0x1BFF;
	s21 =	sshll.u32 s5, $0x1;
	s2 =	sadd.s32 s19, s18  }
0x9c: {  	s6 =	simm.s32 $0x0;
	s20 =	sshll.u32 s4, $0x1;
	s4 =	sadd.s32 s21, s2  }
0x9d: {  	[timem:s6], [sflag:s22] =	dma.local [hbm:s4], s20  }
0x9e: {  	_ =	swait.ge [sflag:s22], s20  }
0x9f: {  	s3 =	ssub.s32 $0x0, s20;
	[sflag:s22] =	ssyncset.done $0x0  }
0xa0: {  	[sflag:s22] =	ssyncadd.s32 s3;
	_ =	sdelay $0x1  }
0xa1: {  	s23 =	simm.s32 $0x1B8B  }
0xa2: {  	_ =	swait.ge [sflag:s23], $0x1  }
0xa3: {  	[sflag:s23] =	ssyncset.done $0x0  }
0xa4: {  	s25 =	simm.s32 $0x1B8E;
	s24 =	sld [smem:$0x3FFE];
	[sflag:s23] =	ssyncadd.s32 $0xFFFFFFFF  }
0xa5: {  	s26 =	simm.s32 $execute0_lowered;
	[smem:$0x3FD2] =	sst s25  }
0xa6: {  	s4 =	sshll.u32 s26, $0x1;
	_ =	strace $0x80000046;
	[dreg:$0x1] =	wrdreg $0xFFFFFFFF  }
0xa7: {  	s28 =	simm.s32 $_size_execute0_lowered;
	s2 =	sadd.s32 s2, s4;
	[dreg:$0x0] =	wrdreg $0x0  }
0xa8: {  	s4 =	sshll.u32 s28, $0x1;
	[dreg:$0x2] =	wrdreg s2  }
0xa9: {  	[dreg:$0x3] =	wrdreg s4  }
0xaa: {  	[dreg:$0x4] =	wrdreg $0xC0  }
0xab: {  	_ =	task [dreg:s6], $0x5FFFF  }
0xac: {  	[dreg:$0x1] =	wrdreg $0xFFFFFFFF  }
0xad: {  	[dreg:$0x0] =	wrdreg $0x60  }
0xae: {  	[dreg:$0x2] =	wrdreg s24  }
0xaf: {  	[dreg:$0x3] =	wrdreg $0x9  }
0xb0: {  	_ =	task.clear_ibuf [dreg:s6], $0x4FFFF;
	_ =	strace $0x90000046  }
0xb1: {  	s29 =	simm.s32 $0x9;
	_ =	strace $0x80000048  }
0xb2: {  	_ =	swait.ge [sflag:s29], $0x1  }
0xb3: {  	[sflag:s29] =	ssyncadd.s32 $0xFFFFFFFF  }
0xb4: {  	_ =	strace $0x90000048  }
0xb5: {  	_ =	sfence  }
0xb6: {  	s30 =	sld [smem:$0x0];
	_ =	sdelay $0x2  }
0xb7: {  	s31 =	sshll.u32 s1, $0xD;
	s1 =	sshrl.u32 s1, $0x2  }
0xb8: {  	s3 =	sand.u32 $0x4000, s31;
	s1 =	sadd.s32 s1, s30  }
0xb9: {  	s0 =	sor.u32 s3, s0;
	s1 =	sshll.u32 s1, $0x11  }
0xba: {  	s0 =	sor.u32 s1, s0  }
0xbb: {  	s0 =	sadd.s32 $0x8F2B, s0  }
0xbc: {  	[sflag:s0] =	ssyncadd.remote.s32 $0x1  }
0xbd: {  	_ =	sfence.sel $0xFFFF  }
0xbe: {  	[dreg:$0x0] =	wrdreg $0xFFFFFFFF;
	(pc) =	sbr.abs _section_cstart, $3  }
0xbf: {  	[dreg:$0x1] =	wrdreg $0xFFFFFFFF  }
0xc0: {  	_ =	task.clear_ibuf [dreg:s6], $0x2FFFF;
	_ =	strace $0x9FFFFFFF  }
0xc1: {  	(tm) =	ssettm $0x7FFFFFFF  }
tec
execute0_lowered:
.L_overlay_start_1:
0x0: {  	(tag) =	ssettag $0x1  }
0x1: {  	s0 =	rddreg [dreg:$0x0];
	s1 =	srdreg.scid  }
0x2: {  	s3 =	stileid.u32;
	s2 =	simm.s32 $0x0;
	s12 =	simm.s32 $0x5  }
0x3: {  	s13 =	simm.s32 $0x80;
	s17 =	simm.s32 $0x200;
	s18 =	simm.s32 $0x8600  }
0x4: {  	s19 =	simm.s32 $0xC600;
	s20 =	simm.s32 $0x180;
	s21 =	simm.s32 $0x10600  }
0x5: {  	s22 =	simm.s32 $0x280;
	s23 =	simm.s32 $0x14600;
	s24 =	simm.s32 $0x300  }
0x6: {  	s25 =	simm.s32 $0x1;
	s26 =	simm.s32 $0x18600;
	s28 =	simm.s32 $0x2  }
0x7: {  	s29 =	simm.s32 $0x4;
	s30 =	simm.s32 $0x0;
	s1 =	sand.u32 $0x1, s1  }
0x8: {  	s3 =	sshll.u32 s3, $0x1;
	[smem:$0x7FF] =	sst s2;
	s4 =	sadd.s32 $0x1000, s0  }
.Ltmp0:
0x9: {  	s5 =	sadd.s32 $0x1031000, s0;
	s7 =	sor.u32 s1, s3;
	(pc) =	sbr.rel .LBB2_1-.Ltmp0, $4  }
0xa: {  	s10 =	sadd.s32 $0x1031800, s0;
	s1 =	ssub.s32 $0x2, s1;
	s6 =	smul.u32 $0x1800, s7  }
0xb: {  	_ =	strace $0x80000047;
	s3 =	sadd.s32 $0x31000, s0;
	s8 =	sshrl.u32 s1, $0x1  }
0xc: {  	s7 =	sshll.u32 s7, $0x6;
	s1 =	ssub.s32 s1, s8;
	s6 =	sadd.s32 s4, s6  }
0xd: {  	s9 =	sor.u32 $0x2, s7;
	s11 =	smax.u32 s1, $0x1;
	s8 =	sadd.s32 $0x60, s6  }
.LBB2_8:
0xe: {  	s30 =	sadd.s32 $0x1, s30  }
0xf: {  	p0 =	sne.s32 s30, s11  }
.Ltmp1:
0x10: {  	_ = 	snop;
	(pc) =	sbr.rel @!p0 .LBB2_9-.Ltmp1, $4  }
0x11: {  	_ = 	snop  }
0x12: {  	_ =	swait.ge [sflag:s29], $0x4000  }
0x13: {  	[sflag:s29] =	ssyncset.done $0x0  }
0x14: {  	[sflag:s29] =	ssyncadd.s32 $0xFFFFC000  }
.LBB2_1:
0x15: {  	[tilespmem:s2], [sflag:$0x5] =	stream.linear.gather [hbm4b:s6+s2], $0x300, $0x38;
	[tilespmem:$0x1C600] =	vst v63  }
0x16: {  	_ =	swait.ge [sflag:s12], $0x300  }
0x17: {  	[sflag:s12] =	ssyncset.done $0x0  }
0x18: {  	s0 =	simm.s32 $0x600;
	[sflag:s12] =	ssyncadd.s32 $0xFFFFFD00  }
0x19: {  	[tilespmem:s0], [sflag:$0x1] =	stream.indirect.gather [hbm4b:s3+s13], $0x80, s2, s13, $0xb8;
	[tilespmem:$0x1C600] =	vst v63  }
0x1a: {  	s16 =	simm.s32 $0x100;
	s1 =	simm.s32 $0x4600  }
0x1b: {  	[tilespmem:s1], [sflag:$0x1] =	stream.indirect.gather [hbm4b:s3+s13], $0x80, s16, s13, $0xb8;
	[tilespmem:$0x1C600] =	vst v63  }
0x1c: {  	_ = 	snop  }
0x1d: {  	[tilespmem:s18], [sflag:$0x1] =	stream.indirect.gather [hbm4b:s3+s13], $0x80, s17, s13, $0xb8;
	[tilespmem:$0x1C600] =	vst v63  }
0x1e: {  	_ = 	snop  }
0x1f: {  	[tilespmem:s19], [sflag:$0x2] =	stream.indirect.gather [hbm4b:s3+s13], $0x80, s13, s13, $0xb8;
	[tilespmem:$0x1C600] =	vst v63  }
0x20: {  	_ = 	snop  }
0x21: {  	[tilespmem:s21], [sflag:$0x2] =	stream.indirect.gather [hbm4b:s3+s13], $0x80, s20, s13, $0xb8;
	[tilespmem:$0x1C600] =	vst v63  }
0x22: {  	_ = 	snop  }
0x23: {  	[tilespmem:s23], [sflag:$0x2] =	stream.indirect.gather [hbm4b:s3+s13], $0x80, s22, s13, $0xb8;
	[tilespmem:$0x1C600] =	vst v63  }
0x24: {  	s31 =	simm.s32 $0x0  }
0x25: {  	[tilespmem:s24], [sflag:$0x3] =	stream.linear.gather [hbm4b:s8+s2], $0x300, $0x38;
	[tilespmem:$0x1C600] =	vst v63  }
.LBB2_2:
0x26: {  	_ =	swait.ge [sflag:s25], $0xC000  }
0x27: {  	p0 =	seq.s32 s31, $0x0;
	[sflag:s25] =	ssyncset.done $0x0  }
0x28: {  	s0 =	simm.s32 @!p0 $0x4;
	[sflag:s25] =	ssyncadd.s32 $0xFFFF4000  }
0x29: {  	_ =	swait.ge @!p0 [sflag:s0], $0x4000  }
0x2a: {  	[sflag:s0] =	ssyncset.done @!p0 $0x0  }
0x2b: {  	[sflag:s0] =	ssyncadd.s32 @!p0 $0xFFFFC000;
	s0 =	simm.s32 $0x0  }
0x2c: {  	v0 =	vld [tilespmem:s0+$0x630]  }
0x2d: {  	v1 =	vld [tilespmem:s0+$0x4670]  }
0x2e: {  	v6 =	vld [tilespmem:s0+$0x600]  }
0x2f: {  	v3 =	vld [tilespmem:s0+$0x8630]  }
0x30: {  	v7 =	vld [tilespmem:s0+$0x4640]  }
0x31: {  	v8 =	vld [tilespmem:s0+$0x610]  }
0x32: {  	v9 =	vld [tilespmem:s0+$0x4650]  }
0x33: {  	v2 =	vld [tilespmem:s0+$0x4660];
	v1 =	vadd.f32 v1, v0  }
0x34: {  	v0 =	vld [tilespmem:s0+$0x620]  }
0x35: {  	v5 =	vld [tilespmem:s0+$0x8600];
	v1 =	vadd.f32 v3, v1  }
0x36: {  	v3 =	vld [tilespmem:s0+$0x8610]  }
0x37: {  	s14 =	simm.s32 $0x80;
	v4 =	vld [tilespmem:s0+$0x8620];
	[tilespmem:s0+$0x18630] =	vst v1  }
0x38: {  	s1 =	sor.u32 s7, s31;
	s15 =	simm.s32 $0x400;
	v6 =	vadd.f32 v7, v6;
	v7 =	vadd.f32 v9, v8;
	v1 =	vld [tilespmem:s14+$0x630]  }
.LBB2_3:
0x39: {  	p0 =	sne.s32 s15, $0xFE00;
	v8 =	vld [tilespmem:s14+$0x4670];
	v0 =	vadd.f32 v2, v0  }
0x3a: {  	v9 =	vld [tilespmem:s14+$0x600];
	v2 =	vadd.f32 v5, v6  }
0x3b: {  	v5 =	vld [tilespmem:s14+$0x8630];
	v3 =	vadd.f32 v3, v7  }
0x3c: {  	v6 =	vld [tilespmem:s14+$0x4640];
	[tilespmem:s0+$0x18600] =	vst v2;
	v0 =	vadd.f32 v4, v0  }
0x3d: {  	v4 =	vld [tilespmem:s14+$0x610];
	[tilespmem:s0+$0x18610] =	vst v3  }
0x3e: {  	v7 =	vld [tilespmem:s14+$0x4650];
	v1 =	vadd.f32 v8, v1;
	[tilespmem:s0+$0x18620] =	vst v0;
	s0 =	smov.u32 s14  }
0x3f: {  	v0 =	vld [tilespmem:s0+$0x620]  }
.Ltmp2:
0x40: {  	v2 =	vld [tilespmem:s0+$0x4660];
	v1 =	vadd.f32 v5, v1;
	(pc) =	sbr.rel @p0 .LBB2_3-.Ltmp2, $4  }
0x41: {  	v6 =	vadd.f32 v6, v9;
	v5 =	vld [tilespmem:s0+$0x8600]  }
0x42: {  	v3 =	vld [tilespmem:s0+$0x8610];
	[tilespmem:s0+$0x18630] =	vst v1  }
0x43: {  	s14 =	sshra.s32 s15, $0x2;
	v7 =	vadd.f32 v7, v4;
	v4 =	vld [tilespmem:s0+$0x8620]  }
0x44: {  	s15 =	sadd.s32 $0x200, s15;
	v1 =	vld [tilespmem:s14+$0x630]  }
0x45: {  	v8 =	vld [tilespmem:s14+$0x4670]  }
0x46: {  	v9 =	vld [tilespmem:s14+$0x600];
	v0 =	vadd.f32 v2, v0;
	v5 =	vadd.f32 v5, v6  }
0x47: {  	v10 =	vld [tilespmem:s14+$0x4640];
	v2 =	vadd.f32 v3, v7  }
0x48: {  	v6 =	vld [tilespmem:s14+$0x8630];
	[tilespmem:s0+$0x18600] =	vst v5;
	v0 =	vadd.f32 v4, v0  }
0x49: {  	v3 =	vld [tilespmem:s14+$0x610];
	[tilespmem:s0+$0x18610] =	vst v2  }
0x4a: {  	v2 =	vld [tilespmem:s14+$0x4650];
	[tilespmem:s0+$0x18620] =	vst v0  }
0x4b: {  	v0 =	vadd.f32 v8, v1;
	v1 =	vld [tilespmem:s14+$0x620]  }
0x4c: {  	v4 =	vld [tilespmem:s14+$0x4660]  }
0x4d: {  	v5 =	vld [tilespmem:s14+$0x8600];
	v0 =	vadd.f32 v6, v0  }
0x4e: {  	v6 =	vld [tilespmem:s14+$0x8610]  }
0x4f: {  	[tilespmem:s14+$0x18630] =	vst v0;
	v0 =	vld [tilespmem:s14+$0x8620]  }
0x50: {  	v7 =	vadd.f32 v10, v9  }
0x51: {  	v2 =	vadd.f32 v2, v3  }
0x52: {  	v1 =	vadd.f32 v4, v1;
	v3 =	vadd.f32 v5, v7  }
0x53: {  	v2 =	vadd.f32 v6, v2  }
0x54: {  	[tilespmem:s14+$0x18600] =	vst v3;
	v0 =	vadd.f32 v0, v1  }
0x55: {  	s0 =	sshll.u32 s1, $0xC;
	[tilespmem:s14+$0x18610] =	vst v2  }
0x56: {  	p0 =	seq.s32 s31, $0x3F;
	s1 =	sadd.s32 s5, s0;
	[tilespmem:s14+$0x18620] =	vst v0  }
0x57: {  	[hbm4b:s1+s2] =	stream.linear.scatter [tilespmem:s26], [sflag:$0x4], $0x4000, $0x38;
	[tilespmem:$0x1C600] =	vst v63  }
0x58: {  	s1 =	sxor.u32 @!p0 $0xFFFFFFFF, s31  }
0x59: {  	s14 =	simm.s32 @!p0 $0x3;
	s1 =	sand.u32 @!p0 $0x1, s1  }
0x5a: {  	_ =	swait.ge @!p0 [sflag:s14], $0x300;
	s1 =	smul.u32 @!p0 $0xC00, s1  }
0x5b: {  	s15 =	simm.s32 @!p0 $0x600;
	[sflag:s14] =	ssyncset.done @!p0 $0x0  }
0x5c: {  	[sflag:s14] =	ssyncadd.s32 @!p0 $0xFFFFFD00;
	s14 =	simm.s32 @!p0 $0x80;
	s1 =	sshrl.u32 @!p0 s1, $0x2  }
0x5d: {  	[tilespmem:s15], [sflag:$0x1] =	stream.indirect.gather @!p0 [hbm4b:s3+s14], $0x80, s1, s14, $0xb8;
	[tilespmem:$0x1C600] =	vst v63  }
0x5e: {  	s16 =	simm.s32 @!p0 $0x4600;
	s15 =	sadd.s32 @!p0 $0x100, s1  }
0x5f: {  	[tilespmem:s16], [sflag:$0x1] =	stream.indirect.gather @!p0 [hbm4b:s3+s14], $0x80, s15, s14, $0xb8;
	[tilespmem:$0x1C600] =	vst v63  }
0x60: {  	p1 =	sgt.u32 s31, $0x3D;
	s1 =	sadd.s32 @!p0 $0x200, s1;
	s15 =	simm.s32 @!p0 $0x8600  }
0x61: {  	[tilespmem:s15], [sflag:$0x1] =	stream.indirect.gather @!p0 [hbm4b:s3+s14], $0x80, s1, s14, $0xb8;
	[tilespmem:$0x1C600] =	vst v63  }
0x62: {  	s1 =	sadd.s32 @!p1 s31, s9;
	s14 =	sand.u32 @!p1 $0x1, s31;
	s15 =	simm.s32 @!p1 $0x0  }
0x63: {  	_ =	swait.ge [sflag:s28], $0xC000;
	p2 =	seq.s32 @!p1 s14, $0x1;
	s1 =	smul.u32 @!p1 $0x60, s1  }
0x64: {  	s14 =	simm.s32 @!p1 $0x300;
	[sflag:s28] =	ssyncset.done $0x0;
	p2 =	por !p2, p1  }
0x65: {  	[sflag:s28] =	ssyncadd.s32 $0xFFFF4000;
	s14 =	simm.s32 @p2 $0x0;
	s1 =	sadd.s32 @!p1 s4, s1  }
0x66: {  	[tilespmem:s14], [sflag:$0x3] =	stream.linear.gather @!p1 [hbm4b:s1+s15], $0x300, $0x38;
	[tilespmem:$0x1C600] =	vst v63  }
0x67: {  	_ =	swait.ge [sflag:s29], $0x4000  }
0x68: {  	[sflag:s29] =	ssyncset.done $0x0  }
0x69: {  	s1 =	simm.s32 $0x0;
	[sflag:s29] =	ssyncadd.s32 $0xFFFFC000  }
0x6a: {  	v0 =	vld [tilespmem:s1+$0xC630]  }
0x6b: {  	v1 =	vld [tilespmem:s1+$0x10670]  }
0x6c: {  	v6 =	vld [tilespmem:s1+$0xC600]  }
0x6d: {  	v3 =	vld [tilespmem:s1+$0x14630]  }
0x6e: {  	v7 =	vld [tilespmem:s1+$0x10640]  }
0x6f: {  	v8 =	vld [tilespmem:s1+$0xC610]  }
0x70: {  	v63 =	vld [tilespmem:s1+$0x10650]  }
0x71: {  	v2 =	vld [tilespmem:s1+$0x10660];
	v1 =	vadd.f32 v1, v0  }
0x72: {  	v0 =	vld [tilespmem:s1+$0xC620]  }
0x73: {  	v5 =	vld [tilespmem:s1+$0x14600];
	v1 =	vadd.f32 v3, v1  }
0x74: {  	v3 =	vld [tilespmem:s1+$0x14610]  }
0x75: {  	s14 =	simm.s32 $0x80;
	v4 =	vld [tilespmem:s1+$0x14620];
	[tilespmem:s1+$0x18630] =	vst v1  }
0x76: {  	s15 =	simm.s32 $0x400;
	v6 =	vadd.f32 v7, v6;
	v7 =	vadd.f32 v63, v8;
	v1 =	vld [tilespmem:s14+$0xC630]  }
.LBB2_5:
0x77: {  	p1 =	sne.s32 s15, $0xFE00;
	v8 =	vld [tilespmem:s14+$0x10670];
	v0 =	vadd.f32 v2, v0  }
0x78: {  	v9 =	vld [tilespmem:s14+$0xC600];
	v2 =	vadd.f32 v5, v6  }
0x79: {  	v5 =	vld [tilespmem:s14+$0x14630];
	v3 =	vadd.f32 v3, v7  }
0x7a: {  	v6 =	vld [tilespmem:s14+$0x10640];
	[tilespmem:s1+$0x18600] =	vst v2;
	v0 =	vadd.f32 v4, v0  }
0x7b: {  	v4 =	vld [tilespmem:s14+$0xC610];
	[tilespmem:s1+$0x18610] =	vst v3  }
0x7c: {  	v7 =	vld [tilespmem:s14+$0x10650];
	v1 =	vadd.f32 v8, v1;
	[tilespmem:s1+$0x18620] =	vst v0;
	s1 =	smov.u32 s14  }
0x7d: {  	v0 =	vld [tilespmem:s1+$0xC620]  }
.Ltmp3:
0x7e: {  	v2 =	vld [tilespmem:s1+$0x10660];
	v1 =	vadd.f32 v5, v1;
	(pc) =	sbr.rel @p1 .LBB2_5-.Ltmp3, $4  }
0x7f: {  	v6 =	vadd.f32 v6, v9;
	v5 =	vld [tilespmem:s1+$0x14600]  }
0x80: {  	v3 =	vld [tilespmem:s1+$0x14610];
	[tilespmem:s1+$0x18630] =	vst v1  }
0x81: {  	s14 =	sshra.s32 s15, $0x2;
	v7 =	vadd.f32 v7, v4;
	v4 =	vld [tilespmem:s1+$0x14620]  }
0x82: {  	s15 =	sadd.s32 $0x200, s15;
	v1 =	vld [tilespmem:s14+$0xC630]  }
0x83: {  	v8 =	vld [tilespmem:s14+$0x10670]  }
0x84: {  	v9 =	vld [tilespmem:s14+$0xC600];
	v0 =	vadd.f32 v2, v0;
	v5 =	vadd.f32 v5, v6  }
0x85: {  	v54 =	vld [tilespmem:s14+$0x14630];
	v55 =	vadd.f32 v3, v7  }
0x86: {  	v10 =	vld [tilespmem:s14+$0x10640];
	[tilespmem:s1+$0x18600] =	vst v5;
	v0 =	vadd.f32 v4, v0  }
0x87: {  	v56 =	vld [tilespmem:s14+$0xC610];
	[tilespmem:s1+$0x18610] =	vst v55  }
0x88: {  	v2 =	vld [tilespmem:s14+$0x10650];
	[tilespmem:s1+$0x18620] =	vst v0  }
0x89: {  	v58 =	vld [tilespmem:s14+$0xC620]  }
0x8a: {  	v59 =	vld [tilespmem:s14+$0x10660]  }
0x8b: {  	v5 =	vld [tilespmem:s14+$0x14600]  }
0x8c: {  	v60 =	vld [tilespmem:s14+$0x14610]  }
0x8d: {  	v57 =	vadd.f32 v8, v1;
	v61 =	vld [tilespmem:s14+$0x14620]  }
0x8e: {  	v62 =	vadd.f32 v10, v9  }
0x8f: {  	v0 =	vadd.f32 v54, v57;
	v2 =	vadd.f32 v2, v56  }
0x90: {  	v1 =	vadd.f32 v59, v58;
	v63 =	vadd.f32 v5, v62  }
.Ltmp4:
0x91: {  	[tilespmem:s14+$0x18630] =	vst v0;
	v2 =	vadd.f32 v60, v2;
	(pc) =	sbr.rel @p0 .LBB2_8-.Ltmp4, $4  }
0x92: {  	[tilespmem:s14+$0x18600] =	vst v63;
	v0 =	vadd.f32 v61, v1  }
0x93: {  	[tilespmem:s14+$0x18610] =	vst v2  }
0x94: {  	s0 =	sadd.s32 s0, s10;
	[tilespmem:s14+$0x18620] =	vst v0  }
0x95: {  	[hbm4b:s0+s2] =	stream.linear.scatter [tilespmem:s26], [sflag:$0x4], $0x4000, $0x38;
	[tilespmem:$0x1C600] =	vst v63  }
0x96: {  	s0 =	sxor.u32 $0xFFFFFFFF, s31  }
0x97: {  	s0 =	sand.u32 $0x1, s0  }
0x98: {  	s0 =	smul.u32 $0xC00, s0;
	_ =	sdelay $0x1  }
0x99: {  	s0 =	sshrl.u32 s0, $0x2  }
0x9a: {  	s1 =	sor.u32 $0x80, s0  }
0x9b: {  	[tilespmem:s19], [sflag:$0x2] =	stream.indirect.gather [hbm4b:s3+s13], $0x80, s1, s13, $0xb8;
	[tilespmem:$0x1C600] =	vst v63  }
.Ltmp5:
0x9c: {  	_ = 	snop;
	(pc) =	sbr.rel .LBB2_2-.Ltmp5, $4  }
0x9d: {  	s16 =	sadd.s32 $0x180, s0  }
0x9e: {  	[tilespmem:s21], [sflag:$0x2] =	stream.indirect.gather [hbm4b:s3+s13], $0x80, s16, s13, $0xb8;
	[tilespmem:$0x1C600] =	vst v63  }
0x9f: {  	s31 =	sadd.s32 $0x1, s31;
	s0 =	sadd.s32 $0x280, s0  }
0xa0: {  	[tilespmem:s23], [sflag:$0x2] =	stream.indirect.gather [hbm4b:s3+s13], $0x80, s0, s13, $0xb8;
	[tilespmem:$0x1C600] =	vst v63  }
.LBB2_9:
0xa1: {  	_ =	sfence.sel $0x180000  }
0xa2: {  	[bflag:$0x0] =	sbarrier.arrive $0xFFFF  }
0xa3: {  	_ =	strace $0x90000047  }
0xa4: {  	s0 =	stileid.u32;
	[bflag:$0x2] =	sbarrier.arrive $0xFFFF  }
0xa5: {  	p0 =	sne.s32 s0, $0x0;
	s0 =	rddreg [dreg:$0x1]  }
0xa6: {  	s0 =	sadd.s32 @!p0 $0x100000, s0  }
0xa7: {  	[sflag:s0] =	ssyncadd.tile.s32 @!p0 $0x1;
	_ =	shalt  }
.Lfunc_end2:
_tile_overlayer_lowered:
.L_overlay_start_2:
0xa8: {  	(tag) =	ssettag $0x2  }
0xa9: {  	s0 =	rddreg [dreg:$0x0];
	s2 =	stileid.u32  }
0xaa: {  	s1 =	rddreg [dreg:$0x1];
	p0 =	sne.s32 s2, $0x0  }
0xab: {  	s3 =	rddreg [dreg:$0x2];
	[bflag:$0x3] =	sbarrier.arrive $0xFFFF;
	s2 =	simm.s32 @!p0 $0x1C05  }
0xac: {  	[timem:s3], [sflag:s2] =	dma.local @!p0 [hbm:s0], s1  }
0xad: {  	s0 =	simm.s32 @!p0 $0x5  }
0xae: {  	_ =	swait.ge @!p0 [sflag:s0], s1  }
0xaf: {  	s1 =	ssub.s32 @!p0 $0x0, s1;
	[sflag:s0] =	ssyncset.done @!p0 $0x0  }
0xb0: {  	[sflag:s0] =	ssyncadd.s32 @!p0 s1  }
0xb1: {  	[bflag:$0x3] =	sbarrier.arrive $0xFFFF  }
0xb2: {  	_ =	shalt  }

</sc_bundles>
